<compile_context>
chip_gen: v7x
topology: tpu7x:2x2x1
jax: 0.10.2.dev20260603
libtpu: 0.0.44.dev20260713+nightly
codegen_flags: <defaults>
</compile_context>

<pallas_src>
import functools

import jax
import jax.numpy as jnp
from jax import lax
from jax.experimental import pallas as pl
from jax.experimental.pallas import tpu as pltpu
from jax.experimental.pallas import tpu_sc as plsc

NC, NS, L = 2, 16, 16
NW = NC * NS

F32 = jnp.float32


def _mesh():
    return plsc.VectorSubcoreMesh(
        core_axis_name="c", subcore_axis_name="s", num_cores=NC, num_subcores=NS
    )


def _make_gather(V, D, B, C):
    NCH = B // (NW * C)
    assert NCH * NW * C == B and C % 8 == 0 and C <= 128

    @functools.partial(
        pl.kernel,
        out_type=jax.ShapeDtypeStruct((B, D), F32),
        mesh=_mesh(),
        scratch_types=[
            pltpu.VMEM((NCH, C), jnp.int32),
            pltpu.VMEM((C, D), F32),
            pltpu.SemaphoreType.DMA,
        ],
    )
    def k(table_hbm, idx_hbm, out_hbm, idx_v, rows_v, sem):
        wid = lax.axis_index("c") * NS + lax.axis_index("s")
        pltpu.sync_copy(idx_hbm.at[wid], idx_v)

        def body(j, carry):
            pltpu.async_copy(table_hbm.at[idx_v.at[j]], rows_v, sem).wait()
            pltpu.sync_copy(rows_v, out_hbm.at[pl.ds((wid * NCH + j) * C, C)])
            return carry

        lax.fori_loop(0, NCH, body, 0)

    return k


def _make_segsum(Vt, Vp, E, C, NCH0, NCH1):
    NB = 8
    RPT = Vp // NS
    assert (NCH0 + NCH1) * NS * C == E and RPT * NS == Vp
    assert C % 8 == 0 and C <= 128 and NB % 2 == 0
    assert NCH0 % NB == 0 and NCH1 % NB == 0

    @functools.partial(
        pl.kernel,
        out_type=jax.ShapeDtypeStruct((NC, Vp, 128), F32),
        mesh=_mesh(),
        scratch_types=[
            pltpu.VMEM((NB, C), jnp.int32),
            pltpu.VMEM((NB, C), jnp.int32),
            pltpu.VMEM((C, 128), F32),
            pltpu.VMEM((C, 128), F32),
            pltpu.VMEM_SHARED((Vp, 128), F32),
            pltpu.SemaphoreType.DMA,
            pltpu.SemaphoreType.DMA,
        ],
    )
    def k(h_hbm, src_hbm, dst_hbm, z128_hbm, agg_hbm,
          src_v, dst_v, rows0_v, rows1_v, acc_sh, sem0, sem1):
        c = lax.axis_index("c")
        s = lax.axis_index("s")
        nch = jnp.where(c == 0, NCH0, NCH1)
        base = c * NS * NCH0 + s * nch
        pltpu.sync_copy(z128_hbm, acc_sh.at[pl.ds(s * RPT, RPT)])
        plsc.subcore_barrier()

        def group(g, carry):
            pltpu.sync_copy(src_hbm.at[pl.ds(base + g * NB, NB)], src_v)
            pltpu.sync_copy(dst_hbm.at[pl.ds(base + g * NB, NB)], dst_v)
            d0 = pltpu.async_copy(h_hbm.at[src_v.at[0]], rows0_v, sem0)

            def pair(t, carry2):
                pltpu.async_copy(h_hbm.at[src_v.at[2 * t + 1]], rows1_v, sem1)
                d0.wait()
                pltpu.sync_copy(rows0_v, acc_sh.at[dst_v.at[2 * t]], add=True)

                @pl.when(t < NB // 2 - 1)
                def _():
                    pltpu.async_copy(h_hbm.at[src_v.at[2 * t + 2]], rows0_v,
                                     sem0)

                d1 = pltpu.make_async_copy(h_hbm.at[src_v.at[0]], rows1_v,
                                           sem1)
                d1.wait()
                pltpu.sync_copy(rows1_v, acc_sh.at[dst_v.at[2 * t + 1]],
                                add=True)
                return carry2

            lax.fori_loop(0, NB // 2, pair, carry)
            return carry

        lax.fori_loop(0, nch // NB, group, 0)
        plsc.subcore_barrier()
        pltpu.sync_copy(acc_sh.at[pl.ds(s * RPT, RPT)],
                        agg_hbm.at[c].at[pl.ds(s * RPT, RPT)])

    return k


def _make_cnt(Vp, E, C):
    NB = 16
    NCH = E // (NW * C)
    NG = NCH // NB
    RPT = Vp // NS
    assert NCH * NW * C == E and RPT * NS == Vp and NG * NB == NCH

    @functools.partial(
        pl.kernel,
        out_type=jax.ShapeDtypeStruct((NC, Vp, 128), F32),
        mesh=_mesh(),
        scratch_types=[
            pltpu.VMEM((NB, C), jnp.int32),
            pltpu.VMEM((C, 128), F32),
            pltpu.VMEM_SHARED((Vp, 128), F32),
        ],
    )
    def k(dst_hbm, z128_hbm, ones_hbm, cnt_hbm, dst_v, ones_v, cac_sh):
        c = lax.axis_index("c")
        s = lax.axis_index("s")
        wid = c * NS + s
        pltpu.sync_copy(ones_hbm, ones_v)
        pltpu.sync_copy(z128_hbm, cac_sh.at[pl.ds(s * RPT, RPT)])
        plsc.subcore_barrier()

        def group(g, carry):
            pltpu.sync_copy(dst_hbm.at[pl.ds(wid * NCH + g * NB, NB)], dst_v)

            def body(j, carry2):
                pltpu.sync_copy(ones_v, cac_sh.at[dst_v.at[j]], add=True)
                return carry2

            lax.fori_loop(0, NB, body, carry)
            return carry

        lax.fori_loop(0, NG, group, 0)
        plsc.subcore_barrier()
        pltpu.sync_copy(cac_sh.at[pl.ds(s * RPT, RPT)],
                        cnt_hbm.at[c].at[pl.ds(s * RPT, RPT)])

    return k


def _layer1(aggp, cntp, h0, wl_t, wr_t, b):
    Np = h0.shape[0]
    BR = 512

    def body(aggp_ref, cntp_ref, h0_ref, wl_ref, wr_ref, b_ref, out_ref):
        agg = aggp_ref[0] + aggp_ref[1]
        cnt = cntp_ref[0, :, 0] + cntp_ref[1, :, 0]
        rcp = 1.0 / jnp.maximum(cnt, 1.0)
        mean = agg * rcp[:, None]
        h = (jnp.dot(mean, wl_ref[...], preferred_element_type=F32)
             + jnp.dot(h0_ref[...], wr_ref[...], preferred_element_type=F32)
             + b_ref[...])
        out_ref[0] = jnp.maximum(h, 0.0)
        out_ref[1] = jnp.broadcast_to(rcp[:, None], (BR, 128))

    return pl.pallas_call(
        body,
        grid=(Np // BR,),
        in_specs=[
            pl.BlockSpec((NC, BR, 128), lambda i: (0, i, 0)),
            pl.BlockSpec((NC, BR, 128), lambda i: (0, i, 0)),
            pl.BlockSpec((BR, 128), lambda i: (i, 0)),
            pl.BlockSpec((128, 128), lambda i: (0, 0)),
            pl.BlockSpec((128, 128), lambda i: (0, 0)),
            pl.BlockSpec((1, 128), lambda i: (0, 0)),
        ],
        out_specs=pl.BlockSpec((2, BR, 128), lambda i: (0, i, 0)),
        out_shape=jax.ShapeDtypeStruct((2, Np, 128), F32),
    )(aggp, cntp, h0, wl_t, wr_t, b)


def _layer2(agg0, agg1, rcpm, h1m, wl_t, wr_t, b):
    B, Kp = h1m.shape[0], wl_t.shape[1]
    BR = 256

    def body(a0_ref, a1_ref, r_ref, h_ref, wl_ref, wr_ref, b_ref, out_ref):
        mean = (a0_ref[...] + a1_ref[...]) * r_ref[...]
        logits = (jnp.dot(mean, wl_ref[...], preferred_element_type=F32)
                  + jnp.dot(h_ref[...], wr_ref[...], preferred_element_type=F32)
                  + b_ref[...])
        m = jnp.max(logits, axis=1, keepdims=True)
        z = logits - m
        lse = jnp.log(jnp.sum(jnp.exp(z), axis=1, keepdims=True))
        out_ref[...] = z - lse

    return pl.pallas_call(
        body,
        grid=(B // BR,),
        in_specs=[
            pl.BlockSpec((BR, 128), lambda i: (i, 0)),
            pl.BlockSpec((BR, 128), lambda i: (i, 0)),
            pl.BlockSpec((BR, 128), lambda i: (i, 0)),
            pl.BlockSpec((BR, 128), lambda i: (i, 0)),
            pl.BlockSpec((128, Kp), lambda i: (0, 0)),
            pl.BlockSpec((128, Kp), lambda i: (0, 0)),
            pl.BlockSpec((1, Kp), lambda i: (0, 0)),
        ],
        out_specs=pl.BlockSpec((BR, Kp), lambda i: (i, 0)),
        out_shape=jax.ShapeDtypeStruct((B, Kp), F32),
    )(agg0, agg1, rcpm, h1m, wl_t, wr_t, b)


def kernel(x, edge_index, mask_x_position, emb, W1_l, W1_r, b1, W2_l, W2_r, b2):
    V, D = emb.shape
    N = x.shape[0]
    E = edge_index.shape[1]
    M = mask_x_position.shape[0]
    K = W2_l.shape[0]
    Np = 10240
    Kp = 10240
    CE = 128
    Ep = 327680
    CG = 80

    xi = x[:, 0].astype(jnp.int32)
    xi_pad = jnp.concatenate([xi, jnp.zeros((Np - N,), jnp.int32)])
    src_pad = jnp.concatenate(
        [edge_index[0].astype(jnp.int32), jnp.zeros((Ep - E,), jnp.int32)])
    dst_pad = jnp.concatenate(
        [edge_index[1].astype(jnp.int32),
         jnp.full((Ep - E,), N, jnp.int32)])
    src2d = src_pad.reshape(Ep // CE, CE)
    dst2d = dst_pad.reshape(Ep // CE, CE)
    mask = mask_x_position.astype(jnp.int32)

    z128 = jnp.zeros((Np // NS, 128), F32)
    ones = jnp.ones((CE, 128), F32)

    NCH0, NCH1 = 152, 8

    gather_nodes = _make_gather(V, D, Np, CG)
    segsum = _make_segsum(Np, Np, Ep, CE, NCH0, NCH1)
    cntk = _make_cnt(Np, Ep, CE)
    gather_m2 = _make_gather(NC * Np, D, NC * M, NC * M // NW)

    h0 = gather_nodes(emb, xi_pad.reshape(NW, Np // (NW * CG), CG))
    cntp1 = cntk(dst2d, z128, ones)

    aggp1 = segsum(h0, src2d, dst2d, z128)
    hr = _layer1(aggp1, cntp1, h0, W1_l.T, W1_r.T, b1.reshape(1, 128))
    hr2d = hr.reshape(2 * Np, D)

    aggp2 = segsum(hr2d, src2d, dst2d, z128)

    mask2 = jnp.concatenate([mask, mask + Np])
    hm = gather_m2(hr2d, mask2.reshape(NW, 1, NC * M // NW))
    aggm = gather_m2(aggp2.reshape(NC * Np, D),
                     mask2.reshape(NW, 1, NC * M // NW))

    out = _layer2(aggm[:M], aggm[M:], hm[M:], hm[:M],
                  W2_l.T, W2_r.T, b2.reshape(1, K))
    return out

# --- scband reference (transcript-rebuilt; emitter-appended) ---
"""Pipeline reference for scband-sage-13237089207003 (READ-ONLY COPY).

The authoritative reference and input builder live on the scoring server;
editing this copy changes nothing except your own understanding.
"""

import jax, jax.numpy as jnp
import numpy as np

N_NODES = 10000
N_EDGES = 320000
DICT = 10000
NODE_DIM = 128
HID = 128


def setup_inputs(seed: int = 0) -> dict:
    key = jax.random.key(seed)
    ks = jax.random.split(key, 12)
    x = jax.random.randint(ks[0], (N_NODES, 1), 0, DICT, dtype=jnp.int64) if jax.config.read('jax_enable_x64') else jax.random.randint(ks[0], (N_NODES, 1), 0, DICT).astype(jnp.int32)
    edge_index = jax.random.randint(ks[1], (2, N_EDGES), 0, N_NODES).astype(jnp.int32)
    mask_x_position = jax.random.randint(ks[2], (1024,), 0, N_NODES).astype(jnp.int32)
    emb = jax.random.normal(ks[3], (DICT, NODE_DIM), dtype=jnp.float32) * (NODE_DIM ** -0.5)
    s1 = 1.0 / np.sqrt(NODE_DIM)
    W1_l = jax.random.uniform(ks[4], (HID, NODE_DIM), jnp.float32, -s1, s1)
    W1_r = jax.random.uniform(ks[5], (HID, NODE_DIM), jnp.float32, -s1, s1)
    b1 = jax.random.uniform(ks[6], (HID,), jnp.float32, -s1, s1)
    s2 = 1.0 / np.sqrt(HID)
    W2_l = jax.random.uniform(ks[7], (DICT, HID), jnp.float32, -s2, s2)
    W2_r = jax.random.uniform(ks[8], (DICT, HID), jnp.float32, -s2, s2)
    b2 = jax.random.uniform(ks[9], (DICT,), jnp.float32, -s2, s2)
    return {"x": x, "edge_index": edge_index, "mask_x_position": mask_x_position,
            "emb": emb, "W1_l": W1_l, "W1_r": W1_r, "b1": b1,
            "W2_l": W2_l, "W2_r": W2_r, "b2": b2}


def _sage_conv(h, edge_index, W_l, W_r, b):
    # PyG SAGEConv (mean aggregation): out = lin_l(mean_j h_j) + lin_r(h_i)
    n = h.shape[0]
    src = edge_index[0]
    dst = edge_index[1]
    msgs = jnp.take(h, src, axis=0)
    agg = jax.ops.segment_sum(msgs, dst, num_segments=n)
    cnt = jax.ops.segment_sum(jnp.ones((edge_index.shape[1],), dtype=h.dtype), dst, num_segments=n)
    agg = agg / jnp.clip(cnt, 1.0)[:, None]
    return agg @ W_l.T + h @ W_r.T + b


def reference(x, edge_index, mask_x_position, emb, W1_l, W1_r, b1, W2_l, W2_r, b2):
    # node_embedding_layer(x).squeeze(1)
    h = jnp.squeeze(jnp.take(emb, x, axis=0), axis=1)
    # dropout is identity in eval mode
    h = _sage_conv(h, edge_index, W1_l, W1_r, b1)
    h = jax.nn.relu(h)
    h = _sage_conv(h, edge_index, W2_l, W2_r, b2)
    out = jax.nn.log_softmax(jnp.take(h, mask_x_position, axis=0), axis=1)
    return out

if __name__ == "__main__":
    import jax
    _d = setup_inputs()
    print(jax.jit(kernel)(*tuple(_d.values())))

</pallas_src>

<mosaic_0001>
#map = affine_map<(d0, d1) -> (0, 0)>
#map1 = affine_map<(d0, d1) -> (0, 0, 0)>
module attributes {stable_mosaic.version = 14 : i64} {
  func.func @k(%arg0: i32, %arg1: i32, %arg2: memref<10000x128xf32, #tpu.memory_space<hbm>>, %arg3: memref<32x4x80xi32, #tpu.memory_space<hbm>>, %arg4: memref<10240x128xf32, #tpu.memory_space<hbm>>, %arg5: memref<4x80xi32, #tpu.memory_space<vmem>>, %arg6: memref<80x128xf32, #tpu.memory_space<vmem>>, %arg7: memref<!tpu.dma_semaphore, #tpu.memory_space<semaphore_mem>>) attributes {dimension_semantics = [#tpu.dimension_semantics<core_parallel>, #tpu.dimension_semantics<subcore_parallel>], iteration_bounds = array<i64: 2, 16>, scalar_prefetch = 0 : i64, scratch_operands = 3 : i64, tpu.core_type = #tpu.core_type<sc_vector_subcore>, window_params = [{transform_indices = #map}, {transform_indices = #map1}, {transform_indices = #map}]} {
    %mul3A = arith.constant 16 : i32
    %mul3A_0 = arith.muli %arg0, %mul3A : i32
    %add3A = arith.addi %mul3A_0, %arg1 : i32
    "tpu.region"() ({
      %run_scoped3A = tpu.sem_alloc : memref<!tpu.dma_semaphore, #tpu.memory_space<semaphore_mem>>
      %dma_start3A = arith.constant 0 : i32
      %dma_start3A_6 = arith.constant 0 : i32
      %dma_start3A_7 = tpu.memref_slice %arg3[%add3A, %dma_start3A, %dma_start3A_6] : memref<32x4x80xi32, #tpu.memory_space<hbm>> -> memref<1x4x80xi32, #tpu.memory_space<hbm>>
      %dma_start3A_8 = tpu.memref_squeeze %dma_start3A_7 : memref<1x4x80xi32, #tpu.memory_space<hbm>> -> memref<4x80xi32, #tpu.memory_space<hbm>>
      %dma_start3A_9 = arith.constant 0 : i32
      %dma_start3A_10 = arith.constant 0 : i32
      %dma_start3A_11 = tpu.memref_slice %arg3[%add3A, %dma_start3A_9, %dma_start3A_10] : memref<32x4x80xi32, #tpu.memory_space<hbm>> -> memref<1x4x80xi32, #tpu.memory_space<hbm>>
      %dma_start3A_12 = tpu.memref_squeeze %dma_start3A_11 : memref<1x4x80xi32, #tpu.memory_space<hbm>> -> memref<4x80xi32, #tpu.memory_space<hbm>>
      tpu.enqueue_dma source(%dma_start3A_12 : memref<4x80xi32, #tpu.memory_space<hbm>>) target(%arg5 : memref<4x80xi32, #tpu.memory_space<vmem>>) target_semaphore(%run_scoped3A : memref<!tpu.dma_semaphore, #tpu.memory_space<semaphore_mem>>)
      %dma_wait3A = arith.constant 0 : i32
      %dma_wait3A_13 = arith.constant 0 : i32
      %dma_wait3A_14 = tpu.memref_slice %arg3[%add3A, %dma_wait3A, %dma_wait3A_13] : memref<32x4x80xi32, #tpu.memory_space<hbm>> -> memref<1x4x80xi32, #tpu.memory_space<hbm>>
      %dma_wait3A_15 = tpu.memref_squeeze %dma_wait3A_14 : memref<1x4x80xi32, #tpu.memory_space<hbm>> -> memref<4x80xi32, #tpu.memory_space<hbm>>
      %dma_wait3A_16 = arith.constant 0 : i32
      %dma_wait3A_17 = arith.constant 0 : i32
      %dma_wait3A_18 = tpu.memref_slice %arg3[%add3A, %dma_wait3A_16, %dma_wait3A_17] : memref<32x4x80xi32, #tpu.memory_space<hbm>> -> memref<1x4x80xi32, #tpu.memory_space<hbm>>
      %dma_wait3A_19 = tpu.memref_squeeze %dma_wait3A_18 : memref<1x4x80xi32, #tpu.memory_space<hbm>> -> memref<4x80xi32, #tpu.memory_space<hbm>>
      tpu.wait_dma2 semaphore(%run_scoped3A : memref<!tpu.dma_semaphore, #tpu.memory_space<semaphore_mem>>) src(%dma_wait3A_19 : memref<4x80xi32, #tpu.memory_space<hbm>>) dst(%arg5 : memref<4x80xi32, #tpu.memory_space<vmem>>)
      tpu.yield
    }) : () -> ()
    %scan3A = arith.constant 0 : i32
    %scan3A_1 = arith.constant 0 : i32
    %scan3A_2 = arith.constant 4 : i32
    %scan3A_3 = arith.addi %scan3A_1, %scan3A_2 : i32
    %scan3A_4 = arith.constant 1 : i32
    scf.for %scan3A_6 = %scan3A_1 to %scan3A_3 step %scan3A_4  : i32 {
      %dma_start3A = arith.constant 0 : i32
      %dma_start3A_7 = tpu.memref_slice %arg5[%scan3A_6, %dma_start3A] : memref<4x80xi32, #tpu.memory_space<vmem>> -> memref<1x80xi32, #tpu.memory_space<vmem>>
      %dma_start3A_8 = tpu.memref_squeeze %dma_start3A_7 : memref<1x80xi32, #tpu.memory_space<vmem>> -> memref<80xi32, #tpu.memory_space<vmem>>
      %dma_start3A_9 = arith.constant 0 : i32
      %dma_start3A_10 = arith.constant 0 : i32
      %dma_start3A_11 = tpu.memref_slice %arg2[%dma_start3A_9, %dma_start3A_10] : memref<10000x128xf32, #tpu.memory_space<hbm>> -> memref<10000x128xf32, #tpu.memory_space<hbm>>
      tpu.enqueue_indirect_dma source(%dma_start3A_11 : memref<10000x128xf32, #tpu.memory_space<hbm>>) target(%arg6 : memref<80x128xf32, #tpu.memory_space<vmem>>) offsets(%dma_start3A_8 : memref<80xi32, #tpu.memory_space<vmem>>) semaphore(%arg7 : memref<!tpu.dma_semaphore, #tpu.memory_space<semaphore_mem>>)
      %dma_wait3A = arith.constant 0 : i32
      %dma_wait3A_12 = tpu.memref_slice %arg5[%scan3A_6, %dma_wait3A] : memref<4x80xi32, #tpu.memory_space<vmem>> -> memref<1x80xi32, #tpu.memory_space<vmem>>
      %dma_wait3A_13 = tpu.memref_squeeze %dma_wait3A_12 : memref<1x80xi32, #tpu.memory_space<vmem>> -> memref<80xi32, #tpu.memory_space<vmem>>
      %dma_wait3A_14 = arith.constant 0 : i32
      %dma_wait3A_15 = arith.constant 0 : i32
      %dma_wait3A_16 = tpu.memref_slice %arg2[%dma_wait3A_14, %dma_wait3A_15] : memref<10000x128xf32, #tpu.memory_space<hbm>> -> memref<10000x128xf32, #tpu.memory_space<hbm>>
      tpu.wait_indirect_dma semaphore(%arg7 : memref<!tpu.dma_semaphore, #tpu.memory_space<semaphore_mem>>) src(%dma_wait3A_16 : memref<10000x128xf32, #tpu.memory_space<hbm>>) dst(%arg6 : memref<80x128xf32, #tpu.memory_space<vmem>>)
      %mul3A_17 = arith.constant 4 : i32
      %mul3A_18 = arith.muli %add3A, %mul3A_17 : i32
      %add3A_19 = arith.addi %mul3A_18, %scan3A_6 : i32
      %mul3A_20 = arith.constant 80 : i32
      %mul3A_21 = arith.muli %add3A_19, %mul3A_20 : i32
      "tpu.region"() ({
        %run_scoped3A = tpu.sem_alloc : memref<!tpu.dma_semaphore, #tpu.memory_space<semaphore_mem>>
        %dma_start3A_22 = arith.constant 0 : i32
        %dma_start3A_23 = tpu.memref_slice %arg4[%mul3A_21, %dma_start3A_22] : memref<10240x128xf32, #tpu.memory_space<hbm>> -> memref<80x128xf32, #tpu.memory_space<hbm>>
        %dma_start3A_24 = arith.constant 0 : i32
        %dma_start3A_25 = tpu.memref_slice %arg4[%mul3A_21, %dma_start3A_24] : memref<10240x128xf32, #tpu.memory_space<hbm>> -> memref<80x128xf32, #tpu.memory_space<hbm>>
        tpu.enqueue_dma source(%arg6 : memref<80x128xf32, #tpu.memory_space<vmem>>) target(%dma_start3A_25 : memref<80x128xf32, #tpu.memory_space<hbm>>) target_semaphore(%run_scoped3A : memref<!tpu.dma_semaphore, #tpu.memory_space<semaphore_mem>>)
        %dma_wait3A_26 = arith.constant 0 : i32
        %dma_wait3A_27 = tpu.memref_slice %arg4[%mul3A_21, %dma_wait3A_26] : memref<10240x128xf32, #tpu.memory_space<hbm>> -> memref<80x128xf32, #tpu.memory_space<hbm>>
        %dma_wait3A_28 = arith.constant 0 : i32
        %dma_wait3A_29 = tpu.memref_slice %arg4[%mul3A_21, %dma_wait3A_28] : memref<10240x128xf32, #tpu.memory_space<hbm>> -> memref<80x128xf32, #tpu.memory_space<hbm>>
        tpu.wait_dma2 semaphore(%run_scoped3A : memref<!tpu.dma_semaphore, #tpu.memory_space<semaphore_mem>>) src(%arg6 : memref<80x128xf32, #tpu.memory_space<vmem>>) dst(%dma_wait3A_29 : memref<80x128xf32, #tpu.memory_space<hbm>>)
        tpu.yield
      }) : () -> ()
    }
    %scan3A_5 = arith.constant 4 : i32
    return
  }
}

#map = affine_map<(d0, d1) -> (0, 0)>
#map1 = affine_map<(d0, d1) -> (0, 0, 0)>
module attributes {stable_mosaic.version = 14 : i64} {
  func.func @k(%arg0: i32, %arg1: i32, %arg2: memref<20480x128xf32, #tpu.memory_space<hbm>>, %arg3: memref<2560x128xi32, #tpu.memory_space<hbm>>, %arg4: memref<2560x128xi32, #tpu.memory_space<hbm>>, %arg5: memref<640x128xf32, #tpu.memory_space<hbm>>, %arg6: memref<2x10240x128xf32, #tpu.memory_space<hbm>>, %arg7: memref<8x128xi32, #tpu.memory_space<vmem>>, %arg8: memref<8x128xi32, #tpu.memory_space<vmem>>, %arg9: memref<128x128xf32, #tpu.memory_space<vmem>>, %arg10: memref<128x128xf32, #tpu.memory_space<vmem>>, %arg11: memref<10240x128xf32, #tpu.memory_space<vmem_shared>>, %arg12: memref<!tpu.dma_semaphore, #tpu.memory_space<semaphore_mem>>, %arg13: memref<!tpu.dma_semaphore, #tpu.memory_space<semaphore_mem>>) attributes {dimension_semantics = [#tpu.dimension_semantics<core_parallel>, #tpu.dimension_semantics<subcore_parallel>], iteration_bounds = array<i64: 2, 16>, scalar_prefetch = 0 : i64, scratch_operands = 7 : i64, tpu.core_type = #tpu.core_type<sc_vector_subcore>, window_params = [{transform_indices = #map}, {transform_indices = #map}, {transform_indices = #map}, {transform_indices = #map}, {transform_indices = #map1}]} {
    %eq3A = arith.constant 0 : i32
    %eq3A_0 = arith.cmpi eq, %arg0, %eq3A : i32
    %jit3A = arith.constant 152 : i32
    %jit3A_1 = arith.constant 8 : i32
    %select_n3A = arith.select %eq3A_0, %jit3A, %jit3A_1 : i32
    %mul3A = arith.constant 16 : i32
    %mul3A_2 = arith.muli %arg0, %mul3A : i32
    %mul3A_3 = arith.constant 152 : i32
    %mul3A_4 = arith.muli %mul3A_2, %mul3A_3 : i32
    %mul3A_5 = arith.muli %arg1, %select_n3A : i32
    %add3A = arith.addi %mul3A_4, %mul3A_5 : i32
    %mul3A_6 = arith.constant 640 : i32
    %mul3A_7 = arith.muli %arg1, %mul3A_6 : i32
    "tpu.region"() ({
      %run_scoped3A = tpu.sem_alloc : memref<!tpu.dma_semaphore, #tpu.memory_space<semaphore_mem>>
      %dma_start3A = arith.constant 0 : i32
      %dma_start3A_40 = tpu.memref_slice %arg11[%mul3A_7, %dma_start3A] : memref<10240x128xf32, #tpu.memory_space<vmem_shared>> -> memref<640x128xf32, #tpu.memory_space<vmem_shared>>
      tpu.enqueue_dma source(%arg5 : memref<640x128xf32, #tpu.memory_space<hbm>>) target(%dma_start3A_40 : memref<640x128xf32, #tpu.memory_space<vmem_shared>>) target_semaphore(%run_scoped3A : memref<!tpu.dma_semaphore, #tpu.memory_space<semaphore_mem>>)
      %dma_wait3A = arith.constant 0 : i32
      %dma_wait3A_41 = tpu.memref_slice %arg11[%mul3A_7, %dma_wait3A] : memref<10240x128xf32, #tpu.memory_space<vmem_shared>> -> memref<640x128xf32, #tpu.memory_space<vmem_shared>>
      tpu.wait_dma2 semaphore(%run_scoped3A : memref<!tpu.dma_semaphore, #tpu.memory_space<semaphore_mem>>) src(%arg5 : memref<640x128xf32, #tpu.memory_space<hbm>>) dst(%dma_wait3A_41 : memref<640x128xf32, #tpu.memory_space<vmem_shared>>)
      tpu.yield
    }) : () -> ()
    %barrier3A = arith.constant 0 : index
    tpu.barrier barrier_id(%barrier3A)
    %jit3A_8 = arith.constant 8 : i32
    %div3A = arith.divsi %select_n3A, %jit3A_8 : i32
    %sign3A = arith.constant 0 : i32
    %sign3A_9 = arith.cmpi sgt, %select_n3A, %sign3A : i32
    %sign3A_10 = arith.extui %sign3A_9 : i1 to i32
    %sign3A_11 = arith.constant 0 : i32
    %sign3A_12 = arith.cmpi slt, %select_n3A, %sign3A_11 : i32
    %sign3A_13 = arith.extui %sign3A_12 : i1 to i32
    %sign3A_14 = arith.subi %sign3A_10, %sign3A_13 : i32
    %sign3A_15 = arith.constant 0 : i32
    %sign3A_16 = arith.cmpi sgt, %jit3A_8, %sign3A_15 : i32
    %sign3A_17 = arith.extui %sign3A_16 : i1 to i32
    %sign3A_18 = arith.constant 0 : i32
    %sign3A_19 = arith.cmpi slt, %jit3A_8, %sign3A_18 : i32
    %sign3A_20 = arith.extui %sign3A_19 : i1 to i32
    %sign3A_21 = arith.subi %sign3A_17, %sign3A_20 : i32
    %ne3A = arith.cmpi ne, %sign3A_14, %sign3A_21 : i32
    %rem3A = arith.remsi %select_n3A, %jit3A_8 : i32
    %ne3A_22 = arith.constant 0 : i32
    %ne3A_23 = arith.cmpi ne, %rem3A, %ne3A_22 : i32
    %and3A = arith.andi %ne3A, %ne3A_23 : i1
    %sub3A = arith.constant 1 : i32
    %sub3A_24 = arith.subi %div3A, %sub3A : i32
    %select_n3A_25 = arith.select %and3A, %sub3A_24, %div3A : i32
    %while3A = arith.constant 0 : i32
    %while3A_26 = arith.constant 0 : i32
    %while3A_27 = arith.subi %select_n3A_25, %while3A_26 : i32
    %while3A_28 = arith.addi %while3A_26, %while3A_27 : i32
    %while3A_29 = arith.constant 1 : i32
    %while3A_30 = arith.divsi %while3A_27, %while3A_29 : i32
    %while3A_31 = arith.muli %while3A_30, %while3A_29 : i32
    %while3A_32 = arith.addi %while3A_26, %while3A_31 : i32
    %while3A_33 = arith.constant 1 : i32
    scf.for %while3A_40 = %while3A_26 to %while3A_32 step %while3A_33  : i32 {
      %mul3A_41 = arith.constant 8 : i32
      %mul3A_42 = arith.muli %while3A_40, %mul3A_41 : i32
      %add3A_43 = arith.addi %add3A, %mul3A_42 : i32
      "tpu.region"() ({
        %run_scoped3A = tpu.sem_alloc : memref<!tpu.dma_semaphore, #tpu.memory_space<semaphore_mem>>
        %dma_start3A_58 = arith.constant 0 : i32
        %dma_start3A_59 = tpu.memref_slice %arg3[%add3A_43, %dma_start3A_58] : memref<2560x128xi32, #tpu.memory_space<hbm>> -> memref<8x128xi32, #tpu.memory_space<hbm>>
        %dma_start3A_60 = arith.constant 0 : i32
        %dma_start3A_61 = tpu.memref_slice %arg3[%add3A_43, %dma_start3A_60] : memref<2560x128xi32, #tpu.memory_space<hbm>> -> memref<8x128xi32, #tpu.memory_space<hbm>>
        tpu.enqueue_dma source(%dma_start3A_61 : memref<8x128xi32, #tpu.memory_space<hbm>>) target(%arg7 : memref<8x128xi32, #tpu.memory_space<vmem>>) target_semaphore(%run_scoped3A : memref<!tpu.dma_semaphore, #tpu.memory_space<semaphore_mem>>)
        %dma_wait3A = arith.constant 0 : i32
        %dma_wait3A_62 = tpu.memref_slice %arg3[%add3A_43, %dma_wait3A] : memref<2560x128xi32, #tpu.memory_space<hbm>> -> memref<8x128xi32, #tpu.memory_space<hbm>>
        %dma_wait3A_63 = arith.constant 0 : i32
        %dma_wait3A_64 = tpu.memref_slice %arg3[%add3A_43, %dma_wait3A_63] : memref<2560x128xi32, #tpu.memory_space<hbm>> -> memref<8x128xi32, #tpu.memory_space<hbm>>
        tpu.wait_dma2 semaphore(%run_scoped3A : memref<!tpu.dma_semaphore, #tpu.memory_space<semaphore_mem>>) src(%dma_wait3A_64 : memref<8x128xi32, #tpu.memory_space<hbm>>) dst(%arg7 : memref<8x128xi32, #tpu.memory_space<vmem>>)
        tpu.yield
      }) : () -> ()
      %mul3A_44 = arith.constant 8 : i32
      %mul3A_45 = arith.muli %while3A_40, %mul3A_44 : i32
      %add3A_46 = arith.addi %add3A, %mul3A_45 : i32
      "tpu.region"() ({
        %run_scoped3A = tpu.sem_alloc : memref<!tpu.dma_semaphore, #tpu.memory_space<semaphore_mem>>
        %dma_start3A_58 = arith.constant 0 : i32
        %dma_start3A_59 = tpu.memref_slice %arg4[%add3A_46, %dma_start3A_58] : memref<2560x128xi32, #tpu.memory_space<hbm>> -> memref<8x128xi32, #tpu.memory_space<hbm>>
        %dma_start3A_60 = arith.constant 0 : i32
        %dma_start3A_61 = tpu.memref_slice %arg4[%add3A_46, %dma_start3A_60] : memref<2560x128xi32, #tpu.memory_space<hbm>> -> memref<8x128xi32, #tpu.memory_space<hbm>>
        tpu.enqueue_dma source(%dma_start3A_61 : memref<8x128xi32, #tpu.memory_space<hbm>>) target(%arg8 : memref<8x128xi32, #tpu.memory_space<vmem>>) target_semaphore(%run_scoped3A : memref<!tpu.dma_semaphore, #tpu.memory_space<semaphore_mem>>)
        %dma_wait3A = arith.constant 0 : i32
        %dma_wait3A_62 = tpu.memref_slice %arg4[%add3A_46, %dma_wait3A] : memref<2560x128xi32, #tpu.memory_space<hbm>> -> memref<8x128xi32, #tpu.memory_space<hbm>>
        %dma_wait3A_63 = arith.constant 0 : i32
        %dma_wait3A_64 = tpu.memref_slice %arg4[%add3A_46, %dma_wait3A_63] : memref<2560x128xi32, #tpu.memory_space<hbm>> -> memref<8x128xi32, #tpu.memory_space<hbm>>
        tpu.wait_dma2 semaphore(%run_scoped3A : memref<!tpu.dma_semaphore, #tpu.memory_space<semaphore_mem>>) src(%dma_wait3A_64 : memref<8x128xi32, #tpu.memory_space<hbm>>) dst(%arg8 : memref<8x128xi32, #tpu.memory_space<vmem>>)
        tpu.yield
      }) : () -> ()
      %dma_start3A = arith.constant 0 : i32
      %dma_start3A_47 = arith.constant 0 : i32
      %dma_start3A_48 = tpu.memref_slice %arg7[%dma_start3A, %dma_start3A_47] : memref<8x128xi32, #tpu.memory_space<vmem>> -> memref<1x128xi32, #tpu.memory_space<vmem>>
      %dma_start3A_49 = tpu.memref_squeeze %dma_start3A_48 : memref<1x128xi32, #tpu.memory_space<vmem>> -> memref<128xi32, #tpu.memory_space<vmem>>
      %dma_start3A_50 = arith.constant 0 : i32
      %dma_start3A_51 = arith.constant 0 : i32
      %dma_start3A_52 = tpu.memref_slice %arg2[%dma_start3A_50, %dma_start3A_51] : memref<20480x128xf32, #tpu.memory_space<hbm>> -> memref<20480x128xf32, #tpu.memory_space<hbm>>
      tpu.enqueue_indirect_dma source(%dma_start3A_52 : memref<20480x128xf32, #tpu.memory_space<hbm>>) target(%arg9 : memref<128x128xf32, #tpu.memory_space<vmem>>) offsets(%dma_start3A_49 : memref<128xi32, #tpu.memory_space<vmem>>) semaphore(%arg12 : memref<!tpu.dma_semaphore, #tpu.memory_space<semaphore_mem>>)
      %scan3A = arith.constant 0 : i32
      %scan3A_53 = arith.constant 0 : i32
      %scan3A_54 = arith.constant 4 : i32
      %scan3A_55 = arith.addi %scan3A_53, %scan3A_54 : i32
      %scan3A_56 = arith.constant 1 : i32
      scf.for %scan3A_58 = %scan3A_53 to %scan3A_55 step %scan3A_56  : i32 {
        %mul3A_59 = arith.constant 2 : i32
        %mul3A_60 = arith.muli %mul3A_59, %scan3A_58 : i32
        %add3A_61 = arith.constant 1 : i32
        %add3A_62 = arith.addi %mul3A_60, %add3A_61 : i32
        %dma_start3A_63 = arith.constant 0 : i32
        %dma_start3A_64 = tpu.memref_slice %arg7[%add3A_62, %dma_start3A_63] : memref<8x128xi32, #tpu.memory_space<vmem>> -> memref<1x128xi32, #tpu.memory_space<vmem>>
        %dma_start3A_65 = tpu.memref_squeeze %dma_start3A_64 : memref<1x128xi32, #tpu.memory_space<vmem>> -> memref<128xi32, #tpu.memory_space<vmem>>
        %dma_start3A_66 = arith.constant 0 : i32
        %dma_start3A_67 = arith.constant 0 : i32
        %dma_start3A_68 = tpu.memref_slice %arg2[%dma_start3A_66, %dma_start3A_67] : memref<20480x128xf32, #tpu.memory_space<hbm>> -> memref<20480x128xf32, #tpu.memory_space<hbm>>
        tpu.enqueue_indirect_dma source(%dma_start3A_68 : memref<20480x128xf32, #tpu.memory_space<hbm>>) target(%arg10 : memref<128x128xf32, #tpu.memory_space<vmem>>) offsets(%dma_start3A_65 : memref<128xi32, #tpu.memory_space<vmem>>) semaphore(%arg13 : memref<!tpu.dma_semaphore, #tpu.memory_space<semaphore_mem>>)
        %dma_wait3A = arith.constant 0 : i32
        %dma_wait3A_69 = tpu.memref_slice %arg7[%scan3A, %dma_wait3A] : memref<8x128xi32, #tpu.memory_space<vmem>> -> memref<1x128xi32, #tpu.memory_space<vmem>>
        %dma_wait3A_70 = tpu.memref_squeeze %dma_wait3A_69 : memref<1x128xi32, #tpu.memory_space<vmem>> -> memref<128xi32, #tpu.memory_space<vmem>>
        %dma_wait3A_71 = arith.constant 0 : i32
        %dma_wait3A_72 = arith.constant 0 : i32
        %dma_wait3A_73 = tpu.memref_slice %arg2[%dma_wait3A_71, %dma_wait3A_72] : memref<20480x128xf32, #tpu.memory_space<hbm>> -> memref<20480x128xf32, #tpu.memory_space<hbm>>
        tpu.wait_indirect_dma semaphore(%arg12 : memref<!tpu.dma_semaphore, #tpu.memory_space<semaphore_mem>>) src(%dma_wait3A_73 : memref<20480x128xf32, #tpu.memory_space<hbm>>) dst(%arg9 : memref<128x128xf32, #tpu.memory_space<vmem>>)
        %mul3A_74 = arith.constant 2 : i32
        %mul3A_75 = arith.muli %mul3A_74, %scan3A_58 : i32
        "tpu.region"() ({
          %run_scoped3A = tpu.sem_alloc : memref<!tpu.dma_semaphore, #tpu.memory_space<semaphore_mem>>
          %dma_start3A_89 = arith.constant 0 : i32
          %dma_start3A_90 = tpu.memref_slice %arg8[%mul3A_75, %dma_start3A_89] : memref<8x128xi32, #tpu.memory_space<vmem>> -> memref<1x128xi32, #tpu.memory_space<vmem>>
          %dma_start3A_91 = tpu.memref_squeeze %dma_start3A_90 : memref<1x128xi32, #tpu.memory_space<vmem>> -> memref<128xi32, #tpu.memory_space<vmem>>
          %dma_start3A_92 = arith.constant 0 : i32
          %dma_start3A_93 = arith.constant 0 : i32
          %dma_start3A_94 = tpu.memref_slice %arg11[%dma_start3A_92, %dma_start3A_93] : memref<10240x128xf32, #tpu.memory_space<vmem_shared>> -> memref<10240x128xf32, #tpu.memory_space<vmem_shared>>
          tpu.enqueue_indirect_dma source(%arg9 : memref<128x128xf32, #tpu.memory_space<vmem>>) target(%dma_start3A_94 : memref<10240x128xf32, #tpu.memory_space<vmem_shared>>) offsets(%dma_start3A_91 : memref<128xi32, #tpu.memory_space<vmem>>) semaphore(%run_scoped3A : memref<!tpu.dma_semaphore, #tpu.memory_space<semaphore_mem>>) {add = true}
          %dma_wait3A_95 = arith.constant 0 : i32
          %dma_wait3A_96 = tpu.memref_slice %arg8[%mul3A_75, %dma_wait3A_95] : memref<8x128xi32, #tpu.memory_space<vmem>> -> memref<1x128xi32, #tpu.memory_space<vmem>>
          %dma_wait3A_97 = tpu.memref_squeeze %dma_wait3A_96 : memref<1x128xi32, #tpu.memory_space<vmem>> -> memref<128xi32, #tpu.memory_space<vmem>>
          %dma_wait3A_98 = arith.constant 0 : i32
          %dma_wait3A_99 = arith.constant 0 : i32
          %dma_wait3A_100 = tpu.memref_slice %arg11[%dma_wait3A_98, %dma_wait3A_99] : memref<10240x128xf32, #tpu.memory_space<vmem_shared>> -> memref<10240x128xf32, #tpu.memory_space<vmem_shared>>
          tpu.wait_indirect_dma semaphore(%run_scoped3A : memref<!tpu.dma_semaphore, #tpu.memory_space<semaphore_mem>>) src(%arg9 : memref<128x128xf32, #tpu.memory_space<vmem>>) dst(%dma_wait3A_100 : memref<10240x128xf32, #tpu.memory_space<vmem_shared>>)
          tpu.yield
        }) : () -> ()
        %lt3A = arith.constant 3 : i32
        %lt3A_76 = arith.cmpi slt, %scan3A_58, %lt3A : i32
        %convert_element_type3A = arith.extui %lt3A_76 : i1 to i32
        %cond3A = arith.constant 0 : i32
        %cond3A_77 = arith.cmpi ne, %convert_element_type3A, %cond3A : i32
        scf.if %cond3A_77 {
          %mul3A_89 = arith.constant 2 : i32
          %mul3A_90 = arith.muli %mul3A_89, %scan3A_58 : i32
          %add3A_91 = arith.constant 2 : i32
          %add3A_92 = arith.addi %mul3A_90, %add3A_91 : i32
          %dma_start3A_93 = arith.constant 0 : i32
          %dma_start3A_94 = tpu.memref_slice %arg7[%add3A_92, %dma_start3A_93] : memref<8x128xi32, #tpu.memory_space<vmem>> -> memref<1x128xi32, #tpu.memory_space<vmem>>
          %dma_start3A_95 = tpu.memref_squeeze %dma_start3A_94 : memref<1x128xi32, #tpu.memory_space<vmem>> -> memref<128xi32, #tpu.memory_space<vmem>>
          %dma_start3A_96 = arith.constant 0 : i32
          %dma_start3A_97 = arith.constant 0 : i32
          %dma_start3A_98 = tpu.memref_slice %arg2[%dma_start3A_96, %dma_start3A_97] : memref<20480x128xf32, #tpu.memory_space<hbm>> -> memref<20480x128xf32, #tpu.memory_space<hbm>>
          tpu.enqueue_indirect_dma source(%dma_start3A_98 : memref<20480x128xf32, #tpu.memory_space<hbm>>) target(%arg9 : memref<128x128xf32, #tpu.memory_space<vmem>>) offsets(%dma_start3A_95 : memref<128xi32, #tpu.memory_space<vmem>>) semaphore(%arg12 : memref<!tpu.dma_semaphore, #tpu.memory_space<semaphore_mem>>)
        } else {
        }
        %dma_wait3A_78 = arith.constant 0 : i32
        %dma_wait3A_79 = arith.constant 0 : i32
        %dma_wait3A_80 = tpu.memref_slice %arg7[%dma_wait3A_78, %dma_wait3A_79] : memref<8x128xi32, #tpu.memory_space<vmem>> -> memref<1x128xi32, #tpu.memory_space<vmem>>
        %dma_wait3A_81 = tpu.memref_squeeze %dma_wait3A_80 : memref<1x128xi32, #tpu.memory_space<vmem>> -> memref<128xi32, #tpu.memory_space<vmem>>
        %dma_wait3A_82 = arith.constant 0 : i32
        %dma_wait3A_83 = arith.constant 0 : i32
        %dma_wait3A_84 = tpu.memref_slice %arg2[%dma_wait3A_82, %dma_wait3A_83] : memref<20480x128xf32, #tpu.memory_space<hbm>> -> memref<20480x128xf32, #tpu.memory_space<hbm>>
        tpu.wait_indirect_dma semaphore(%arg13 : memref<!tpu.dma_semaphore, #tpu.memory_space<semaphore_mem>>) src(%dma_wait3A_84 : memref<20480x128xf32, #tpu.memory_space<hbm>>) dst(%arg10 : memref<128x128xf32, #tpu.memory_space<vmem>>)
        %mul3A_85 = arith.constant 2 : i32
        %mul3A_86 = arith.muli %mul3A_85, %scan3A_58 : i32
        %add3A_87 = arith.constant 1 : i32
        %add3A_88 = arith.addi %mul3A_86, %add3A_87 : i32
        "tpu.region"() ({
          %run_scoped3A = tpu.sem_alloc : memref<!tpu.dma_semaphore, #tpu.memory_space<semaphore_mem>>
          %dma_start3A_89 = arith.constant 0 : i32
          %dma_start3A_90 = tpu.memref_slice %arg8[%add3A_88, %dma_start3A_89] : memref<8x128xi32, #tpu.memory_space<vmem>> -> memref<1x128xi32, #tpu.memory_space<vmem>>
          %dma_start3A_91 = tpu.memref_squeeze %dma_start3A_90 : memref<1x128xi32, #tpu.memory_space<vmem>> -> memref<128xi32, #tpu.memory_space<vmem>>
          %dma_start3A_92 = arith.constant 0 : i32
          %dma_start3A_93 = arith.constant 0 : i32
          %dma_start3A_94 = tpu.memref_slice %arg11[%dma_start3A_92, %dma_start3A_93] : memref<10240x128xf32, #tpu.memory_space<vmem_shared>> -> memref<10240x128xf32, #tpu.memory_space<vmem_shared>>
          tpu.enqueue_indirect_dma source(%arg10 : memref<128x128xf32, #tpu.memory_space<vmem>>) target(%dma_start3A_94 : memref<10240x128xf32, #tpu.memory_space<vmem_shared>>) offsets(%dma_start3A_91 : memref<128xi32, #tpu.memory_space<vmem>>) semaphore(%run_scoped3A : memref<!tpu.dma_semaphore, #tpu.memory_space<semaphore_mem>>) {add = true}
          %dma_wait3A_95 = arith.constant 0 : i32
          %dma_wait3A_96 = tpu.memref_slice %arg8[%add3A_88, %dma_wait3A_95] : memref<8x128xi32, #tpu.memory_space<vmem>> -> memref<1x128xi32, #tpu.memory_space<vmem>>
          %dma_wait3A_97 = tpu.memref_squeeze %dma_wait3A_96 : memref<1x128xi32, #tpu.memory_space<vmem>> -> memref<128xi32, #tpu.memory_space<vmem>>
          %dma_wait3A_98 = arith.constant 0 : i32
          %dma_wait3A_99 = arith.constant 0 : i32
          %dma_wait3A_100 = tpu.memref_slice %arg11[%dma_wait3A_98, %dma_wait3A_99] : memref<10240x128xf32, #tpu.memory_space<vmem_shared>> -> memref<10240x128xf32, #tpu.memory_space<vmem_shared>>
          tpu.wait_indirect_dma semaphore(%run_scoped3A : memref<!tpu.dma_semaphore, #tpu.memory_space<semaphore_mem>>) src(%arg10 : memref<128x128xf32, #tpu.memory_space<vmem>>) dst(%dma_wait3A_100 : memref<10240x128xf32, #tpu.memory_space<vmem_shared>>)
          tpu.yield
        }) : () -> ()
      }
      %scan3A_57 = arith.constant 4 : i32
    }
    %while3A_34 = arith.constant 1 : i32
    scf.for %while3A_40 = %while3A_32 to %while3A_28 step %while3A_34  : i32 {
      %mul3A_41 = arith.constant 8 : i32
      %mul3A_42 = arith.muli %while3A_40, %mul3A_41 : i32
      %add3A_43 = arith.addi %add3A, %mul3A_42 : i32
      "tpu.region"() ({
        %run_scoped3A = tpu.sem_alloc : memref<!tpu.dma_semaphore, #tpu.memory_space<semaphore_mem>>
        %dma_start3A_58 = arith.constant 0 : i32
        %dma_start3A_59 = tpu.memref_slice %arg3[%add3A_43, %dma_start3A_58] : memref<2560x128xi32, #tpu.memory_space<hbm>> -> memref<8x128xi32, #tpu.memory_space<hbm>>
        %dma_start3A_60 = arith.constant 0 : i32
        %dma_start3A_61 = tpu.memref_slice %arg3[%add3A_43, %dma_start3A_60] : memref<2560x128xi32, #tpu.memory_space<hbm>> -> memref<8x128xi32, #tpu.memory_space<hbm>>
        tpu.enqueue_dma source(%dma_start3A_61 : memref<8x128xi32, #tpu.memory_space<hbm>>) target(%arg7 : memref<8x128xi32, #tpu.memory_space<vmem>>) target_semaphore(%run_scoped3A : memref<!tpu.dma_semaphore, #tpu.memory_space<semaphore_mem>>)
        %dma_wait3A = arith.constant 0 : i32
        %dma_wait3A_62 = tpu.memref_slice %arg3[%add3A_43, %dma_wait3A] : memref<2560x128xi32, #tpu.memory_space<hbm>> -> memref<8x128xi32, #tpu.memory_space<hbm>>
        %dma_wait3A_63 = arith.constant 0 : i32
        %dma_wait3A_64 = tpu.memref_slice %arg3[%add3A_43, %dma_wait3A_63] : memref<2560x128xi32, #tpu.memory_space<hbm>> -> memref<8x128xi32, #tpu.memory_space<hbm>>
        tpu.wait_dma2 semaphore(%run_scoped3A : memref<!tpu.dma_semaphore, #tpu.memory_space<semaphore_mem>>) src(%dma_wait3A_64 : memref<8x128xi32, #tpu.memory_space<hbm>>) dst(%arg7 : memref<8x128xi32, #tpu.memory_space<vmem>>)
        tpu.yield
      }) : () -> ()
      %mul3A_44 = arith.constant 8 : i32
      %mul3A_45 = arith.muli %while3A_40, %mul3A_44 : i32
      %add3A_46 = arith.addi %add3A, %mul3A_45 : i32
      "tpu.region"() ({
        %run_scoped3A = tpu.sem_alloc : memref<!tpu.dma_semaphore, #tpu.memory_space<semaphore_mem>>
        %dma_start3A_58 = arith.constant 0 : i32
        %dma_start3A_59 = tpu.memref_slice %arg4[%add3A_46, %dma_start3A_58] : memref<2560x128xi32, #tpu.memory_space<hbm>> -> memref<8x128xi32, #tpu.memory_space<hbm>>
        %dma_start3A_60 = arith.constant 0 : i32
        %dma_start3A_61 = tpu.memref_slice %arg4[%add3A_46, %dma_start3A_60] : memref<2560x128xi32, #tpu.memory_space<hbm>> -> memref<8x128xi32, #tpu.memory_space<hbm>>
        tpu.enqueue_dma source(%dma_start3A_61 : memref<8x128xi32, #tpu.memory_space<hbm>>) target(%arg8 : memref<8x128xi32, #tpu.memory_space<vmem>>) target_semaphore(%run_scoped3A : memref<!tpu.dma_semaphore, #tpu.memory_space<semaphore_mem>>)
        %dma_wait3A = arith.constant 0 : i32
        %dma_wait3A_62 = tpu.memref_slice %arg4[%add3A_46, %dma_wait3A] : memref<2560x128xi32, #tpu.memory_space<hbm>> -> memref<8x128xi32, #tpu.memory_space<hbm>>
        %dma_wait3A_63 = arith.constant 0 : i32
        %dma_wait3A_64 = tpu.memref_slice %arg4[%add3A_46, %dma_wait3A_63] : memref<2560x128xi32, #tpu.memory_space<hbm>> -> memref<8x128xi32, #tpu.memory_space<hbm>>
        tpu.wait_dma2 semaphore(%run_scoped3A : memref<!tpu.dma_semaphore, #tpu.memory_space<semaphore_mem>>) src(%dma_wait3A_64 : memref<8x128xi32, #tpu.memory_space<hbm>>) dst(%arg8 : memref<8x128xi32, #tpu.memory_space<vmem>>)
        tpu.yield
      }) : () -> ()
      %dma_start3A = arith.constant 0 : i32
      %dma_start3A_47 = arith.constant 0 : i32
      %dma_start3A_48 = tpu.memref_slice %arg7[%dma_start3A, %dma_start3A_47] : memref<8x128xi32, #tpu.memory_space<vmem>> -> memref<1x128xi32, #tpu.memory_space<vmem>>
      %dma_start3A_49 = tpu.memref_squeeze %dma_start3A_48 : memref<1x128xi32, #tpu.memory_space<vmem>> -> memref<128xi32, #tpu.memory_space<vmem>>
      %dma_start3A_50 = arith.constant 0 : i32
      %dma_start3A_51 = arith.constant 0 : i32
      %dma_start3A_52 = tpu.memref_slice %arg2[%dma_start3A_50, %dma_start3A_51] : memref<20480x128xf32, #tpu.memory_space<hbm>> -> memref<20480x128xf32, #tpu.memory_space<hbm>>
      tpu.enqueue_indirect_dma source(%dma_start3A_52 : memref<20480x128xf32, #tpu.memory_space<hbm>>) target(%arg9 : memref<128x128xf32, #tpu.memory_space<vmem>>) offsets(%dma_start3A_49 : memref<128xi32, #tpu.memory_space<vmem>>) semaphore(%arg12 : memref<!tpu.dma_semaphore, #tpu.memory_space<semaphore_mem>>)
      %scan3A = arith.constant 0 : i32
      %scan3A_53 = arith.constant 0 : i32
      %scan3A_54 = arith.constant 4 : i32
      %scan3A_55 = arith.addi %scan3A_53, %scan3A_54 : i32
      %scan3A_56 = arith.constant 1 : i32
      scf.for %scan3A_58 = %scan3A_53 to %scan3A_55 step %scan3A_56  : i32 {
        %mul3A_59 = arith.constant 2 : i32
        %mul3A_60 = arith.muli %mul3A_59, %scan3A_58 : i32
        %add3A_61 = arith.constant 1 : i32
        %add3A_62 = arith.addi %mul3A_60, %add3A_61 : i32
        %dma_start3A_63 = arith.constant 0 : i32
        %dma_start3A_64 = tpu.memref_slice %arg7[%add3A_62, %dma_start3A_63] : memref<8x128xi32, #tpu.memory_space<vmem>> -> memref<1x128xi32, #tpu.memory_space<vmem>>
        %dma_start3A_65 = tpu.memref_squeeze %dma_start3A_64 : memref<1x128xi32, #tpu.memory_space<vmem>> -> memref<128xi32, #tpu.memory_space<vmem>>
        %dma_start3A_66 = arith.constant 0 : i32
        %dma_start3A_67 = arith.constant 0 : i32
        %dma_start3A_68 = tpu.memref_slice %arg2[%dma_start3A_66, %dma_start3A_67] : memref<20480x128xf32, #tpu.memory_space<hbm>> -> memref<20480x128xf32, #tpu.memory_space<hbm>>
        tpu.enqueue_indirect_dma source(%dma_start3A_68 : memref<20480x128xf32, #tpu.memory_space<hbm>>) target(%arg10 : memref<128x128xf32, #tpu.memory_space<vmem>>) offsets(%dma_start3A_65 : memref<128xi32, #tpu.memory_space<vmem>>) semaphore(%arg13 : memref<!tpu.dma_semaphore, #tpu.memory_space<semaphore_mem>>)
        %dma_wait3A = arith.constant 0 : i32
        %dma_wait3A_69 = tpu.memref_slice %arg7[%scan3A, %dma_wait3A] : memref<8x128xi32, #tpu.memory_space<vmem>> -> memref<1x128xi32, #tpu.memory_space<vmem>>
        %dma_wait3A_70 = tpu.memref_squeeze %dma_wait3A_69 : memref<1x128xi32, #tpu.memory_space<vmem>> -> memref<128xi32, #tpu.memory_space<vmem>>
        %dma_wait3A_71 = arith.constant 0 : i32
        %dma_wait3A_72 = arith.constant 0 : i32
        %dma_wait3A_73 = tpu.memref_slice %arg2[%dma_wait3A_71, %dma_wait3A_72] : memref<20480x128xf32, #tpu.memory_space<hbm>> -> memref<20480x128xf32, #tpu.memory_space<hbm>>
        tpu.wait_indirect_dma semaphore(%arg12 : memref<!tpu.dma_semaphore, #tpu.memory_space<semaphore_mem>>) src(%dma_wait3A_73 : memref<20480x128xf32, #tpu.memory_space<hbm>>) dst(%arg9 : memref<128x128xf32, #tpu.memory_space<vmem>>)
        %mul3A_74 = arith.constant 2 : i32
        %mul3A_75 = arith.muli %mul3A_74, %scan3A_58 : i32
        "tpu.region"() ({
          %run_scoped3A = tpu.sem_alloc : memref<!tpu.dma_semaphore, #tpu.memory_space<semaphore_mem>>
          %dma_start3A_89 = arith.constant 0 : i32
          %dma_start3A_90 = tpu.memref_slice %arg8[%mul3A_75, %dma_start3A_89] : memref<8x128xi32, #tpu.memory_space<vmem>> -> memref<1x128xi32, #tpu.memory_space<vmem>>
          %dma_start3A_91 = tpu.memref_squeeze %dma_start3A_90 : memref<1x128xi32, #tpu.memory_space<vmem>> -> memref<128xi32, #tpu.memory_space<vmem>>
          %dma_start3A_92 = arith.constant 0 : i32
          %dma_start3A_93 = arith.constant 0 : i32
          %dma_start3A_94 = tpu.memref_slice %arg11[%dma_start3A_92, %dma_start3A_93] : memref<10240x128xf32, #tpu.memory_space<vmem_shared>> -> memref<10240x128xf32, #tpu.memory_space<vmem_shared>>
          tpu.enqueue_indirect_dma source(%arg9 : memref<128x128xf32, #tpu.memory_space<vmem>>) target(%dma_start3A_94 : memref<10240x128xf32, #tpu.memory_space<vmem_shared>>) offsets(%dma_start3A_91 : memref<128xi32, #tpu.memory_space<vmem>>) semaphore(%run_scoped3A : memref<!tpu.dma_semaphore, #tpu.memory_space<semaphore_mem>>) {add = true}
          %dma_wait3A_95 = arith.constant 0 : i32
          %dma_wait3A_96 = tpu.memref_slice %arg8[%mul3A_75, %dma_wait3A_95] : memref<8x128xi32, #tpu.memory_space<vmem>> -> memref<1x128xi32, #tpu.memory_space<vmem>>
          %dma_wait3A_97 = tpu.memref_squeeze %dma_wait3A_96 : memref<1x128xi32, #tpu.memory_space<vmem>> -> memref<128xi32, #tpu.memory_space<vmem>>
          %dma_wait3A_98 = arith.constant 0 : i32
          %dma_wait3A_99 = arith.constant 0 : i32
          %dma_wait3A_100 = tpu.memref_slice %arg11[%dma_wait3A_98, %dma_wait3A_99] : memref<10240x128xf32, #tpu.memory_space<vmem_shared>> -> memref<10240x128xf32, #tpu.memory_space<vmem_shared>>
          tpu.wait_indirect_dma semaphore(%run_scoped3A : memref<!tpu.dma_semaphore, #tpu.memory_space<semaphore_mem>>) src(%arg9 : memref<128x128xf32, #tpu.memory_space<vmem>>) dst(%dma_wait3A_100 : memref<10240x128xf32, #tpu.memory_space<vmem_shared>>)
          tpu.yield
        }) : () -> ()
        %lt3A = arith.constant 3 : i32
        %lt3A_76 = arith.cmpi slt, %scan3A_58, %lt3A : i32
        %convert_element_type3A = arith.extui %lt3A_76 : i1 to i32
        %cond3A = arith.constant 0 : i32
        %cond3A_77 = arith.cmpi ne, %convert_element_type3A, %cond3A : i32
        scf.if %cond3A_77 {
          %mul3A_89 = arith.constant 2 : i32
          %mul3A_90 = arith.muli %mul3A_89, %scan3A_58 : i32
          %add3A_91 = arith.constant 2 : i32
          %add3A_92 = arith.addi %mul3A_90, %add3A_91 : i32
          %dma_start3A_93 = arith.constant 0 : i32
          %dma_start3A_94 = tpu.memref_slice %arg7[%add3A_92, %dma_start3A_93] : memref<8x128xi32, #tpu.memory_space<vmem>> -> memref<1x128xi32, #tpu.memory_space<vmem>>
          %dma_start3A_95 = tpu.memref_squeeze %dma_start3A_94 : memref<1x128xi32, #tpu.memory_space<vmem>> -> memref<128xi32, #tpu.memory_space<vmem>>
          %dma_start3A_96 = arith.constant 0 : i32
          %dma_start3A_97 = arith.constant 0 : i32
          %dma_start3A_98 = tpu.memref_slice %arg2[%dma_start3A_96, %dma_start3A_97] : memref<20480x128xf32, #tpu.memory_space<hbm>> -> memref<20480x128xf32, #tpu.memory_space<hbm>>
          tpu.enqueue_indirect_dma source(%dma_start3A_98 : memref<20480x128xf32, #tpu.memory_space<hbm>>) target(%arg9 : memref<128x128xf32, #tpu.memory_space<vmem>>) offsets(%dma_start3A_95 : memref<128xi32, #tpu.memory_space<vmem>>) semaphore(%arg12 : memref<!tpu.dma_semaphore, #tpu.memory_space<semaphore_mem>>)
        } else {
        }
        %dma_wait3A_78 = arith.constant 0 : i32
        %dma_wait3A_79 = arith.constant 0 : i32
        %dma_wait3A_80 = tpu.memref_slice %arg7[%dma_wait3A_78, %dma_wait3A_79] : memref<8x128xi32, #tpu.memory_space<vmem>> -> memref<1x128xi32, #tpu.memory_space<vmem>>
        %dma_wait3A_81 = tpu.memref_squeeze %dma_wait3A_80 : memref<1x128xi32, #tpu.memory_space<vmem>> -> memref<128xi32, #tpu.memory_space<vmem>>
        %dma_wait3A_82 = arith.constant 0 : i32
        %dma_wait3A_83 = arith.constant 0 : i32
        %dma_wait3A_84 = tpu.memref_slice %arg2[%dma_wait3A_82, %dma_wait3A_83] : memref<20480x128xf32, #tpu.memory_space<hbm>> -> memref<20480x128xf32, #tpu.memory_space<hbm>>
        tpu.wait_indirect_dma semaphore(%arg13 : memref<!tpu.dma_semaphore, #tpu.memory_space<semaphore_mem>>) src(%dma_wait3A_84 : memref<20480x128xf32, #tpu.memory_space<hbm>>) dst(%arg10 : memref<128x128xf32, #tpu.memory_space<vmem>>)
        %mul3A_85 = arith.constant 2 : i32
        %mul3A_86 = arith.muli %mul3A_85, %scan3A_58 : i32
        %add3A_87 = arith.constant 1 : i32
        %add3A_88 = arith.addi %mul3A_86, %add3A_87 : i32
        "tpu.region"() ({
          %run_scoped3A = tpu.sem_alloc : memref<!tpu.dma_semaphore, #tpu.memory_space<semaphore_mem>>
          %dma_start3A_89 = arith.constant 0 : i32
          %dma_start3A_90 = tpu.memref_slice %arg8[%add3A_88, %dma_start3A_89] : memref<8x128xi32, #tpu.memory_space<vmem>> -> memref<1x128xi32, #tpu.memory_space<vmem>>
          %dma_start3A_91 = tpu.memref_squeeze %dma_start3A_90 : memref<1x128xi32, #tpu.memory_space<vmem>> -> memref<128xi32, #tpu.memory_space<vmem>>
          %dma_start3A_92 = arith.constant 0 : i32
          %dma_start3A_93 = arith.constant 0 : i32
          %dma_start3A_94 = tpu.memref_slice %arg11[%dma_start3A_92, %dma_start3A_93] : memref<10240x128xf32, #tpu.memory_space<vmem_shared>> -> memref<10240x128xf32, #tpu.memory_space<vmem_shared>>
          tpu.enqueue_indirect_dma source(%arg10 : memref<128x128xf32, #tpu.memory_space<vmem>>) target(%dma_start3A_94 : memref<10240x128xf32, #tpu.memory_space<vmem_shared>>) offsets(%dma_start3A_91 : memref<128xi32, #tpu.memory_space<vmem>>) semaphore(%run_scoped3A : memref<!tpu.dma_semaphore, #tpu.memory_space<semaphore_mem>>) {add = true}
          %dma_wait3A_95 = arith.constant 0 : i32
          %dma_wait3A_96 = tpu.memref_slice %arg8[%add3A_88, %dma_wait3A_95] : memref<8x128xi32, #tpu.memory_space<vmem>> -> memref<1x128xi32, #tpu.memory_space<vmem>>
          %dma_wait3A_97 = tpu.memref_squeeze %dma_wait3A_96 : memref<1x128xi32, #tpu.memory_space<vmem>> -> memref<128xi32, #tpu.memory_space<vmem>>
          %dma_wait3A_98 = arith.constant 0 : i32
          %dma_wait3A_99 = arith.constant 0 : i32
          %dma_wait3A_100 = tpu.memref_slice %arg11[%dma_wait3A_98, %dma_wait3A_99] : memref<10240x128xf32, #tpu.memory_space<vmem_shared>> -> memref<10240x128xf32, #tpu.memory_space<vmem_shared>>
          tpu.wait_indirect_dma semaphore(%run_scoped3A : memref<!tpu.dma_semaphore, #tpu.memory_space<semaphore_mem>>) src(%arg10 : memref<128x128xf32, #tpu.memory_space<vmem>>) dst(%dma_wait3A_100 : memref<10240x128xf32, #tpu.memory_space<vmem_shared>>)
          tpu.yield
        }) : () -> ()
      }
      %scan3A_57 = arith.constant 4 : i32
    }
    %barrier3A_35 = arith.constant 0 : index
    tpu.barrier barrier_id(%barrier3A_35)
    %mul3A_36 = arith.constant 640 : i32
    %mul3A_37 = arith.muli %arg1, %mul3A_36 : i32
    %mul3A_38 = arith.constant 640 : i32
    %mul3A_39 = arith.muli %arg1, %mul3A_38 : i32
    "tpu.region"() ({
      %run_scoped3A = tpu.sem_alloc : memref<!tpu.dma_semaphore, #tpu.memory_space<semaphore_mem>>
      %dma_start3A = arith.constant 0 : i32
      %dma_start3A_40 = arith.constant 0 : i32
      %dma_start3A_41 = tpu.memref_slice %arg6[%arg0, %dma_start3A, %dma_start3A_40] : memref<2x10240x128xf32, #tpu.memory_space<hbm>> -> memref<1x10240x128xf32, #tpu.memory_space<hbm>>
      %dma_start3A_42 = tpu.memref_squeeze %dma_start3A_41 : memref<1x10240x128xf32, #tpu.memory_space<hbm>> -> memref<10240x128xf32, #tpu.memory_space<hbm>>
      %dma_start3A_43 = arith.constant 0 : i32
      %dma_start3A_44 = tpu.memref_slice %dma_start3A_42[%mul3A_39, %dma_start3A_43] : memref<10240x128xf32, #tpu.memory_space<hbm>> -> memref<640x128xf32, #tpu.memory_space<hbm>>
      %dma_start3A_45 = arith.constant 0 : i32
      %dma_start3A_46 = tpu.memref_slice %arg11[%mul3A_37, %dma_start3A_45] : memref<10240x128xf32, #tpu.memory_space<vmem_shared>> -> memref<640x128xf32, #tpu.memory_space<vmem_shared>>
      tpu.enqueue_dma source(%dma_start3A_46 : memref<640x128xf32, #tpu.memory_space<vmem_shared>>) target(%dma_start3A_44 : memref<640x128xf32, #tpu.memory_space<hbm>>) target_semaphore(%run_scoped3A : memref<!tpu.dma_semaphore, #tpu.memory_space<semaphore_mem>>)
      %dma_wait3A = arith.constant 0 : i32
      %dma_wait3A_47 = arith.constant 0 : i32
      %dma_wait3A_48 = tpu.memref_slice %arg6[%arg0, %dma_wait3A, %dma_wait3A_47] : memref<2x10240x128xf32, #tpu.memory_space<hbm>> -> memref<1x10240x128xf32, #tpu.memory_space<hbm>>
      %dma_wait3A_49 = tpu.memref_squeeze %dma_wait3A_48 : memref<1x10240x128xf32, #tpu.memory_space<hbm>> -> memref<10240x128xf32, #tpu.memory_space<hbm>>
      %dma_wait3A_50 = arith.constant 0 : i32
      %dma_wait3A_51 = tpu.memref_slice %dma_wait3A_49[%mul3A_39, %dma_wait3A_50] : memref<10240x128xf32, #tpu.memory_space<hbm>> -> memref<640x128xf32, #tpu.memory_space<hbm>>
      %dma_wait3A_52 = arith.constant 0 : i32
      %dma_wait3A_53 = tpu.memref_slice %arg11[%mul3A_37, %dma_wait3A_52] : memref<10240x128xf32, #tpu.memory_space<vmem_shared>> -> memref<640x128xf32, #tpu.memory_space<vmem_shared>>
      tpu.wait_dma2 semaphore(%run_scoped3A : memref<!tpu.dma_semaphore, #tpu.memory_space<semaphore_mem>>) src(%dma_wait3A_53 : memref<640x128xf32, #tpu.memory_space<vmem_shared>>) dst(%dma_wait3A_51 : memref<640x128xf32, #tpu.memory_space<hbm>>)
      tpu.yield
    }) : () -> ()
    return
  }
}

#map = affine_map<(d0, d1) -> (0, 0)>
#map1 = affine_map<(d0, d1) -> (0, 0, 0)>
module attributes {stable_mosaic.version = 14 : i64} {
  func.func @k(%arg0: i32, %arg1: i32, %arg2: memref<10240x128xf32, #tpu.memory_space<hbm>>, %arg3: memref<2560x128xi32, #tpu.memory_space<hbm>>, %arg4: memref<2560x128xi32, #tpu.memory_space<hbm>>, %arg5: memref<640x128xf32, #tpu.memory_space<hbm>>, %arg6: memref<2x10240x128xf32, #tpu.memory_space<hbm>>, %arg7: memref<8x128xi32, #tpu.memory_space<vmem>>, %arg8: memref<8x128xi32, #tpu.memory_space<vmem>>, %arg9: memref<128x128xf32, #tpu.memory_space<vmem>>, %arg10: memref<128x128xf32, #tpu.memory_space<vmem>>, %arg11: memref<10240x128xf32, #tpu.memory_space<vmem_shared>>, %arg12: memref<!tpu.dma_semaphore, #tpu.memory_space<semaphore_mem>>, %arg13: memref<!tpu.dma_semaphore, #tpu.memory_space<semaphore_mem>>) attributes {dimension_semantics = [#tpu.dimension_semantics<core_parallel>, #tpu.dimension_semantics<subcore_parallel>], iteration_bounds = array<i64: 2, 16>, scalar_prefetch = 0 : i64, scratch_operands = 7 : i64, tpu.core_type = #tpu.core_type<sc_vector_subcore>, window_params = [{transform_indices = #map}, {transform_indices = #map}, {transform_indices = #map}, {transform_indices = #map}, {transform_indices = #map1}]} {
    %eq3A = arith.constant 0 : i32
    %eq3A_0 = arith.cmpi eq, %arg0, %eq3A : i32
    %jit3A = arith.constant 152 : i32
    %jit3A_1 = arith.constant 8 : i32
    %select_n3A = arith.select %eq3A_0, %jit3A, %jit3A_1 : i32
    %mul3A = arith.constant 16 : i32
    %mul3A_2 = arith.muli %arg0, %mul3A : i32
    %mul3A_3 = arith.constant 152 : i32
    %mul3A_4 = arith.muli %mul3A_2, %mul3A_3 : i32
    %mul3A_5 = arith.muli %arg1, %select_n3A : i32
    %add3A = arith.addi %mul3A_4, %mul3A_5 : i32
    %mul3A_6 = arith.constant 640 : i32
    %mul3A_7 = arith.muli %arg1, %mul3A_6 : i32
    "tpu.region"() ({
      %run_scoped3A = tpu.sem_alloc : memref<!tpu.dma_semaphore, #tpu.memory_space<semaphore_mem>>
      %dma_start3A = arith.constant 0 : i32
      %dma_start3A_40 = tpu.memref_slice %arg11[%mul3A_7, %dma_start3A] : memref<10240x128xf32, #tpu.memory_space<vmem_shared>> -> memref<640x128xf32, #tpu.memory_space<vmem_shared>>
      tpu.enqueue_dma source(%arg5 : memref<640x128xf32, #tpu.memory_space<hbm>>) target(%dma_start3A_40 : memref<640x128xf32, #tpu.memory_space<vmem_shared>>) target_semaphore(%run_scoped3A : memref<!tpu.dma_semaphore, #tpu.memory_space<semaphore_mem>>)
      %dma_wait3A = arith.constant 0 : i32
      %dma_wait3A_41 = tpu.memref_slice %arg11[%mul3A_7, %dma_wait3A] : memref<10240x128xf32, #tpu.memory_space<vmem_shared>> -> memref<640x128xf32, #tpu.memory_space<vmem_shared>>
      tpu.wait_dma2 semaphore(%run_scoped3A : memref<!tpu.dma_semaphore, #tpu.memory_space<semaphore_mem>>) src(%arg5 : memref<640x128xf32, #tpu.memory_space<hbm>>) dst(%dma_wait3A_41 : memref<640x128xf32, #tpu.memory_space<vmem_shared>>)
      tpu.yield
    }) : () -> ()
    %barrier3A = arith.constant 0 : index
    tpu.barrier barrier_id(%barrier3A)
    %jit3A_8 = arith.constant 8 : i32
    %div3A = arith.divsi %select_n3A, %jit3A_8 : i32
    %sign3A = arith.constant 0 : i32
    %sign3A_9 = arith.cmpi sgt, %select_n3A, %sign3A : i32
    %sign3A_10 = arith.extui %sign3A_9 : i1 to i32
    %sign3A_11 = arith.constant 0 : i32
    %sign3A_12 = arith.cmpi slt, %select_n3A, %sign3A_11 : i32
    %sign3A_13 = arith.extui %sign3A_12 : i1 to i32
    %sign3A_14 = arith.subi %sign3A_10, %sign3A_13 : i32
    %sign3A_15 = arith.constant 0 : i32
    %sign3A_16 = arith.cmpi sgt, %jit3A_8, %sign3A_15 : i32
    %sign3A_17 = arith.extui %sign3A_16 : i1 to i32
    %sign3A_18 = arith.constant 0 : i32
    %sign3A_19 = arith.cmpi slt, %jit3A_8, %sign3A_18 : i32
    %sign3A_20 = arith.extui %sign3A_19 : i1 to i32
    %sign3A_21 = arith.subi %sign3A_17, %sign3A_20 : i32
    %ne3A = arith.cmpi ne, %sign3A_14, %sign3A_21 : i32
    %rem3A = arith.remsi %select_n3A, %jit3A_8 : i32
    %ne3A_22 = arith.constant 0 : i32
    %ne3A_23 = arith.cmpi ne, %rem3A, %ne3A_22 : i32
    %and3A = arith.andi %ne3A, %ne3A_23 : i1
    %sub3A = arith.constant 1 : i32
    %sub3A_24 = arith.subi %div3A, %sub3A : i32
    %select_n3A_25 = arith.select %and3A, %sub3A_24, %div3A : i32
    %while3A = arith.constant 0 : i32
    %while3A_26 = arith.constant 0 : i32
    %while3A_27 = arith.subi %select_n3A_25, %while3A_26 : i32
    %while3A_28 = arith.addi %while3A_26, %while3A_27 : i32
    %while3A_29 = arith.constant 1 : i32
    %while3A_30 = arith.divsi %while3A_27, %while3A_29 : i32
    %while3A_31 = arith.muli %while3A_30, %while3A_29 : i32
    %while3A_32 = arith.addi %while3A_26, %while3A_31 : i32
    %while3A_33 = arith.constant 1 : i32
    scf.for %while3A_40 = %while3A_26 to %while3A_32 step %while3A_33  : i32 {
      %mul3A_41 = arith.constant 8 : i32
      %mul3A_42 = arith.muli %while3A_40, %mul3A_41 : i32
      %add3A_43 = arith.addi %add3A, %mul3A_42 : i32
      "tpu.region"() ({
        %run_scoped3A = tpu.sem_alloc : memref<!tpu.dma_semaphore, #tpu.memory_space<semaphore_mem>>
        %dma_start3A_58 = arith.constant 0 : i32
        %dma_start3A_59 = tpu.memref_slice %arg3[%add3A_43, %dma_start3A_58] : memref<2560x128xi32, #tpu.memory_space<hbm>> -> memref<8x128xi32, #tpu.memory_space<hbm>>
        %dma_start3A_60 = arith.constant 0 : i32
        %dma_start3A_61 = tpu.memref_slice %arg3[%add3A_43, %dma_start3A_60] : memref<2560x128xi32, #tpu.memory_space<hbm>> -> memref<8x128xi32, #tpu.memory_space<hbm>>
        tpu.enqueue_dma source(%dma_start3A_61 : memref<8x128xi32, #tpu.memory_space<hbm>>) target(%arg7 : memref<8x128xi32, #tpu.memory_space<vmem>>) target_semaphore(%run_scoped3A : memref<!tpu.dma_semaphore, #tpu.memory_space<semaphore_mem>>)
        %dma_wait3A = arith.constant 0 : i32
        %dma_wait3A_62 = tpu.memref_slice %arg3[%add3A_43, %dma_wait3A] : memref<2560x128xi32, #tpu.memory_space<hbm>> -> memref<8x128xi32, #tpu.memory_space<hbm>>
        %dma_wait3A_63 = arith.constant 0 : i32
        %dma_wait3A_64 = tpu.memref_slice %arg3[%add3A_43, %dma_wait3A_63] : memref<2560x128xi32, #tpu.memory_space<hbm>> -> memref<8x128xi32, #tpu.memory_space<hbm>>
        tpu.wait_dma2 semaphore(%run_scoped3A : memref<!tpu.dma_semaphore, #tpu.memory_space<semaphore_mem>>) src(%dma_wait3A_64 : memref<8x128xi32, #tpu.memory_space<hbm>>) dst(%arg7 : memref<8x128xi32, #tpu.memory_space<vmem>>)
        tpu.yield
      }) : () -> ()
      %mul3A_44 = arith.constant 8 : i32
      %mul3A_45 = arith.muli %while3A_40, %mul3A_44 : i32
      %add3A_46 = arith.addi %add3A, %mul3A_45 : i32
      "tpu.region"() ({
        %run_scoped3A = tpu.sem_alloc : memref<!tpu.dma_semaphore, #tpu.memory_space<semaphore_mem>>
        %dma_start3A_58 = arith.constant 0 : i32
        %dma_start3A_59 = tpu.memref_slice %arg4[%add3A_46, %dma_start3A_58] : memref<2560x128xi32, #tpu.memory_space<hbm>> -> memref<8x128xi32, #tpu.memory_space<hbm>>
        %dma_start3A_60 = arith.constant 0 : i32
        %dma_start3A_61 = tpu.memref_slice %arg4[%add3A_46, %dma_start3A_60] : memref<2560x128xi32, #tpu.memory_space<hbm>> -> memref<8x128xi32, #tpu.memory_space<hbm>>
        tpu.enqueue_dma source(%dma_start3A_61 : memref<8x128xi32, #tpu.memory_space<hbm>>) target(%arg8 : memref<8x128xi32, #tpu.memory_space<vmem>>) target_semaphore(%run_scoped3A : memref<!tpu.dma_semaphore, #tpu.memory_space<semaphore_mem>>)
        %dma_wait3A = arith.constant 0 : i32
        %dma_wait3A_62 = tpu.memref_slice %arg4[%add3A_46, %dma_wait3A] : memref<2560x128xi32, #tpu.memory_space<hbm>> -> memref<8x128xi32, #tpu.memory_space<hbm>>
        %dma_wait3A_63 = arith.constant 0 : i32
        %dma_wait3A_64 = tpu.memref_slice %arg4[%add3A_46, %dma_wait3A_63] : memref<2560x128xi32, #tpu.memory_space<hbm>> -> memref<8x128xi32, #tpu.memory_space<hbm>>
        tpu.wait_dma2 semaphore(%run_scoped3A : memref<!tpu.dma_semaphore, #tpu.memory_space<semaphore_mem>>) src(%dma_wait3A_64 : memref<8x128xi32, #tpu.memory_space<hbm>>) dst(%arg8 : memref<8x128xi32, #tpu.memory_space<vmem>>)
        tpu.yield
      }) : () -> ()
      %dma_start3A = arith.constant 0 : i32
      %dma_start3A_47 = arith.constant 0 : i32
      %dma_start3A_48 = tpu.memref_slice %arg7[%dma_start3A, %dma_start3A_47] : memref<8x128xi32, #tpu.memory_space<vmem>> -> memref<1x128xi32, #tpu.memory_space<vmem>>
      %dma_start3A_49 = tpu.memref_squeeze %dma_start3A_48 : memref<1x128xi32, #tpu.memory_space<vmem>> -> memref<128xi32, #tpu.memory_space<vmem>>
      %dma_start3A_50 = arith.constant 0 : i32
      %dma_start3A_51 = arith.constant 0 : i32
      %dma_start3A_52 = tpu.memref_slice %arg2[%dma_start3A_50, %dma_start3A_51] : memref<10240x128xf32, #tpu.memory_space<hbm>> -> memref<10240x128xf32, #tpu.memory_space<hbm>>
      tpu.enqueue_indirect_dma source(%dma_start3A_52 : memref<10240x128xf32, #tpu.memory_space<hbm>>) target(%arg9 : memref<128x128xf32, #tpu.memory_space<vmem>>) offsets(%dma_start3A_49 : memref<128xi32, #tpu.memory_space<vmem>>) semaphore(%arg12 : memref<!tpu.dma_semaphore, #tpu.memory_space<semaphore_mem>>)
      %scan3A = arith.constant 0 : i32
      %scan3A_53 = arith.constant 0 : i32
      %scan3A_54 = arith.constant 4 : i32
      %scan3A_55 = arith.addi %scan3A_53, %scan3A_54 : i32
      %scan3A_56 = arith.constant 1 : i32
      scf.for %scan3A_58 = %scan3A_53 to %scan3A_55 step %scan3A_56  : i32 {
        %mul3A_59 = arith.constant 2 : i32
        %mul3A_60 = arith.muli %mul3A_59, %scan3A_58 : i32
        %add3A_61 = arith.constant 1 : i32
        %add3A_62 = arith.addi %mul3A_60, %add3A_61 : i32
        %dma_start3A_63 = arith.constant 0 : i32
        %dma_start3A_64 = tpu.memref_slice %arg7[%add3A_62, %dma_start3A_63] : memref<8x128xi32, #tpu.memory_space<vmem>> -> memref<1x128xi32, #tpu.memory_space<vmem>>
        %dma_start3A_65 = tpu.memref_squeeze %dma_start3A_64 : memref<1x128xi32, #tpu.memory_space<vmem>> -> memref<128xi32, #tpu.memory_space<vmem>>
        %dma_start3A_66 = arith.constant 0 : i32
        %dma_start3A_67 = arith.constant 0 : i32
        %dma_start3A_68 = tpu.memref_slice %arg2[%dma_start3A_66, %dma_start3A_67] : memref<10240x128xf32, #tpu.memory_space<hbm>> -> memref<10240x128xf32, #tpu.memory_space<hbm>>
        tpu.enqueue_indirect_dma source(%dma_start3A_68 : memref<10240x128xf32, #tpu.memory_space<hbm>>) target(%arg10 : memref<128x128xf32, #tpu.memory_space<vmem>>) offsets(%dma_start3A_65 : memref<128xi32, #tpu.memory_space<vmem>>) semaphore(%arg13 : memref<!tpu.dma_semaphore, #tpu.memory_space<semaphore_mem>>)
        %dma_wait3A = arith.constant 0 : i32
        %dma_wait3A_69 = tpu.memref_slice %arg7[%scan3A, %dma_wait3A] : memref<8x128xi32, #tpu.memory_space<vmem>> -> memref<1x128xi32, #tpu.memory_space<vmem>>
        %dma_wait3A_70 = tpu.memref_squeeze %dma_wait3A_69 : memref<1x128xi32, #tpu.memory_space<vmem>> -> memref<128xi32, #tpu.memory_space<vmem>>
        %dma_wait3A_71 = arith.constant 0 : i32
        %dma_wait3A_72 = arith.constant 0 : i32
        %dma_wait3A_73 = tpu.memref_slice %arg2[%dma_wait3A_71, %dma_wait3A_72] : memref<10240x128xf32, #tpu.memory_space<hbm>> -> memref<10240x128xf32, #tpu.memory_space<hbm>>
        tpu.wait_indirect_dma semaphore(%arg12 : memref<!tpu.dma_semaphore, #tpu.memory_space<semaphore_mem>>) src(%dma_wait3A_73 : memref<10240x128xf32, #tpu.memory_space<hbm>>) dst(%arg9 : memref<128x128xf32, #tpu.memory_space<vmem>>)
        %mul3A_74 = arith.constant 2 : i32
        %mul3A_75 = arith.muli %mul3A_74, %scan3A_58 : i32
        "tpu.region"() ({
          %run_scoped3A = tpu.sem_alloc : memref<!tpu.dma_semaphore, #tpu.memory_space<semaphore_mem>>
          %dma_start3A_89 = arith.constant 0 : i32
          %dma_start3A_90 = tpu.memref_slice %arg8[%mul3A_75, %dma_start3A_89] : memref<8x128xi32, #tpu.memory_space<vmem>> -> memref<1x128xi32, #tpu.memory_space<vmem>>
          %dma_start3A_91 = tpu.memref_squeeze %dma_start3A_90 : memref<1x128xi32, #tpu.memory_space<vmem>> -> memref<128xi32, #tpu.memory_space<vmem>>
          %dma_start3A_92 = arith.constant 0 : i32
          %dma_start3A_93 = arith.constant 0 : i32
          %dma_start3A_94 = tpu.memref_slice %arg11[%dma_start3A_92, %dma_start3A_93] : memref<10240x128xf32, #tpu.memory_space<vmem_shared>> -> memref<10240x128xf32, #tpu.memory_space<vmem_shared>>
          tpu.enqueue_indirect_dma source(%arg9 : memref<128x128xf32, #tpu.memory_space<vmem>>) target(%dma_start3A_94 : memref<10240x128xf32, #tpu.memory_space<vmem_shared>>) offsets(%dma_start3A_91 : memref<128xi32, #tpu.memory_space<vmem>>) semaphore(%run_scoped3A : memref<!tpu.dma_semaphore, #tpu.memory_space<semaphore_mem>>) {add = true}
          %dma_wait3A_95 = arith.constant 0 : i32
          %dma_wait3A_96 = tpu.memref_slice %arg8[%mul3A_75, %dma_wait3A_95] : memref<8x128xi32, #tpu.memory_space<vmem>> -> memref<1x128xi32, #tpu.memory_space<vmem>>
          %dma_wait3A_97 = tpu.memref_squeeze %dma_wait3A_96 : memref<1x128xi32, #tpu.memory_space<vmem>> -> memref<128xi32, #tpu.memory_space<vmem>>
          %dma_wait3A_98 = arith.constant 0 : i32
          %dma_wait3A_99 = arith.constant 0 : i32
          %dma_wait3A_100 = tpu.memref_slice %arg11[%dma_wait3A_98, %dma_wait3A_99] : memref<10240x128xf32, #tpu.memory_space<vmem_shared>> -> memref<10240x128xf32, #tpu.memory_space<vmem_shared>>
          tpu.wait_indirect_dma semaphore(%run_scoped3A : memref<!tpu.dma_semaphore, #tpu.memory_space<semaphore_mem>>) src(%arg9 : memref<128x128xf32, #tpu.memory_space<vmem>>) dst(%dma_wait3A_100 : memref<10240x128xf32, #tpu.memory_space<vmem_shared>>)
          tpu.yield
        }) : () -> ()
        %lt3A = arith.constant 3 : i32
        %lt3A_76 = arith.cmpi slt, %scan3A_58, %lt3A : i32
        %convert_element_type3A = arith.extui %lt3A_76 : i1 to i32
        %cond3A = arith.constant 0 : i32
        %cond3A_77 = arith.cmpi ne, %convert_element_type3A, %cond3A : i32
        scf.if %cond3A_77 {
          %mul3A_89 = arith.constant 2 : i32
          %mul3A_90 = arith.muli %mul3A_89, %scan3A_58 : i32
          %add3A_91 = arith.constant 2 : i32
          %add3A_92 = arith.addi %mul3A_90, %add3A_91 : i32
          %dma_start3A_93 = arith.constant 0 : i32
          %dma_start3A_94 = tpu.memref_slice %arg7[%add3A_92, %dma_start3A_93] : memref<8x128xi32, #tpu.memory_space<vmem>> -> memref<1x128xi32, #tpu.memory_space<vmem>>
          %dma_start3A_95 = tpu.memref_squeeze %dma_start3A_94 : memref<1x128xi32, #tpu.memory_space<vmem>> -> memref<128xi32, #tpu.memory_space<vmem>>
          %dma_start3A_96 = arith.constant 0 : i32
          %dma_start3A_97 = arith.constant 0 : i32
          %dma_start3A_98 = tpu.memref_slice %arg2[%dma_start3A_96, %dma_start3A_97] : memref<10240x128xf32, #tpu.memory_space<hbm>> -> memref<10240x128xf32, #tpu.memory_space<hbm>>
          tpu.enqueue_indirect_dma source(%dma_start3A_98 : memref<10240x128xf32, #tpu.memory_space<hbm>>) target(%arg9 : memref<128x128xf32, #tpu.memory_space<vmem>>) offsets(%dma_start3A_95 : memref<128xi32, #tpu.memory_space<vmem>>) semaphore(%arg12 : memref<!tpu.dma_semaphore, #tpu.memory_space<semaphore_mem>>)
        } else {
        }
        %dma_wait3A_78 = arith.constant 0 : i32
        %dma_wait3A_79 = arith.constant 0 : i32
        %dma_wait3A_80 = tpu.memref_slice %arg7[%dma_wait3A_78, %dma_wait3A_79] : memref<8x128xi32, #tpu.memory_space<vmem>> -> memref<1x128xi32, #tpu.memory_space<vmem>>
        %dma_wait3A_81 = tpu.memref_squeeze %dma_wait3A_80 : memref<1x128xi32, #tpu.memory_space<vmem>> -> memref<128xi32, #tpu.memory_space<vmem>>
        %dma_wait3A_82 = arith.constant 0 : i32
        %dma_wait3A_83 = arith.constant 0 : i32
        %dma_wait3A_84 = tpu.memref_slice %arg2[%dma_wait3A_82, %dma_wait3A_83] : memref<10240x128xf32, #tpu.memory_space<hbm>> -> memref<10240x128xf32, #tpu.memory_space<hbm>>
        tpu.wait_indirect_dma semaphore(%arg13 : memref<!tpu.dma_semaphore, #tpu.memory_space<semaphore_mem>>) src(%dma_wait3A_84 : memref<10240x128xf32, #tpu.memory_space<hbm>>) dst(%arg10 : memref<128x128xf32, #tpu.memory_space<vmem>>)
        %mul3A_85 = arith.constant 2 : i32
        %mul3A_86 = arith.muli %mul3A_85, %scan3A_58 : i32
        %add3A_87 = arith.constant 1 : i32
        %add3A_88 = arith.addi %mul3A_86, %add3A_87 : i32
        "tpu.region"() ({
          %run_scoped3A = tpu.sem_alloc : memref<!tpu.dma_semaphore, #tpu.memory_space<semaphore_mem>>
          %dma_start3A_89 = arith.constant 0 : i32
          %dma_start3A_90 = tpu.memref_slice %arg8[%add3A_88, %dma_start3A_89] : memref<8x128xi32, #tpu.memory_space<vmem>> -> memref<1x128xi32, #tpu.memory_space<vmem>>
          %dma_start3A_91 = tpu.memref_squeeze %dma_start3A_90 : memref<1x128xi32, #tpu.memory_space<vmem>> -> memref<128xi32, #tpu.memory_space<vmem>>
          %dma_start3A_92 = arith.constant 0 : i32
          %dma_start3A_93 = arith.constant 0 : i32
          %dma_start3A_94 = tpu.memref_slice %arg11[%dma_start3A_92, %dma_start3A_93] : memref<10240x128xf32, #tpu.memory_space<vmem_shared>> -> memref<10240x128xf32, #tpu.memory_space<vmem_shared>>
          tpu.enqueue_indirect_dma source(%arg10 : memref<128x128xf32, #tpu.memory_space<vmem>>) target(%dma_start3A_94 : memref<10240x128xf32, #tpu.memory_space<vmem_shared>>) offsets(%dma_start3A_91 : memref<128xi32, #tpu.memory_space<vmem>>) semaphore(%run_scoped3A : memref<!tpu.dma_semaphore, #tpu.memory_space<semaphore_mem>>) {add = true}
          %dma_wait3A_95 = arith.constant 0 : i32
          %dma_wait3A_96 = tpu.memref_slice %arg8[%add3A_88, %dma_wait3A_95] : memref<8x128xi32, #tpu.memory_space<vmem>> -> memref<1x128xi32, #tpu.memory_space<vmem>>
          %dma_wait3A_97 = tpu.memref_squeeze %dma_wait3A_96 : memref<1x128xi32, #tpu.memory_space<vmem>> -> memref<128xi32, #tpu.memory_space<vmem>>
          %dma_wait3A_98 = arith.constant 0 : i32
          %dma_wait3A_99 = arith.constant 0 : i32
          %dma_wait3A_100 = tpu.memref_slice %arg11[%dma_wait3A_98, %dma_wait3A_99] : memref<10240x128xf32, #tpu.memory_space<vmem_shared>> -> memref<10240x128xf32, #tpu.memory_space<vmem_shared>>
          tpu.wait_indirect_dma semaphore(%run_scoped3A : memref<!tpu.dma_semaphore, #tpu.memory_space<semaphore_mem>>) src(%arg10 : memref<128x128xf32, #tpu.memory_space<vmem>>) dst(%dma_wait3A_100 : memref<10240x128xf32, #tpu.memory_space<vmem_shared>>)
          tpu.yield
        }) : () -> ()
      }
      %scan3A_57 = arith.constant 4 : i32
    }
    %while3A_34 = arith.constant 1 : i32
    scf.for %while3A_40 = %while3A_32 to %while3A_28 step %while3A_34  : i32 {
      %mul3A_41 = arith.constant 8 : i32
      %mul3A_42 = arith.muli %while3A_40, %mul3A_41 : i32
      %add3A_43 = arith.addi %add3A, %mul3A_42 : i32
      "tpu.region"() ({
        %run_scoped3A = tpu.sem_alloc : memref<!tpu.dma_semaphore, #tpu.memory_space<semaphore_mem>>
        %dma_start3A_58 = arith.constant 0 : i32
        %dma_start3A_59 = tpu.memref_slice %arg3[%add3A_43, %dma_start3A_58] : memref<2560x128xi32, #tpu.memory_space<hbm>> -> memref<8x128xi32, #tpu.memory_space<hbm>>
        %dma_start3A_60 = arith.constant 0 : i32
        %dma_start3A_61 = tpu.memref_slice %arg3[%add3A_43, %dma_start3A_60] : memref<2560x128xi32, #tpu.memory_space<hbm>> -> memref<8x128xi32, #tpu.memory_space<hbm>>
        tpu.enqueue_dma source(%dma_start3A_61 : memref<8x128xi32, #tpu.memory_space<hbm>>) target(%arg7 : memref<8x128xi32, #tpu.memory_space<vmem>>) target_semaphore(%run_scoped3A : memref<!tpu.dma_semaphore, #tpu.memory_space<semaphore_mem>>)
        %dma_wait3A = arith.constant 0 : i32
        %dma_wait3A_62 = tpu.memref_slice %arg3[%add3A_43, %dma_wait3A] : memref<2560x128xi32, #tpu.memory_space<hbm>> -> memref<8x128xi32, #tpu.memory_space<hbm>>
        %dma_wait3A_63 = arith.constant 0 : i32
        %dma_wait3A_64 = tpu.memref_slice %arg3[%add3A_43, %dma_wait3A_63] : memref<2560x128xi32, #tpu.memory_space<hbm>> -> memref<8x128xi32, #tpu.memory_space<hbm>>
        tpu.wait_dma2 semaphore(%run_scoped3A : memref<!tpu.dma_semaphore, #tpu.memory_space<semaphore_mem>>) src(%dma_wait3A_64 : memref<8x128xi32, #tpu.memory_space<hbm>>) dst(%arg7 : memref<8x128xi32, #tpu.memory_space<vmem>>)
        tpu.yield
      }) : () -> ()
      %mul3A_44 = arith.constant 8 : i32
      %mul3A_45 = arith.muli %while3A_40, %mul3A_44 : i32
      %add3A_46 = arith.addi %add3A, %mul3A_45 : i32
      "tpu.region"() ({
        %run_scoped3A = tpu.sem_alloc : memref<!tpu.dma_semaphore, #tpu.memory_space<semaphore_mem>>
        %dma_start3A_58 = arith.constant 0 : i32
        %dma_start3A_59 = tpu.memref_slice %arg4[%add3A_46, %dma_start3A_58] : memref<2560x128xi32, #tpu.memory_space<hbm>> -> memref<8x128xi32, #tpu.memory_space<hbm>>
        %dma_start3A_60 = arith.constant 0 : i32
        %dma_start3A_61 = tpu.memref_slice %arg4[%add3A_46, %dma_start3A_60] : memref<2560x128xi32, #tpu.memory_space<hbm>> -> memref<8x128xi32, #tpu.memory_space<hbm>>
        tpu.enqueue_dma source(%dma_start3A_61 : memref<8x128xi32, #tpu.memory_space<hbm>>) target(%arg8 : memref<8x128xi32, #tpu.memory_space<vmem>>) target_semaphore(%run_scoped3A : memref<!tpu.dma_semaphore, #tpu.memory_space<semaphore_mem>>)
        %dma_wait3A = arith.constant 0 : i32
        %dma_wait3A_62 = tpu.memref_slice %arg4[%add3A_46, %dma_wait3A] : memref<2560x128xi32, #tpu.memory_space<hbm>> -> memref<8x128xi32, #tpu.memory_space<hbm>>
        %dma_wait3A_63 = arith.constant 0 : i32
        %dma_wait3A_64 = tpu.memref_slice %arg4[%add3A_46, %dma_wait3A_63] : memref<2560x128xi32, #tpu.memory_space<hbm>> -> memref<8x128xi32, #tpu.memory_space<hbm>>
        tpu.wait_dma2 semaphore(%run_scoped3A : memref<!tpu.dma_semaphore, #tpu.memory_space<semaphore_mem>>) src(%dma_wait3A_64 : memref<8x128xi32, #tpu.memory_space<hbm>>) dst(%arg8 : memref<8x128xi32, #tpu.memory_space<vmem>>)
        tpu.yield
      }) : () -> ()
      %dma_start3A = arith.constant 0 : i32
      %dma_start3A_47 = arith.constant 0 : i32
      %dma_start3A_48 = tpu.memref_slice %arg7[%dma_start3A, %dma_start3A_47] : memref<8x128xi32, #tpu.memory_space<vmem>> -> memref<1x128xi32, #tpu.memory_space<vmem>>
      %dma_start3A_49 = tpu.memref_squeeze %dma_start3A_48 : memref<1x128xi32, #tpu.memory_space<vmem>> -> memref<128xi32, #tpu.memory_space<vmem>>
      %dma_start3A_50 = arith.constant 0 : i32
      %dma_start3A_51 = arith.constant 0 : i32
      %dma_start3A_52 = tpu.memref_slice %arg2[%dma_start3A_50, %dma_start3A_51] : memref<10240x128xf32, #tpu.memory_space<hbm>> -> memref<10240x128xf32, #tpu.memory_space<hbm>>
      tpu.enqueue_indirect_dma source(%dma_start3A_52 : memref<10240x128xf32, #tpu.memory_space<hbm>>) target(%arg9 : memref<128x128xf32, #tpu.memory_space<vmem>>) offsets(%dma_start3A_49 : memref<128xi32, #tpu.memory_space<vmem>>) semaphore(%arg12 : memref<!tpu.dma_semaphore, #tpu.memory_space<semaphore_mem>>)
      %scan3A = arith.constant 0 : i32
      %scan3A_53 = arith.constant 0 : i32
      %scan3A_54 = arith.constant 4 : i32
      %scan3A_55 = arith.addi %scan3A_53, %scan3A_54 : i32
      %scan3A_56 = arith.constant 1 : i32
      scf.for %scan3A_58 = %scan3A_53 to %scan3A_55 step %scan3A_56  : i32 {
        %mul3A_59 = arith.constant 2 : i32
        %mul3A_60 = arith.muli %mul3A_59, %scan3A_58 : i32
        %add3A_61 = arith.constant 1 : i32
        %add3A_62 = arith.addi %mul3A_60, %add3A_61 : i32
        %dma_start3A_63 = arith.constant 0 : i32
        %dma_start3A_64 = tpu.memref_slice %arg7[%add3A_62, %dma_start3A_63] : memref<8x128xi32, #tpu.memory_space<vmem>> -> memref<1x128xi32, #tpu.memory_space<vmem>>
        %dma_start3A_65 = tpu.memref_squeeze %dma_start3A_64 : memref<1x128xi32, #tpu.memory_space<vmem>> -> memref<128xi32, #tpu.memory_space<vmem>>
        %dma_start3A_66 = arith.constant 0 : i32
        %dma_start3A_67 = arith.constant 0 : i32
        %dma_start3A_68 = tpu.memref_slice %arg2[%dma_start3A_66, %dma_start3A_67] : memref<10240x128xf32, #tpu.memory_space<hbm>> -> memref<10240x128xf32, #tpu.memory_space<hbm>>
        tpu.enqueue_indirect_dma source(%dma_start3A_68 : memref<10240x128xf32, #tpu.memory_space<hbm>>) target(%arg10 : memref<128x128xf32, #tpu.memory_space<vmem>>) offsets(%dma_start3A_65 : memref<128xi32, #tpu.memory_space<vmem>>) semaphore(%arg13 : memref<!tpu.dma_semaphore, #tpu.memory_space<semaphore_mem>>)
        %dma_wait3A = arith.constant 0 : i32
        %dma_wait3A_69 = tpu.memref_slice %arg7[%scan3A, %dma_wait3A] : memref<8x128xi32, #tpu.memory_space<vmem>> -> memref<1x128xi32, #tpu.memory_space<vmem>>
        %dma_wait3A_70 = tpu.memref_squeeze %dma_wait3A_69 : memref<1x128xi32, #tpu.memory_space<vmem>> -> memref<128xi32, #tpu.memory_space<vmem>>
        %dma_wait3A_71 = arith.constant 0 : i32
        %dma_wait3A_72 = arith.constant 0 : i32
        %dma_wait3A_73 = tpu.memref_slice %arg2[%dma_wait3A_71, %dma_wait3A_72] : memref<10240x128xf32, #tpu.memory_space<hbm>> -> memref<10240x128xf32, #tpu.memory_space<hbm>>
        tpu.wait_indirect_dma semaphore(%arg12 : memref<!tpu.dma_semaphore, #tpu.memory_space<semaphore_mem>>) src(%dma_wait3A_73 : memref<10240x128xf32, #tpu.memory_space<hbm>>) dst(%arg9 : memref<128x128xf32, #tpu.memory_space<vmem>>)
        %mul3A_74 = arith.constant 2 : i32
        %mul3A_75 = arith.muli %mul3A_74, %scan3A_58 : i32
        "tpu.region"() ({
          %run_scoped3A = tpu.sem_alloc : memref<!tpu.dma_semaphore, #tpu.memory_space<semaphore_mem>>
          %dma_start3A_89 = arith.constant 0 : i32
          %dma_start3A_90 = tpu.memref_slice %arg8[%mul3A_75, %dma_start3A_89] : memref<8x128xi32, #tpu.memory_space<vmem>> -> memref<1x128xi32, #tpu.memory_space<vmem>>
          %dma_start3A_91 = tpu.memref_squeeze %dma_start3A_90 : memref<1x128xi32, #tpu.memory_space<vmem>> -> memref<128xi32, #tpu.memory_space<vmem>>
          %dma_start3A_92 = arith.constant 0 : i32
          %dma_start3A_93 = arith.constant 0 : i32
          %dma_start3A_94 = tpu.memref_slice %arg11[%dma_start3A_92, %dma_start3A_93] : memref<10240x128xf32, #tpu.memory_space<vmem_shared>> -> memref<10240x128xf32, #tpu.memory_space<vmem_shared>>
          tpu.enqueue_indirect_dma source(%arg9 : memref<128x128xf32, #tpu.memory_space<vmem>>) target(%dma_start3A_94 : memref<10240x128xf32, #tpu.memory_space<vmem_shared>>) offsets(%dma_start3A_91 : memref<128xi32, #tpu.memory_space<vmem>>) semaphore(%run_scoped3A : memref<!tpu.dma_semaphore, #tpu.memory_space<semaphore_mem>>) {add = true}
          %dma_wait3A_95 = arith.constant 0 : i32
          %dma_wait3A_96 = tpu.memref_slice %arg8[%mul3A_75, %dma_wait3A_95] : memref<8x128xi32, #tpu.memory_space<vmem>> -> memref<1x128xi32, #tpu.memory_space<vmem>>
          %dma_wait3A_97 = tpu.memref_squeeze %dma_wait3A_96 : memref<1x128xi32, #tpu.memory_space<vmem>> -> memref<128xi32, #tpu.memory_space<vmem>>
          %dma_wait3A_98 = arith.constant 0 : i32
          %dma_wait3A_99 = arith.constant 0 : i32
          %dma_wait3A_100 = tpu.memref_slice %arg11[%dma_wait3A_98, %dma_wait3A_99] : memref<10240x128xf32, #tpu.memory_space<vmem_shared>> -> memref<10240x128xf32, #tpu.memory_space<vmem_shared>>
          tpu.wait_indirect_dma semaphore(%run_scoped3A : memref<!tpu.dma_semaphore, #tpu.memory_space<semaphore_mem>>) src(%arg9 : memref<128x128xf32, #tpu.memory_space<vmem>>) dst(%dma_wait3A_100 : memref<10240x128xf32, #tpu.memory_space<vmem_shared>>)
          tpu.yield
        }) : () -> ()
        %lt3A = arith.constant 3 : i32
        %lt3A_76 = arith.cmpi slt, %scan3A_58, %lt3A : i32
        %convert_element_type3A = arith.extui %lt3A_76 : i1 to i32
        %cond3A = arith.constant 0 : i32
        %cond3A_77 = arith.cmpi ne, %convert_element_type3A, %cond3A : i32
        scf.if %cond3A_77 {
          %mul3A_89 = arith.constant 2 : i32
          %mul3A_90 = arith.muli %mul3A_89, %scan3A_58 : i32
          %add3A_91 = arith.constant 2 : i32
          %add3A_92 = arith.addi %mul3A_90, %add3A_91 : i32
          %dma_start3A_93 = arith.constant 0 : i32
          %dma_start3A_94 = tpu.memref_slice %arg7[%add3A_92, %dma_start3A_93] : memref<8x128xi32, #tpu.memory_space<vmem>> -> memref<1x128xi32, #tpu.memory_space<vmem>>
          %dma_start3A_95 = tpu.memref_squeeze %dma_start3A_94 : memref<1x128xi32, #tpu.memory_space<vmem>> -> memref<128xi32, #tpu.memory_space<vmem>>
          %dma_start3A_96 = arith.constant 0 : i32
          %dma_start3A_97 = arith.constant 0 : i32
          %dma_start3A_98 = tpu.memref_slice %arg2[%dma_start3A_96, %dma_start3A_97] : memref<10240x128xf32, #tpu.memory_space<hbm>> -> memref<10240x128xf32, #tpu.memory_space<hbm>>
          tpu.enqueue_indirect_dma source(%dma_start3A_98 : memref<10240x128xf32, #tpu.memory_space<hbm>>) target(%arg9 : memref<128x128xf32, #tpu.memory_space<vmem>>) offsets(%dma_start3A_95 : memref<128xi32, #tpu.memory_space<vmem>>) semaphore(%arg12 : memref<!tpu.dma_semaphore, #tpu.memory_space<semaphore_mem>>)
        } else {
        }
        %dma_wait3A_78 = arith.constant 0 : i32
        %dma_wait3A_79 = arith.constant 0 : i32
        %dma_wait3A_80 = tpu.memref_slice %arg7[%dma_wait3A_78, %dma_wait3A_79] : memref<8x128xi32, #tpu.memory_space<vmem>> -> memref<1x128xi32, #tpu.memory_space<vmem>>
        %dma_wait3A_81 = tpu.memref_squeeze %dma_wait3A_80 : memref<1x128xi32, #tpu.memory_space<vmem>> -> memref<128xi32, #tpu.memory_space<vmem>>
        %dma_wait3A_82 = arith.constant 0 : i32
        %dma_wait3A_83 = arith.constant 0 : i32
        %dma_wait3A_84 = tpu.memref_slice %arg2[%dma_wait3A_82, %dma_wait3A_83] : memref<10240x128xf32, #tpu.memory_space<hbm>> -> memref<10240x128xf32, #tpu.memory_space<hbm>>
        tpu.wait_indirect_dma semaphore(%arg13 : memref<!tpu.dma_semaphore, #tpu.memory_space<semaphore_mem>>) src(%dma_wait3A_84 : memref<10240x128xf32, #tpu.memory_space<hbm>>) dst(%arg10 : memref<128x128xf32, #tpu.memory_space<vmem>>)
        %mul3A_85 = arith.constant 2 : i32
        %mul3A_86 = arith.muli %mul3A_85, %scan3A_58 : i32
        %add3A_87 = arith.constant 1 : i32
        %add3A_88 = arith.addi %mul3A_86, %add3A_87 : i32
        "tpu.region"() ({
          %run_scoped3A = tpu.sem_alloc : memref<!tpu.dma_semaphore, #tpu.memory_space<semaphore_mem>>
          %dma_start3A_89 = arith.constant 0 : i32
          %dma_start3A_90 = tpu.memref_slice %arg8[%add3A_88, %dma_start3A_89] : memref<8x128xi32, #tpu.memory_space<vmem>> -> memref<1x128xi32, #tpu.memory_space<vmem>>
          %dma_start3A_91 = tpu.memref_squeeze %dma_start3A_90 : memref<1x128xi32, #tpu.memory_space<vmem>> -> memref<128xi32, #tpu.memory_space<vmem>>
          %dma_start3A_92 = arith.constant 0 : i32
          %dma_start3A_93 = arith.constant 0 : i32
          %dma_start3A_94 = tpu.memref_slice %arg11[%dma_start3A_92, %dma_start3A_93] : memref<10240x128xf32, #tpu.memory_space<vmem_shared>> -> memref<10240x128xf32, #tpu.memory_space<vmem_shared>>
          tpu.enqueue_indirect_dma source(%arg10 : memref<128x128xf32, #tpu.memory_space<vmem>>) target(%dma_start3A_94 : memref<10240x128xf32, #tpu.memory_space<vmem_shared>>) offsets(%dma_start3A_91 : memref<128xi32, #tpu.memory_space<vmem>>) semaphore(%run_scoped3A : memref<!tpu.dma_semaphore, #tpu.memory_space<semaphore_mem>>) {add = true}
          %dma_wait3A_95 = arith.constant 0 : i32
          %dma_wait3A_96 = tpu.memref_slice %arg8[%add3A_88, %dma_wait3A_95] : memref<8x128xi32, #tpu.memory_space<vmem>> -> memref<1x128xi32, #tpu.memory_space<vmem>>
          %dma_wait3A_97 = tpu.memref_squeeze %dma_wait3A_96 : memref<1x128xi32, #tpu.memory_space<vmem>> -> memref<128xi32, #tpu.memory_space<vmem>>
          %dma_wait3A_98 = arith.constant 0 : i32
          %dma_wait3A_99 = arith.constant 0 : i32
          %dma_wait3A_100 = tpu.memref_slice %arg11[%dma_wait3A_98, %dma_wait3A_99] : memref<10240x128xf32, #tpu.memory_space<vmem_shared>> -> memref<10240x128xf32, #tpu.memory_space<vmem_shared>>
          tpu.wait_indirect_dma semaphore(%run_scoped3A : memref<!tpu.dma_semaphore, #tpu.memory_space<semaphore_mem>>) src(%arg10 : memref<128x128xf32, #tpu.memory_space<vmem>>) dst(%dma_wait3A_100 : memref<10240x128xf32, #tpu.memory_space<vmem_shared>>)
          tpu.yield
        }) : () -> ()
      }
      %scan3A_57 = arith.constant 4 : i32
    }
    %barrier3A_35 = arith.constant 0 : index
    tpu.barrier barrier_id(%barrier3A_35)
    %mul3A_36 = arith.constant 640 : i32
    %mul3A_37 = arith.muli %arg1, %mul3A_36 : i32
    %mul3A_38 = arith.constant 640 : i32
    %mul3A_39 = arith.muli %arg1, %mul3A_38 : i32
    "tpu.region"() ({
      %run_scoped3A = tpu.sem_alloc : memref<!tpu.dma_semaphore, #tpu.memory_space<semaphore_mem>>
      %dma_start3A = arith.constant 0 : i32
      %dma_start3A_40 = arith.constant 0 : i32
      %dma_start3A_41 = tpu.memref_slice %arg6[%arg0, %dma_start3A, %dma_start3A_40] : memref<2x10240x128xf32, #tpu.memory_space<hbm>> -> memref<1x10240x128xf32, #tpu.memory_space<hbm>>
      %dma_start3A_42 = tpu.memref_squeeze %dma_start3A_41 : memref<1x10240x128xf32, #tpu.memory_space<hbm>> -> memref<10240x128xf32, #tpu.memory_space<hbm>>
      %dma_start3A_43 = arith.constant 0 : i32
      %dma_start3A_44 = tpu.memref_slice %dma_start3A_42[%mul3A_39, %dma_start3A_43] : memref<10240x128xf32, #tpu.memory_space<hbm>> -> memref<640x128xf32, #tpu.memory_space<hbm>>
      %dma_start3A_45 = arith.constant 0 : i32
      %dma_start3A_46 = tpu.memref_slice %arg11[%mul3A_37, %dma_start3A_45] : memref<10240x128xf32, #tpu.memory_space<vmem_shared>> -> memref<640x128xf32, #tpu.memory_space<vmem_shared>>
      tpu.enqueue_dma source(%dma_start3A_46 : memref<640x128xf32, #tpu.memory_space<vmem_shared>>) target(%dma_start3A_44 : memref<640x128xf32, #tpu.memory_space<hbm>>) target_semaphore(%run_scoped3A : memref<!tpu.dma_semaphore, #tpu.memory_space<semaphore_mem>>)
      %dma_wait3A = arith.constant 0 : i32
      %dma_wait3A_47 = arith.constant 0 : i32
      %dma_wait3A_48 = tpu.memref_slice %arg6[%arg0, %dma_wait3A, %dma_wait3A_47] : memref<2x10240x128xf32, #tpu.memory_space<hbm>> -> memref<1x10240x128xf32, #tpu.memory_space<hbm>>
      %dma_wait3A_49 = tpu.memref_squeeze %dma_wait3A_48 : memref<1x10240x128xf32, #tpu.memory_space<hbm>> -> memref<10240x128xf32, #tpu.memory_space<hbm>>
      %dma_wait3A_50 = arith.constant 0 : i32
      %dma_wait3A_51 = tpu.memref_slice %dma_wait3A_49[%mul3A_39, %dma_wait3A_50] : memref<10240x128xf32, #tpu.memory_space<hbm>> -> memref<640x128xf32, #tpu.memory_space<hbm>>
      %dma_wait3A_52 = arith.constant 0 : i32
      %dma_wait3A_53 = tpu.memref_slice %arg11[%mul3A_37, %dma_wait3A_52] : memref<10240x128xf32, #tpu.memory_space<vmem_shared>> -> memref<640x128xf32, #tpu.memory_space<vmem_shared>>
      tpu.wait_dma2 semaphore(%run_scoped3A : memref<!tpu.dma_semaphore, #tpu.memory_space<semaphore_mem>>) src(%dma_wait3A_53 : memref<640x128xf32, #tpu.memory_space<vmem_shared>>) dst(%dma_wait3A_51 : memref<640x128xf32, #tpu.memory_space<hbm>>)
      tpu.yield
    }) : () -> ()
    return
  }
}

#map = affine_map<(d0, d1) -> (0, 0)>
#map1 = affine_map<(d0, d1) -> (0, 0, 0)>
module attributes {stable_mosaic.version = 14 : i64} {
  func.func @k(%arg0: i32, %arg1: i32, %arg2: memref<2560x128xi32, #tpu.memory_space<hbm>>, %arg3: memref<640x128xf32, #tpu.memory_space<hbm>>, %arg4: memref<128x128xf32, #tpu.memory_space<hbm>>, %arg5: memref<2x10240x128xf32, #tpu.memory_space<hbm>>, %arg6: memref<16x128xi32, #tpu.memory_space<vmem>>, %arg7: memref<128x128xf32, #tpu.memory_space<vmem>>, %arg8: memref<10240x128xf32, #tpu.memory_space<vmem_shared>>) attributes {dimension_semantics = [#tpu.dimension_semantics<core_parallel>, #tpu.dimension_semantics<subcore_parallel>], iteration_bounds = array<i64: 2, 16>, scalar_prefetch = 0 : i64, scratch_operands = 3 : i64, tpu.core_type = #tpu.core_type<sc_vector_subcore>, window_params = [{transform_indices = #map}, {transform_indices = #map}, {transform_indices = #map}, {transform_indices = #map1}]} {
    %mul3A = arith.constant 16 : i32
    %mul3A_0 = arith.muli %arg0, %mul3A : i32
    %add3A = arith.addi %mul3A_0, %arg1 : i32
    "tpu.region"() ({
      %run_scoped3A = tpu.sem_alloc : memref<!tpu.dma_semaphore, #tpu.memory_space<semaphore_mem>>
      tpu.enqueue_dma source(%arg4 : memref<128x128xf32, #tpu.memory_space<hbm>>) target(%arg7 : memref<128x128xf32, #tpu.memory_space<vmem>>) target_semaphore(%run_scoped3A : memref<!tpu.dma_semaphore, #tpu.memory_space<semaphore_mem>>)
      tpu.wait_dma2 semaphore(%run_scoped3A : memref<!tpu.dma_semaphore, #tpu.memory_space<semaphore_mem>>) src(%arg4 : memref<128x128xf32, #tpu.memory_space<hbm>>) dst(%arg7 : memref<128x128xf32, #tpu.memory_space<vmem>>)
      tpu.yield
    }) : () -> ()
    %mul3A_1 = arith.constant 640 : i32
    %mul3A_2 = arith.muli %arg1, %mul3A_1 : i32
    "tpu.region"() ({
      %run_scoped3A = tpu.sem_alloc : memref<!tpu.dma_semaphore, #tpu.memory_space<semaphore_mem>>
      %dma_start3A = arith.constant 0 : i32
      %dma_start3A_13 = tpu.memref_slice %arg8[%mul3A_2, %dma_start3A] : memref<10240x128xf32, #tpu.memory_space<vmem_shared>> -> memref<640x128xf32, #tpu.memory_space<vmem_shared>>
      tpu.enqueue_dma source(%arg3 : memref<640x128xf32, #tpu.memory_space<hbm>>) target(%dma_start3A_13 : memref<640x128xf32, #tpu.memory_space<vmem_shared>>) target_semaphore(%run_scoped3A : memref<!tpu.dma_semaphore, #tpu.memory_space<semaphore_mem>>)
      %dma_wait3A = arith.constant 0 : i32
      %dma_wait3A_14 = tpu.memref_slice %arg8[%mul3A_2, %dma_wait3A] : memref<10240x128xf32, #tpu.memory_space<vmem_shared>> -> memref<640x128xf32, #tpu.memory_space<vmem_shared>>
      tpu.wait_dma2 semaphore(%run_scoped3A : memref<!tpu.dma_semaphore, #tpu.memory_space<semaphore_mem>>) src(%arg3 : memref<640x128xf32, #tpu.memory_space<hbm>>) dst(%dma_wait3A_14 : memref<640x128xf32, #tpu.memory_space<vmem_shared>>)
      tpu.yield
    }) : () -> ()
    %barrier3A = arith.constant 0 : index
    tpu.barrier barrier_id(%barrier3A)
    %scan3A = arith.constant 0 : i32
    %scan3A_3 = arith.constant 0 : i32
    %scan3A_4 = arith.constant 5 : i32
    %scan3A_5 = arith.addi %scan3A_3, %scan3A_4 : i32
    %scan3A_6 = arith.constant 1 : i32
    scf.for %scan3A_13 = %scan3A_3 to %scan3A_5 step %scan3A_6  : i32 {
      %mul3A_14 = arith.constant 80 : i32
      %mul3A_15 = arith.muli %add3A, %mul3A_14 : i32
      %mul3A_16 = arith.constant 16 : i32
      %mul3A_17 = arith.muli %scan3A_13, %mul3A_16 : i32
      %add3A_18 = arith.addi %mul3A_15, %mul3A_17 : i32
      "tpu.region"() ({
        %run_scoped3A = tpu.sem_alloc : memref<!tpu.dma_semaphore, #tpu.memory_space<semaphore_mem>>
        %dma_start3A = arith.constant 0 : i32
        %dma_start3A_24 = tpu.memref_slice %arg2[%add3A_18, %dma_start3A] : memref<2560x128xi32, #tpu.memory_space<hbm>> -> memref<16x128xi32, #tpu.memory_space<hbm>>
        %dma_start3A_25 = arith.constant 0 : i32
        %dma_start3A_26 = tpu.memref_slice %arg2[%add3A_18, %dma_start3A_25] : memref<2560x128xi32, #tpu.memory_space<hbm>> -> memref<16x128xi32, #tpu.memory_space<hbm>>
        tpu.enqueue_dma source(%dma_start3A_26 : memref<16x128xi32, #tpu.memory_space<hbm>>) target(%arg6 : memref<16x128xi32, #tpu.memory_space<vmem>>) target_semaphore(%run_scoped3A : memref<!tpu.dma_semaphore, #tpu.memory_space<semaphore_mem>>)
        %dma_wait3A = arith.constant 0 : i32
        %dma_wait3A_27 = tpu.memref_slice %arg2[%add3A_18, %dma_wait3A] : memref<2560x128xi32, #tpu.memory_space<hbm>> -> memref<16x128xi32, #tpu.memory_space<hbm>>
        %dma_wait3A_28 = arith.constant 0 : i32
        %dma_wait3A_29 = tpu.memref_slice %arg2[%add3A_18, %dma_wait3A_28] : memref<2560x128xi32, #tpu.memory_space<hbm>> -> memref<16x128xi32, #tpu.memory_space<hbm>>
        tpu.wait_dma2 semaphore(%run_scoped3A : memref<!tpu.dma_semaphore, #tpu.memory_space<semaphore_mem>>) src(%dma_wait3A_29 : memref<16x128xi32, #tpu.memory_space<hbm>>) dst(%arg6 : memref<16x128xi32, #tpu.memory_space<vmem>>)
        tpu.yield
      }) : () -> ()
      %scan3A_19 = arith.constant 0 : i32
      %scan3A_20 = arith.constant 16 : i32
      %scan3A_21 = arith.addi %scan3A_19, %scan3A_20 : i32
      %scan3A_22 = arith.constant 1 : i32
      scf.for %scan3A_24 = %scan3A_19 to %scan3A_21 step %scan3A_22  : i32 {
        "tpu.region"() ({
          %run_scoped3A = tpu.sem_alloc : memref<!tpu.dma_semaphore, #tpu.memory_space<semaphore_mem>>
          %dma_start3A = arith.constant 0 : i32
          %dma_start3A_25 = tpu.memref_slice %arg6[%scan3A_24, %dma_start3A] : memref<16x128xi32, #tpu.memory_space<vmem>> -> memref<1x128xi32, #tpu.memory_space<vmem>>
          %dma_start3A_26 = tpu.memref_squeeze %dma_start3A_25 : memref<1x128xi32, #tpu.memory_space<vmem>> -> memref<128xi32, #tpu.memory_space<vmem>>
          %dma_start3A_27 = arith.constant 0 : i32
          %dma_start3A_28 = arith.constant 0 : i32
          %dma_start3A_29 = tpu.memref_slice %arg8[%dma_start3A_27, %dma_start3A_28] : memref<10240x128xf32, #tpu.memory_space<vmem_shared>> -> memref<10240x128xf32, #tpu.memory_space<vmem_shared>>
          tpu.enqueue_indirect_dma source(%arg7 : memref<128x128xf32, #tpu.memory_space<vmem>>) target(%dma_start3A_29 : memref<10240x128xf32, #tpu.memory_space<vmem_shared>>) offsets(%dma_start3A_26 : memref<128xi32, #tpu.memory_space<vmem>>) semaphore(%run_scoped3A : memref<!tpu.dma_semaphore, #tpu.memory_space<semaphore_mem>>) {add = true}
          %dma_wait3A = arith.constant 0 : i32
          %dma_wait3A_30 = tpu.memref_slice %arg6[%scan3A_24, %dma_wait3A] : memref<16x128xi32, #tpu.memory_space<vmem>> -> memref<1x128xi32, #tpu.memory_space<vmem>>
          %dma_wait3A_31 = tpu.memref_squeeze %dma_wait3A_30 : memref<1x128xi32, #tpu.memory_space<vmem>> -> memref<128xi32, #tpu.memory_space<vmem>>
          %dma_wait3A_32 = arith.constant 0 : i32
          %dma_wait3A_33 = arith.constant 0 : i32
          %dma_wait3A_34 = tpu.memref_slice %arg8[%dma_wait3A_32, %dma_wait3A_33] : memref<10240x128xf32, #tpu.memory_space<vmem_shared>> -> memref<10240x128xf32, #tpu.memory_space<vmem_shared>>
          tpu.wait_indirect_dma semaphore(%run_scoped3A : memref<!tpu.dma_semaphore, #tpu.memory_space<semaphore_mem>>) src(%arg7 : memref<128x128xf32, #tpu.memory_space<vmem>>) dst(%dma_wait3A_34 : memref<10240x128xf32, #tpu.memory_space<vmem_shared>>)
          tpu.yield
        }) : () -> ()
      }
      %scan3A_23 = arith.constant 16 : i32
    }
    %scan3A_7 = arith.constant 5 : i32
    %barrier3A_8 = arith.constant 0 : index
    tpu.barrier barrier_id(%barrier3A_8)
    %mul3A_9 = arith.constant 640 : i32
    %mul3A_10 = arith.muli %arg1, %mul3A_9 : i32
    %mul3A_11 = arith.constant 640 : i32
    %mul3A_12 = arith.muli %arg1, %mul3A_11 : i32
    "tpu.region"() ({
      %run_scoped3A = tpu.sem_alloc : memref<!tpu.dma_semaphore, #tpu.memory_space<semaphore_mem>>
      %dma_start3A = arith.constant 0 : i32
      %dma_start3A_13 = arith.constant 0 : i32
      %dma_start3A_14 = tpu.memref_slice %arg5[%arg0, %dma_start3A, %dma_start3A_13] : memref<2x10240x128xf32, #tpu.memory_space<hbm>> -> memref<1x10240x128xf32, #tpu.memory_space<hbm>>
      %dma_start3A_15 = tpu.memref_squeeze %dma_start3A_14 : memref<1x10240x128xf32, #tpu.memory_space<hbm>> -> memref<10240x128xf32, #tpu.memory_space<hbm>>
      %dma_start3A_16 = arith.constant 0 : i32
      %dma_start3A_17 = tpu.memref_slice %dma_start3A_15[%mul3A_12, %dma_start3A_16] : memref<10240x128xf32, #tpu.memory_space<hbm>> -> memref<640x128xf32, #tpu.memory_space<hbm>>
      %dma_start3A_18 = arith.constant 0 : i32
      %dma_start3A_19 = tpu.memref_slice %arg8[%mul3A_10, %dma_start3A_18] : memref<10240x128xf32, #tpu.memory_space<vmem_shared>> -> memref<640x128xf32, #tpu.memory_space<vmem_shared>>
      tpu.enqueue_dma source(%dma_start3A_19 : memref<640x128xf32, #tpu.memory_space<vmem_shared>>) target(%dma_start3A_17 : memref<640x128xf32, #tpu.memory_space<hbm>>) target_semaphore(%run_scoped3A : memref<!tpu.dma_semaphore, #tpu.memory_space<semaphore_mem>>)
      %dma_wait3A = arith.constant 0 : i32
      %dma_wait3A_20 = arith.constant 0 : i32
      %dma_wait3A_21 = tpu.memref_slice %arg5[%arg0, %dma_wait3A, %dma_wait3A_20] : memref<2x10240x128xf32, #tpu.memory_space<hbm>> -> memref<1x10240x128xf32, #tpu.memory_space<hbm>>
      %dma_wait3A_22 = tpu.memref_squeeze %dma_wait3A_21 : memref<1x10240x128xf32, #tpu.memory_space<hbm>> -> memref<10240x128xf32, #tpu.memory_space<hbm>>
      %dma_wait3A_23 = arith.constant 0 : i32
      %dma_wait3A_24 = tpu.memref_slice %dma_wait3A_22[%mul3A_12, %dma_wait3A_23] : memref<10240x128xf32, #tpu.memory_space<hbm>> -> memref<640x128xf32, #tpu.memory_space<hbm>>
      %dma_wait3A_25 = arith.constant 0 : i32
      %dma_wait3A_26 = tpu.memref_slice %arg8[%mul3A_10, %dma_wait3A_25] : memref<10240x128xf32, #tpu.memory_space<vmem_shared>> -> memref<640x128xf32, #tpu.memory_space<vmem_shared>>
      tpu.wait_dma2 semaphore(%run_scoped3A : memref<!tpu.dma_semaphore, #tpu.memory_space<semaphore_mem>>) src(%dma_wait3A_26 : memref<640x128xf32, #tpu.memory_space<vmem_shared>>) dst(%dma_wait3A_24 : memref<640x128xf32, #tpu.memory_space<hbm>>)
      tpu.yield
    }) : () -> ()
    return
  }
}

#map = affine_map<(d0, d1) -> (0, 0)>
#map1 = affine_map<(d0, d1) -> (0, 0, 0)>
module attributes {stable_mosaic.version = 14 : i64} {
  func.func @k(%arg0: i32, %arg1: i32, %arg2: memref<20480x128xf32, #tpu.memory_space<hbm>>, %arg3: memref<32x1x64xi32, #tpu.memory_space<hbm>>, %arg4: memref<2048x128xf32, #tpu.memory_space<hbm>>, %arg5: memref<1x64xi32, #tpu.memory_space<vmem>>, %arg6: memref<64x128xf32, #tpu.memory_space<vmem>>, %arg7: memref<!tpu.dma_semaphore, #tpu.memory_space<semaphore_mem>>) attributes {dimension_semantics = [#tpu.dimension_semantics<core_parallel>, #tpu.dimension_semantics<subcore_parallel>], iteration_bounds = array<i64: 2, 16>, scalar_prefetch = 0 : i64, scratch_operands = 3 : i64, tpu.core_type = #tpu.core_type<sc_vector_subcore>, window_params = [{transform_indices = #map}, {transform_indices = #map1}, {transform_indices = #map}]} {
    %mul3A = arith.constant 16 : i32
    %mul3A_0 = arith.muli %arg0, %mul3A : i32
    %add3A = arith.addi %mul3A_0, %arg1 : i32
    "tpu.region"() ({
      %run_scoped3A = tpu.sem_alloc : memref<!tpu.dma_semaphore, #tpu.memory_space<semaphore_mem>>
      %dma_start3A_18 = arith.constant 0 : i32
      %dma_start3A_19 = arith.constant 0 : i32
      %dma_start3A_20 = tpu.memref_slice %arg3[%add3A, %dma_start3A_18, %dma_start3A_19] : memref<32x1x64xi32, #tpu.memory_space<hbm>> -> memref<1x1x64xi32, #tpu.memory_space<hbm>>
      %dma_start3A_21 = tpu.memref_squeeze %dma_start3A_20 : memref<1x1x64xi32, #tpu.memory_space<hbm>> -> memref<1x64xi32, #tpu.memory_space<hbm>>
      %dma_start3A_22 = arith.constant 0 : i32
      %dma_start3A_23 = arith.constant 0 : i32
      %dma_start3A_24 = tpu.memref_slice %arg3[%add3A, %dma_start3A_22, %dma_start3A_23] : memref<32x1x64xi32, #tpu.memory_space<hbm>> -> memref<1x1x64xi32, #tpu.memory_space<hbm>>
      %dma_start3A_25 = tpu.memref_squeeze %dma_start3A_24 : memref<1x1x64xi32, #tpu.memory_space<hbm>> -> memref<1x64xi32, #tpu.memory_space<hbm>>
      tpu.enqueue_dma source(%dma_start3A_25 : memref<1x64xi32, #tpu.memory_space<hbm>>) target(%arg5 : memref<1x64xi32, #tpu.memory_space<vmem>>) target_semaphore(%run_scoped3A : memref<!tpu.dma_semaphore, #tpu.memory_space<semaphore_mem>>)
      %dma_wait3A_26 = arith.constant 0 : i32
      %dma_wait3A_27 = arith.constant 0 : i32
      %dma_wait3A_28 = tpu.memref_slice %arg3[%add3A, %dma_wait3A_26, %dma_wait3A_27] : memref<32x1x64xi32, #tpu.memory_space<hbm>> -> memref<1x1x64xi32, #tpu.memory_space<hbm>>
      %dma_wait3A_29 = tpu.memref_squeeze %dma_wait3A_28 : memref<1x1x64xi32, #tpu.memory_space<hbm>> -> memref<1x64xi32, #tpu.memory_space<hbm>>
      %dma_wait3A_30 = arith.constant 0 : i32
      %dma_wait3A_31 = arith.constant 0 : i32
      %dma_wait3A_32 = tpu.memref_slice %arg3[%add3A, %dma_wait3A_30, %dma_wait3A_31] : memref<32x1x64xi32, #tpu.memory_space<hbm>> -> memref<1x1x64xi32, #tpu.memory_space<hbm>>
      %dma_wait3A_33 = tpu.memref_squeeze %dma_wait3A_32 : memref<1x1x64xi32, #tpu.memory_space<hbm>> -> memref<1x64xi32, #tpu.memory_space<hbm>>
      tpu.wait_dma2 semaphore(%run_scoped3A : memref<!tpu.dma_semaphore, #tpu.memory_space<semaphore_mem>>) src(%dma_wait3A_33 : memref<1x64xi32, #tpu.memory_space<hbm>>) dst(%arg5 : memref<1x64xi32, #tpu.memory_space<vmem>>)
      tpu.yield
    }) : () -> ()
    %scan3A = arith.constant 0 : i32
    %scan3A_1 = arith.constant 0 : i32
    %dma_start3A = arith.constant 0 : i32
    %dma_start3A_2 = tpu.memref_slice %arg5[%scan3A_1, %dma_start3A] : memref<1x64xi32, #tpu.memory_space<vmem>> -> memref<1x64xi32, #tpu.memory_space<vmem>>
    %dma_start3A_3 = tpu.memref_squeeze %dma_start3A_2 : memref<1x64xi32, #tpu.memory_space<vmem>> -> memref<64xi32, #tpu.memory_space<vmem>>
    %dma_start3A_4 = arith.constant 0 : i32
    %dma_start3A_5 = arith.constant 0 : i32
    %dma_start3A_6 = tpu.memref_slice %arg2[%dma_start3A_4, %dma_start3A_5] : memref<20480x128xf32, #tpu.memory_space<hbm>> -> memref<20480x128xf32, #tpu.memory_space<hbm>>
    tpu.enqueue_indirect_dma source(%dma_start3A_6 : memref<20480x128xf32, #tpu.memory_space<hbm>>) target(%arg6 : memref<64x128xf32, #tpu.memory_space<vmem>>) offsets(%dma_start3A_3 : memref<64xi32, #tpu.memory_space<vmem>>) semaphore(%arg7 : memref<!tpu.dma_semaphore, #tpu.memory_space<semaphore_mem>>)
    %dma_wait3A = arith.constant 0 : i32
    %dma_wait3A_7 = tpu.memref_slice %arg5[%scan3A_1, %dma_wait3A] : memref<1x64xi32, #tpu.memory_space<vmem>> -> memref<1x64xi32, #tpu.memory_space<vmem>>
    %dma_wait3A_8 = tpu.memref_squeeze %dma_wait3A_7 : memref<1x64xi32, #tpu.memory_space<vmem>> -> memref<64xi32, #tpu.memory_space<vmem>>
    %dma_wait3A_9 = arith.constant 0 : i32
    %dma_wait3A_10 = arith.constant 0 : i32
    %dma_wait3A_11 = tpu.memref_slice %arg2[%dma_wait3A_9, %dma_wait3A_10] : memref<20480x128xf32, #tpu.memory_space<hbm>> -> memref<20480x128xf32, #tpu.memory_space<hbm>>
    tpu.wait_indirect_dma semaphore(%arg7 : memref<!tpu.dma_semaphore, #tpu.memory_space<semaphore_mem>>) src(%dma_wait3A_11 : memref<20480x128xf32, #tpu.memory_space<hbm>>) dst(%arg6 : memref<64x128xf32, #tpu.memory_space<vmem>>)
    %mul3A_12 = arith.constant 1 : i32
    %mul3A_13 = arith.muli %add3A, %mul3A_12 : i32
    %add3A_14 = arith.addi %mul3A_13, %scan3A_1 : i32
    %mul3A_15 = arith.constant 64 : i32
    %mul3A_16 = arith.muli %add3A_14, %mul3A_15 : i32
    "tpu.region"() ({
      %run_scoped3A = tpu.sem_alloc : memref<!tpu.dma_semaphore, #tpu.memory_space<semaphore_mem>>
      %dma_start3A_18 = arith.constant 0 : i32
      %dma_start3A_19 = tpu.memref_slice %arg4[%mul3A_16, %dma_start3A_18] : memref<2048x128xf32, #tpu.memory_space<hbm>> -> memref<64x128xf32, #tpu.memory_space<hbm>>
      %dma_start3A_20 = arith.constant 0 : i32
      %dma_start3A_21 = tpu.memref_slice %arg4[%mul3A_16, %dma_start3A_20] : memref<2048x128xf32, #tpu.memory_space<hbm>> -> memref<64x128xf32, #tpu.memory_space<hbm>>
      tpu.enqueue_dma source(%arg6 : memref<64x128xf32, #tpu.memory_space<vmem>>) target(%dma_start3A_21 : memref<64x128xf32, #tpu.memory_space<hbm>>) target_semaphore(%run_scoped3A : memref<!tpu.dma_semaphore, #tpu.memory_space<semaphore_mem>>)
      %dma_wait3A_22 = arith.constant 0 : i32
      %dma_wait3A_23 = tpu.memref_slice %arg4[%mul3A_16, %dma_wait3A_22] : memref<2048x128xf32, #tpu.memory_space<hbm>> -> memref<64x128xf32, #tpu.memory_space<hbm>>
      %dma_wait3A_24 = arith.constant 0 : i32
      %dma_wait3A_25 = tpu.memref_slice %arg4[%mul3A_16, %dma_wait3A_24] : memref<2048x128xf32, #tpu.memory_space<hbm>> -> memref<64x128xf32, #tpu.memory_space<hbm>>
      tpu.wait_dma2 semaphore(%run_scoped3A : memref<!tpu.dma_semaphore, #tpu.memory_space<semaphore_mem>>) src(%arg6 : memref<64x128xf32, #tpu.memory_space<vmem>>) dst(%dma_wait3A_25 : memref<64x128xf32, #tpu.memory_space<hbm>>)
      tpu.yield
    }) : () -> ()
    %scan3A_17 = arith.constant 1 : i32
    return
  }
}

#map = affine_map<(d0, d1) -> (0, 0)>
#map1 = affine_map<(d0, d1) -> (0, 0, 0)>
module attributes {stable_mosaic.version = 14 : i64} {
  func.func @k(%arg0: i32, %arg1: i32, %arg2: memref<20480x128xf32, #tpu.memory_space<hbm>>, %arg3: memref<32x1x64xi32, #tpu.memory_space<hbm>>, %arg4: memref<2048x128xf32, #tpu.memory_space<hbm>>, %arg5: memref<1x64xi32, #tpu.memory_space<vmem>>, %arg6: memref<64x128xf32, #tpu.memory_space<vmem>>, %arg7: memref<!tpu.dma_semaphore, #tpu.memory_space<semaphore_mem>>) attributes {dimension_semantics = [#tpu.dimension_semantics<core_parallel>, #tpu.dimension_semantics<subcore_parallel>], iteration_bounds = array<i64: 2, 16>, scalar_prefetch = 0 : i64, scratch_operands = 3 : i64, tpu.core_type = #tpu.core_type<sc_vector_subcore>, window_params = [{transform_indices = #map}, {transform_indices = #map1}, {transform_indices = #map}]} {
    %mul3A = arith.constant 16 : i32
    %mul3A_0 = arith.muli %arg0, %mul3A : i32
    %add3A = arith.addi %mul3A_0, %arg1 : i32
    "tpu.region"() ({
      %run_scoped3A = tpu.sem_alloc : memref<!tpu.dma_semaphore, #tpu.memory_space<semaphore_mem>>
      %dma_start3A_18 = arith.constant 0 : i32
      %dma_start3A_19 = arith.constant 0 : i32
      %dma_start3A_20 = tpu.memref_slice %arg3[%add3A, %dma_start3A_18, %dma_start3A_19] : memref<32x1x64xi32, #tpu.memory_space<hbm>> -> memref<1x1x64xi32, #tpu.memory_space<hbm>>
      %dma_start3A_21 = tpu.memref_squeeze %dma_start3A_20 : memref<1x1x64xi32, #tpu.memory_space<hbm>> -> memref<1x64xi32, #tpu.memory_space<hbm>>
      %dma_start3A_22 = arith.constant 0 : i32
      %dma_start3A_23 = arith.constant 0 : i32
      %dma_start3A_24 = tpu.memref_slice %arg3[%add3A, %dma_start3A_22, %dma_start3A_23] : memref<32x1x64xi32, #tpu.memory_space<hbm>> -> memref<1x1x64xi32, #tpu.memory_space<hbm>>
      %dma_start3A_25 = tpu.memref_squeeze %dma_start3A_24 : memref<1x1x64xi32, #tpu.memory_space<hbm>> -> memref<1x64xi32, #tpu.memory_space<hbm>>
      tpu.enqueue_dma source(%dma_start3A_25 : memref<1x64xi32, #tpu.memory_space<hbm>>) target(%arg5 : memref<1x64xi32, #tpu.memory_space<vmem>>) target_semaphore(%run_scoped3A : memref<!tpu.dma_semaphore, #tpu.memory_space<semaphore_mem>>)
      %dma_wait3A_26 = arith.constant 0 : i32
      %dma_wait3A_27 = arith.constant 0 : i32
      %dma_wait3A_28 = tpu.memref_slice %arg3[%add3A, %dma_wait3A_26, %dma_wait3A_27] : memref<32x1x64xi32, #tpu.memory_space<hbm>> -> memref<1x1x64xi32, #tpu.memory_space<hbm>>
      %dma_wait3A_29 = tpu.memref_squeeze %dma_wait3A_28 : memref<1x1x64xi32, #tpu.memory_space<hbm>> -> memref<1x64xi32, #tpu.memory_space<hbm>>
      %dma_wait3A_30 = arith.constant 0 : i32
      %dma_wait3A_31 = arith.constant 0 : i32
      %dma_wait3A_32 = tpu.memref_slice %arg3[%add3A, %dma_wait3A_30, %dma_wait3A_31] : memref<32x1x64xi32, #tpu.memory_space<hbm>> -> memref<1x1x64xi32, #tpu.memory_space<hbm>>
      %dma_wait3A_33 = tpu.memref_squeeze %dma_wait3A_32 : memref<1x1x64xi32, #tpu.memory_space<hbm>> -> memref<1x64xi32, #tpu.memory_space<hbm>>
      tpu.wait_dma2 semaphore(%run_scoped3A : memref<!tpu.dma_semaphore, #tpu.memory_space<semaphore_mem>>) src(%dma_wait3A_33 : memref<1x64xi32, #tpu.memory_space<hbm>>) dst(%arg5 : memref<1x64xi32, #tpu.memory_space<vmem>>)
      tpu.yield
    }) : () -> ()
    %scan3A = arith.constant 0 : i32
    %scan3A_1 = arith.constant 0 : i32
    %dma_start3A = arith.constant 0 : i32
    %dma_start3A_2 = tpu.memref_slice %arg5[%scan3A_1, %dma_start3A] : memref<1x64xi32, #tpu.memory_space<vmem>> -> memref<1x64xi32, #tpu.memory_space<vmem>>
    %dma_start3A_3 = tpu.memref_squeeze %dma_start3A_2 : memref<1x64xi32, #tpu.memory_space<vmem>> -> memref<64xi32, #tpu.memory_space<vmem>>
    %dma_start3A_4 = arith.constant 0 : i32
    %dma_start3A_5 = arith.constant 0 : i32
    %dma_start3A_6 = tpu.memref_slice %arg2[%dma_start3A_4, %dma_start3A_5] : memref<20480x128xf32, #tpu.memory_space<hbm>> -> memref<20480x128xf32, #tpu.memory_space<hbm>>
    tpu.enqueue_indirect_dma source(%dma_start3A_6 : memref<20480x128xf32, #tpu.memory_space<hbm>>) target(%arg6 : memref<64x128xf32, #tpu.memory_space<vmem>>) offsets(%dma_start3A_3 : memref<64xi32, #tpu.memory_space<vmem>>) semaphore(%arg7 : memref<!tpu.dma_semaphore, #tpu.memory_space<semaphore_mem>>)
    %dma_wait3A = arith.constant 0 : i32
    %dma_wait3A_7 = tpu.memref_slice %arg5[%scan3A_1, %dma_wait3A] : memref<1x64xi32, #tpu.memory_space<vmem>> -> memref<1x64xi32, #tpu.memory_space<vmem>>
    %dma_wait3A_8 = tpu.memref_squeeze %dma_wait3A_7 : memref<1x64xi32, #tpu.memory_space<vmem>> -> memref<64xi32, #tpu.memory_space<vmem>>
    %dma_wait3A_9 = arith.constant 0 : i32
    %dma_wait3A_10 = arith.constant 0 : i32
    %dma_wait3A_11 = tpu.memref_slice %arg2[%dma_wait3A_9, %dma_wait3A_10] : memref<20480x128xf32, #tpu.memory_space<hbm>> -> memref<20480x128xf32, #tpu.memory_space<hbm>>
    tpu.wait_indirect_dma semaphore(%arg7 : memref<!tpu.dma_semaphore, #tpu.memory_space<semaphore_mem>>) src(%dma_wait3A_11 : memref<20480x128xf32, #tpu.memory_space<hbm>>) dst(%arg6 : memref<64x128xf32, #tpu.memory_space<vmem>>)
    %mul3A_12 = arith.constant 1 : i32
    %mul3A_13 = arith.muli %add3A, %mul3A_12 : i32
    %add3A_14 = arith.addi %mul3A_13, %scan3A_1 : i32
    %mul3A_15 = arith.constant 64 : i32
    %mul3A_16 = arith.muli %add3A_14, %mul3A_15 : i32
    "tpu.region"() ({
      %run_scoped3A = tpu.sem_alloc : memref<!tpu.dma_semaphore, #tpu.memory_space<semaphore_mem>>
      %dma_start3A_18 = arith.constant 0 : i32
      %dma_start3A_19 = tpu.memref_slice %arg4[%mul3A_16, %dma_start3A_18] : memref<2048x128xf32, #tpu.memory_space<hbm>> -> memref<64x128xf32, #tpu.memory_space<hbm>>
      %dma_start3A_20 = arith.constant 0 : i32
      %dma_start3A_21 = tpu.memref_slice %arg4[%mul3A_16, %dma_start3A_20] : memref<2048x128xf32, #tpu.memory_space<hbm>> -> memref<64x128xf32, #tpu.memory_space<hbm>>
      tpu.enqueue_dma source(%arg6 : memref<64x128xf32, #tpu.memory_space<vmem>>) target(%dma_start3A_21 : memref<64x128xf32, #tpu.memory_space<hbm>>) target_semaphore(%run_scoped3A : memref<!tpu.dma_semaphore, #tpu.memory_space<semaphore_mem>>)
      %dma_wait3A_22 = arith.constant 0 : i32
      %dma_wait3A_23 = tpu.memref_slice %arg4[%mul3A_16, %dma_wait3A_22] : memref<2048x128xf32, #tpu.memory_space<hbm>> -> memref<64x128xf32, #tpu.memory_space<hbm>>
      %dma_wait3A_24 = arith.constant 0 : i32
      %dma_wait3A_25 = tpu.memref_slice %arg4[%mul3A_16, %dma_wait3A_24] : memref<2048x128xf32, #tpu.memory_space<hbm>> -> memref<64x128xf32, #tpu.memory_space<hbm>>
      tpu.wait_dma2 semaphore(%run_scoped3A : memref<!tpu.dma_semaphore, #tpu.memory_space<semaphore_mem>>) src(%arg6 : memref<64x128xf32, #tpu.memory_space<vmem>>) dst(%dma_wait3A_25 : memref<64x128xf32, #tpu.memory_space<hbm>>)
      tpu.yield
    }) : () -> ()
    %scan3A_17 = arith.constant 1 : i32
    return
  }
}

module attributes {stable_mosaic.version = 14 : i64} {
  func.func @body(%arg0: i32, %arg1: memref<2x512x128xf32, #tpu.memory_space<vmem>>, %arg2: memref<2x512x128xf32, #tpu.memory_space<vmem>>, %arg3: memref<512x128xf32, #tpu.memory_space<vmem>>, %arg4: memref<128x128xf32, #tpu.memory_space<vmem>>, %arg5: memref<128x128xf32, #tpu.memory_space<vmem>>, %arg6: memref<1x128xf32, #tpu.memory_space<vmem>>, %arg7: memref<2x512x128xf32, #tpu.memory_space<vmem>>) attributes {dimension_semantics = [#tpu.dimension_semantics<arbitrary>], iteration_bounds = array<i64: 20>, scalar_prefetch = 0 : i64, scratch_operands = 0 : i64, tpu.core_type = #tpu.core_type<tc>, window_params = [{transform_indices = @transform_0, window_bounds = array<i64: 2, 512, 128>}, {transform_indices = @transform_1, window_bounds = array<i64: 2, 512, 128>}, {transform_indices = @transform_2, window_bounds = array<i64: 512, 128>}, {pipeline_mode = #tpu.pipeline_mode<synchronous>, transform_indices = @transform_3, window_bounds = array<i64: 128, 128>}, {pipeline_mode = #tpu.pipeline_mode<synchronous>, transform_indices = @transform_4, window_bounds = array<i64: 128, 128>}, {pipeline_mode = #tpu.pipeline_mode<synchronous>, transform_indices = @transform_5, window_bounds = array<i64: 1, 128>}, {transform_indices = @transform_6, window_bounds = array<i64: 2, 512, 128>}]} {
    %get3A = arith.constant 0 : index
    %get3A_0 = arith.constant 0 : index
    %get3A_1 = arith.constant 0 : index
    %get3A_2 = vector.load %arg1[%get3A, %get3A_0, %get3A_1] : memref<2x512x128xf32, #tpu.memory_space<vmem>>, vector<1x512x128xf32>
    %get3A_3 = vector.shape_cast %get3A_2 : vector<1x512x128xf32> to vector<512x128xf32>
    %get3A_4 = arith.constant 1 : index
    %get3A_5 = arith.constant 0 : index
    %get3A_6 = arith.constant 0 : index
    %get3A_7 = vector.load %arg1[%get3A_4, %get3A_5, %get3A_6] : memref<2x512x128xf32, #tpu.memory_space<vmem>>, vector<1x512x128xf32>
    %get3A_8 = vector.shape_cast %get3A_7 : vector<1x512x128xf32> to vector<512x128xf32>
    %add3A = arith.addf %get3A_3, %get3A_8 : vector<512x128xf32>
    %get3A_9 = arith.constant 0 : index
    %get3A_10 = arith.constant 0 : index
    %get3A_11 = arith.constant 0 : index
    %get3A_12 = vector.load %arg2[%get3A_9, %get3A_10, %get3A_11] : memref<2x512x128xf32, #tpu.memory_space<vmem>>, vector<1x512x1xf32>
    %get3A_13 = vector.shape_cast %get3A_12 : vector<1x512x1xf32> to vector<512xf32>
    %get3A_14 = arith.constant 1 : index
    %get3A_15 = arith.constant 0 : index
    %get3A_16 = arith.constant 0 : index
    %get3A_17 = vector.load %arg2[%get3A_14, %get3A_15, %get3A_16] : memref<2x512x128xf32, #tpu.memory_space<vmem>>, vector<1x512x1xf32>
    %get3A_18 = vector.shape_cast %get3A_17 : vector<1x512x1xf32> to vector<512xf32>
    %add3A_19 = arith.addf %get3A_13, %get3A_18 : vector<512xf32>
    %max3A = arith.constant 1.000000e+00 : f32
    %max3A_20 = vector.broadcast %max3A : f32 to vector<512xf32>
    %max3A_21 = arith.maximumf %add3A_19, %max3A_20 : vector<512xf32>
    %div3A = arith.constant 1.000000e+00 : f32
    %div3A_22 = vector.broadcast %div3A : f32 to vector<512xf32>
    %div3A_23 = arith.divf %div3A_22, %max3A_21 : vector<512xf32>
    %broadcast_in_dim3A = vector.shape_cast %div3A_23 : vector<512xf32> to vector<512x1xf32>
    %mul3A = vector.broadcast %broadcast_in_dim3A : vector<512x1xf32> to vector<512x128xf32>
    %mul3A_24 = arith.mulf %add3A, %mul3A : vector<512x128xf32>
    %get3A_25 = arith.constant 0 : index
    %get3A_26 = arith.constant 0 : index
    %get3A_27 = vector.load %arg4[%get3A_25, %get3A_26] : memref<128x128xf32, #tpu.memory_space<vmem>>, vector<128x128xf32>
    %dot_general3A = arith.constant dense<0.000000e+00> : vector<512x128xf32>
    %dot_general3A_28 = tpu.matmul %mul3A_24, %get3A_27, %dot_general3A {dimension_numbers = #tpu.dot_dimension_numbers<[1], [0], [0], [1], [0, 0, 1, 1], [], []>, transpose_lhs_hint = false} : vector<512x128xf32>, vector<128x128xf32>, vector<512x128xf32> -> vector<512x128xf32>
    %get3A_29 = arith.constant 0 : index
    %get3A_30 = arith.constant 0 : index
    %get3A_31 = vector.load %arg3[%get3A_29, %get3A_30] : memref<512x128xf32, #tpu.memory_space<vmem>>, vector<512x128xf32>
    %get3A_32 = arith.constant 0 : index
    %get3A_33 = arith.constant 0 : index
    %get3A_34 = vector.load %arg5[%get3A_32, %get3A_33] : memref<128x128xf32, #tpu.memory_space<vmem>>, vector<128x128xf32>
    %dot_general3A_35 = arith.constant dense<0.000000e+00> : vector<512x128xf32>
    %dot_general3A_36 = tpu.matmul %get3A_31, %get3A_34, %dot_general3A_35 {dimension_numbers = #tpu.dot_dimension_numbers<[1], [0], [0], [1], [0, 0, 1, 1], [], []>, transpose_lhs_hint = false} : vector<512x128xf32>, vector<128x128xf32>, vector<512x128xf32> -> vector<512x128xf32>
    %add3A_37 = arith.addf %dot_general3A_28, %dot_general3A_36 : vector<512x128xf32>
    %get3A_38 = arith.constant 0 : index
    %get3A_39 = arith.constant 0 : index
    %get3A_40 = vector.load %arg6[%get3A_38, %get3A_39] : memref<1x128xf32, #tpu.memory_space<vmem>>, vector<1x128xf32>
    %add3A_41 = vector.broadcast %get3A_40 : vector<1x128xf32> to vector<512x128xf32>
    %add3A_42 = arith.addf %add3A_37, %add3A_41 : vector<512x128xf32>
    %max3A_43 = arith.constant 0.000000e+00 : f32
    %max3A_44 = vector.broadcast %max3A_43 : f32 to vector<512x128xf32>
    %max3A_45 = arith.maximumf %add3A_42, %max3A_44 : vector<512x128xf32>
    %swap3A = arith.constant 0 : index
    %swap3A_46 = arith.constant 0 : index
    %swap3A_47 = arith.constant 0 : index
    %swap3A_48 = vector.load %arg7[%swap3A, %swap3A_46, %swap3A_47] : memref<2x512x128xf32, #tpu.memory_space<vmem>>, vector<1x512x128xf32>
    %swap3A_49 = vector.shape_cast %swap3A_48 : vector<1x512x128xf32> to vector<512x128xf32>
    %swap3A_50 = vector.shape_cast %max3A_45 : vector<512x128xf32> to vector<1x512x128xf32>
    tpu.vector_store %arg7[%swap3A, %swap3A_46, %swap3A_47], %swap3A_50 {strides = array<i32>} : memref<2x512x128xf32, #tpu.memory_space<vmem>>, vector<1x512x128xf32>,
    %broadcast_in_dim3A_51 = vector.shape_cast %div3A_23 : vector<512xf32> to vector<512x1xf32>
    %broadcast_in_dim3A_52 = vector.shape_cast %broadcast_in_dim3A_51 : vector<512x1xf32> to vector<512x1xf32>
    %broadcast_in_dim3A_53 = vector.broadcast %broadcast_in_dim3A_52 : vector<512x1xf32> to vector<512x128xf32>
    %swap3A_54 = arith.constant 1 : index
    %swap3A_55 = arith.constant 0 : index
    %swap3A_56 = arith.constant 0 : index
    %swap3A_57 = vector.load %arg7[%swap3A_54, %swap3A_55, %swap3A_56] : memref<2x512x128xf32, #tpu.memory_space<vmem>>, vector<1x512x128xf32>
    %swap3A_58 = vector.shape_cast %swap3A_57 : vector<1x512x128xf32> to vector<512x128xf32>
    %swap3A_59 = vector.shape_cast %broadcast_in_dim3A_53 : vector<512x128xf32> to vector<1x512x128xf32>
    tpu.vector_store %arg7[%swap3A_54, %swap3A_55, %swap3A_56], %swap3A_59 {strides = array<i32>} : memref<2x512x128xf32, #tpu.memory_space<vmem>>, vector<1x512x128xf32>,
    return
  }
  func.func @transform_0(%arg0: i32) -> (i32, i32, i32) {
    %c0_i32 = arith.constant 0 : i32
    %c0_i32_0 = arith.constant 0 : i32
    %c0_i32_1 = arith.constant 0 : i32
    return %c0_i32, %arg0, %c0_i32_0 : i32, i32, i32
  }
  func.func @transform_1(%arg0: i32) -> (i32, i32, i32) {
    %c0_i32 = arith.constant 0 : i32
    %c0_i32_0 = arith.constant 0 : i32
    %c0_i32_1 = arith.constant 0 : i32
    return %c0_i32, %arg0, %c0_i32_0 : i32, i32, i32
  }
  func.func @transform_2(%arg0: i32) -> (i32, i32) {
    %c0_i32 = arith.constant 0 : i32
    %c0_i32_0 = arith.constant 0 : i32
    return %arg0, %c0_i32 : i32, i32
  }
  func.func @transform_3(%arg0: i32) -> (i32, i32) {
    %c0_i32 = arith.constant 0 : i32
    %c0_i32_0 = arith.constant 0 : i32
    %c0_i32_1 = arith.constant 0 : i32
    return %c0_i32, %c0_i32_0 : i32, i32
  }
  func.func @transform_4(%arg0: i32) -> (i32, i32) {
    %c0_i32 = arith.constant 0 : i32
    %c0_i32_0 = arith.constant 0 : i32
    %c0_i32_1 = arith.constant 0 : i32
    return %c0_i32, %c0_i32_0 : i32, i32
  }
  func.func @transform_5(%arg0: i32) -> (i32, i32) {
    %c0_i32 = arith.constant 0 : i32
    %c0_i32_0 = arith.constant 0 : i32
    %c0_i32_1 = arith.constant 0 : i32
    return %c0_i32, %c0_i32_0 : i32, i32
  }
  func.func @transform_6(%arg0: i32) -> (i32, i32, i32) {
    %c0_i32 = arith.constant 0 : i32
    %c0_i32_0 = arith.constant 0 : i32
    %c0_i32_1 = arith.constant 0 : i32
    return %c0_i32, %arg0, %c0_i32_0 : i32, i32, i32
  }
}

module attributes {stable_mosaic.version = 14 : i64} {
  func.func @body(%arg0: i32, %arg1: memref<256x128xf32, #tpu.memory_space<vmem>>, %arg2: memref<256x128xf32, #tpu.memory_space<vmem>>, %arg3: memref<256x128xf32, #tpu.memory_space<vmem>>, %arg4: memref<256x128xf32, #tpu.memory_space<vmem>>, %arg5: memref<128x10000xf32, #tpu.memory_space<vmem>>, %arg6: memref<128x10000xf32, #tpu.memory_space<vmem>>, %arg7: memref<1x10000xf32, #tpu.memory_space<vmem>>, %arg8: memref<256x10000xf32, #tpu.memory_space<vmem>>) attributes {dimension_semantics = [#tpu.dimension_semantics<arbitrary>], iteration_bounds = array<i64: 4>, scalar_prefetch = 0 : i64, scratch_operands = 0 : i64, tpu.core_type = #tpu.core_type<tc>, window_params = [{transform_indices = @transform_0, window_bounds = array<i64: 256, 128>}, {transform_indices = @transform_1, window_bounds = array<i64: 256, 128>}, {transform_indices = @transform_2, window_bounds = array<i64: 256, 128>}, {transform_indices = @transform_3, window_bounds = array<i64: 256, 128>}, {pipeline_mode = #tpu.pipeline_mode<synchronous>, transform_indices = @transform_4, window_bounds = array<i64: 128, 10000>}, {pipeline_mode = #tpu.pipeline_mode<synchronous>, transform_indices = @transform_5, window_bounds = array<i64: 128, 10000>}, {pipeline_mode = #tpu.pipeline_mode<synchronous>, transform_indices = @transform_6, window_bounds = array<i64: 1, 10000>}, {transform_indices = @transform_7, window_bounds = array<i64: 256, 10000>}]} {
    %get3A = arith.constant 0 : index
    %get3A_0 = arith.constant 0 : index
    %get3A_1 = vector.load %arg1[%get3A, %get3A_0] : memref<256x128xf32, #tpu.memory_space<vmem>>, vector<256x128xf32>
    %get3A_2 = arith.constant 0 : index
    %get3A_3 = arith.constant 0 : index
    %get3A_4 = vector.load %arg2[%get3A_2, %get3A_3] : memref<256x128xf32, #tpu.memory_space<vmem>>, vector<256x128xf32>
    %add3A = arith.addf %get3A_1, %get3A_4 : vector<256x128xf32>
    %get3A_5 = arith.constant 0 : index
    %get3A_6 = arith.constant 0 : index
    %get3A_7 = vector.load %arg3[%get3A_5, %get3A_6] : memref<256x128xf32, #tpu.memory_space<vmem>>, vector<256x128xf32>
    %mul3A = arith.mulf %add3A, %get3A_7 : vector<256x128xf32>
    %get3A_8 = arith.constant 0 : index
    %get3A_9 = arith.constant 0 : index
    %get3A_10 = vector.load %arg5[%get3A_8, %get3A_9] : memref<128x10000xf32, #tpu.memory_space<vmem>>, vector<128x10000xf32>
    %dot_general3A = arith.constant dense<0.000000e+00> : vector<256x10000xf32>
    %dot_general3A_11 = tpu.matmul %mul3A, %get3A_10, %dot_general3A {dimension_numbers = #tpu.dot_dimension_numbers<[1], [0], [0], [1], [0, 0, 1, 1], [], []>, transpose_lhs_hint = false} : vector<256x128xf32>, vector<128x10000xf32>, vector<256x10000xf32> -> vector<256x10000xf32>
    %get3A_12 = arith.constant 0 : index
    %get3A_13 = arith.constant 0 : index
    %get3A_14 = vector.load %arg4[%get3A_12, %get3A_13] : memref<256x128xf32, #tpu.memory_space<vmem>>, vector<256x128xf32>
    %get3A_15 = arith.constant 0 : index
    %get3A_16 = arith.constant 0 : index
    %get3A_17 = vector.load %arg6[%get3A_15, %get3A_16] : memref<128x10000xf32, #tpu.memory_space<vmem>>, vector<128x10000xf32>
    %dot_general3A_18 = arith.constant dense<0.000000e+00> : vector<256x10000xf32>
    %dot_general3A_19 = tpu.matmul %get3A_14, %get3A_17, %dot_general3A_18 {dimension_numbers = #tpu.dot_dimension_numbers<[1], [0], [0], [1], [0, 0, 1, 1], [], []>, transpose_lhs_hint = false} : vector<256x128xf32>, vector<128x10000xf32>, vector<256x10000xf32> -> vector<256x10000xf32>
    %add3A_20 = arith.addf %dot_general3A_11, %dot_general3A_19 : vector<256x10000xf32>
    %get3A_21 = arith.constant 0 : index
    %get3A_22 = arith.constant 0 : index
    %get3A_23 = vector.load %arg7[%get3A_21, %get3A_22] : memref<1x10000xf32, #tpu.memory_space<vmem>>, vector<1x10000xf32>
    %add3A_24 = vector.broadcast %get3A_23 : vector<1x10000xf32> to vector<256x10000xf32>
    %add3A_25 = arith.addf %add3A_20, %add3A_24 : vector<256x10000xf32>
    %reduce_max3A = arith.constant dense<0xFF800000> : vector<256xf32>
    %reduce_max3A_26 = vector.multi_reduction <maximumf>, %add3A_25, %reduce_max3A [1] : vector<256x10000xf32> to vector<256xf32>
    %broadcast_in_dim3A = vector.shape_cast %reduce_max3A_26 : vector<256xf32> to vector<256x1xf32>
    %sub3A = vector.broadcast %broadcast_in_dim3A : vector<256x1xf32> to vector<256x10000xf32>
    %sub3A_27 = arith.subf %add3A_25, %sub3A : vector<256x10000xf32>
    %exp3A = math.exp %sub3A_27 : vector<256x10000xf32>
    %reduce_sum3A = arith.constant dense<0.000000e+00> : vector<256xf32>
    %reduce_sum3A_28 = vector.multi_reduction <add>, %exp3A, %reduce_sum3A [1] : vector<256x10000xf32> to vector<256xf32>
    %broadcast_in_dim3A_29 = vector.shape_cast %reduce_sum3A_28 : vector<256xf32> to vector<256x1xf32>
    %log3A = math.log %broadcast_in_dim3A_29 : vector<256x1xf32>
    %sub3A_30 = vector.broadcast %log3A : vector<256x1xf32> to vector<256x10000xf32>
    %sub3A_31 = arith.subf %sub3A_27, %sub3A_30 : vector<256x10000xf32>
    %swap3A = arith.constant 0 : index
    %swap3A_32 = arith.constant 0 : index
    %swap3A_33 = vector.load %arg8[%swap3A, %swap3A_32] : memref<256x10000xf32, #tpu.memory_space<vmem>>, vector<256x10000xf32>
    tpu.vector_store %arg8[%swap3A, %swap3A_32], %sub3A_31 {strides = array<i32>} : memref<256x10000xf32, #tpu.memory_space<vmem>>, vector<256x10000xf32>,
    return
  }
  func.func @transform_0(%arg0: i32) -> (i32, i32) {
    %c0_i32 = arith.constant 0 : i32
    %c0_i32_0 = arith.constant 0 : i32
    return %arg0, %c0_i32 : i32, i32
  }
  func.func @transform_1(%arg0: i32) -> (i32, i32) {
    %c0_i32 = arith.constant 0 : i32
    %c0_i32_0 = arith.constant 0 : i32
    return %arg0, %c0_i32 : i32, i32
  }
  func.func @transform_2(%arg0: i32) -> (i32, i32) {
    %c0_i32 = arith.constant 0 : i32
    %c0_i32_0 = arith.constant 0 : i32
    return %arg0, %c0_i32 : i32, i32
  }
  func.func @transform_3(%arg0: i32) -> (i32, i32) {
    %c0_i32 = arith.constant 0 : i32
    %c0_i32_0 = arith.constant 0 : i32
    return %arg0, %c0_i32 : i32, i32
  }
  func.func @transform_4(%arg0: i32) -> (i32, i32) {
    %c0_i32 = arith.constant 0 : i32
    %c0_i32_0 = arith.constant 0 : i32
    %c0_i32_1 = arith.constant 0 : i32
    return %c0_i32, %c0_i32_0 : i32, i32
  }
  func.func @transform_5(%arg0: i32) -> (i32, i32) {
    %c0_i32 = arith.constant 0 : i32
    %c0_i32_0 = arith.constant 0 : i32
    %c0_i32_1 = arith.constant 0 : i32
    return %c0_i32, %c0_i32_0 : i32, i32
  }
  func.func @transform_6(%arg0: i32) -> (i32, i32) {
    %c0_i32 = arith.constant 0 : i32
    %c0_i32_0 = arith.constant 0 : i32
    %c0_i32_1 = arith.constant 0 : i32
    return %c0_i32, %c0_i32_0 : i32, i32
  }
  func.func @transform_7(%arg0: i32) -> (i32, i32) {
    %c0_i32 = arith.constant 0 : i32
    %c0_i32_0 = arith.constant 0 : i32
    return %arg0, %c0_i32 : i32, i32
  }
}

</mosaic_0001>

<sc_bundles>
// kernel: kernel.10.cloned.1.call-start
scs
__scs_entry_jumppad:
0x0: {  	(pc) =	sbr.rel $0x88, $3  }
0x1: {  	(tag) =	ssettag $0x0;
	lr =	simm.s32 $0x1  }
0x2: {  	[smem:$0x3F97] =	sst lr;
	_ =	strace $0xD0000000  }
0x3: {  	_ = 	snop  }
0x4: {  	_ = 	snop  }
0x5: {  	_ = 	snop  }
0x6: {  	_ = 	snop  }
0x7: {  	_ = 	snop  }
__scs_overlays_trampoline_lowered:
0x8: {  	[smem:$0x3FA6] =	sst s0  }
0x9: {  	[smem:$0x3FA7] =	sst s1  }
0xa: {  	[smem:$0x3FA8] =	sst s2  }
0xb: {  	[smem:$0x3FA9] =	sst s3  }
0xc: {  	[smem:$0x3FAA] =	sst s4  }
0xd: {  	[smem:$0x3FAB] =	sst s5  }
0xe: {  	[smem:$0x3FAC] =	sst s6  }
0xf: {  	[smem:$0x3FAD] =	sst s7  }
0x10: {  	[smem:$0x3FAE] =	sst s8  }
0x11: {  	[smem:$0x3FAF] =	sst s9;
	s0 =	simm.s32 @!p0 $0x0  }
0x12: {  	s1 =	sld [smem:$0x3F95];
	s0 =	simm.s32 @p0 $0x1  }
0x13: {  	[smem:$0x3FB0] =	sst s0;
	s0 =	simm.s32 @!p1 $0x0  }
0x14: {  	s2 =	sld [smem:$0x3F94];
	s0 =	simm.s32 @p1 $0x1  }
0x15: {  	[smem:$0x3FB1] =	sst s0;
	s0 =	simm.s32 @!p2 $0x0  }
0x16: {  	s3 =	sld [smem:$0x3FDB];
	s0 =	simm.s32 @p2 $0x1  }
0x17: {  	s4 =	simm.s32 $0x1BF5;
	[smem:$0x3FB3] =	sst s0  }
0x18: {  	s0 =	sld [smem:$0x3F96];
	_ =	swait.ge [sflag:s4], $0x0  }
0x19: {  	s7 =	sld [smem:$0x3F97]  }
0x1a: {  	s8 =	sadd.s32 $0xFFFFE003, lr  }
0x1b: {  	s9 =	sadd.s32 $0xFFFFFEF7, lr;
	s5 =	simm.s32 $0xFFFFFFFF;
	p2 =	slt.u32 s8, $0xFFFFF086  }
0x1c: {  	p1 =	slt.u32 s9, $0xF7A;
	s5 =	simm.s32 @!p2 $0x0  }
0x1d: {  	s5 =	simm.s32 @p1 $0x1;
	p0 =	seq.s32 s7, s2  }
0x1e: {  	s7 =	smul.u32 @!p0 $0xF7A, s2;
	p2 =	seq.s32 @!p0 s5, $0x0  }
0x1f: {  	s9 =	smul.u32 $0xF7A, s1;
	s8 =	simm.s32 @!p0 $0x1BF5;
	p2 =	por !p2, p0  }
0x20: {  	[sflag:s8] =	ssyncset.s32 @!p0 $0xFFFFF086;
	s6 =	sadd.s32 @!p0 s3, s7;
	s7 =	simm.s32 @!p0 $0x108  }
0x21: {  	s3 =	sadd.s32 s3, s9;
	s6 =	sadd.s32 @!p0 $0x88, s6;
	s7 =	simm.s32 @p2 $0x1082  }
0x22: {  	[simem:s7], [sflag:s8] =	dma.local @!p0 [hbm:s6], $0xF7A  }
0x23: {  	s9 =	sor.u32 $0xD0000000, s2;
	s6 =	simm.s32 $0x108;
	_ =	swait.ge @!p0 [sflag:s8], $0x0  }
0x24: {  	s3 =	sadd.s32 $0x88, s3;
	s6 =	simm.s32 @!p1 $0x1082;
	[sflag:s4] =	ssyncset.s32 $0xFFFFF086  }
0x25: {  	[simem:s6], [sflag:s4] =	dma.local [hbm:s3], $0xF7A  }
0x26: {  	[smem:$0x3F97] =	sst s1;
	(tag) =	ssettag s2;
	_ =	strace s9  }
0x27: {  	s1 =	sld [smem:$0x3FA7]  }
0x28: {  	s2 =	sld [smem:$0x3FA8]  }
0x29: {  	s4 =	sld [smem:$0x3FAA]  }
0x2a: {  	p0 =	seq.s32 s5, $0x0;
	s5 =	sld [smem:$0x3FAB]  }
0x2b: {  	s6 =	sld [smem:$0x3FAC]  }
0x2c: {  	s7 =	sld [smem:$0x3FAD]  }
0x2d: {  	s3 =	simm.s32 $0x108;
	s8 =	sld [smem:$0x3FAE]  }
0x2e: {  	s3 =	simm.s32 @!p0 $0x1082;
	s9 =	sld [smem:$0x3FAF]  }
0x2f: {  	lr =	sadd.s32 s0, s3;
	s0 =	sld [smem:$0x3FA6]  }
0x30: {  	s3 =	sld [smem:$0x3FA9]  }
0x31: {  	[smem:$0x3FB2] =	sst s10  }
0x32: {  	s10 =	sld [smem:$0x3FB0];
	_ =	sdelay $0x3  }
0x33: {  	p0 =	seq.s32 s10, $0x1;
	s10 =	sld [smem:$0x3FB2];
	_ =	sdelay $0x3  }
0x34: {  	[smem:$0x3FB2] =	sst s10  }
0x35: {  	s10 =	sld [smem:$0x3FB1];
	_ =	sdelay $0x3  }
0x36: {  	p1 =	seq.s32 s10, $0x1;
	s10 =	sld [smem:$0x3FB2];
	_ =	sdelay $0x3  }
0x37: {  	[smem:$0x3FB2] =	sst s10  }
0x38: {  	s10 =	sld [smem:$0x3FB3]  }
0x39: {  	_ = 	snop;
	(pc) =	sbr.ind lr, $3  }
0x3a: {  	_ = 	snop  }
0x3b: {  	_ = 	snop  }
0x3c: {  	p2 =	seq.s32 s10, $0x1;
	s10 =	sld [smem:$0x3FB2]  }
0x3d: {  	_ =	shalt  }
0x3e: {  	_ =	shalt  }
0x3f: {  	_ =	shalt  }
0x40: {  	_ =	shalt  }
0x41: {  	_ =	shalt  }
0x42: {  	_ =	shalt  }
0x43: {  	_ =	shalt  }
0x44: {  	_ =	shalt  }
0x45: {  	_ =	shalt  }
0x46: {  	_ =	shalt  }
0x47: {  	_ =	shalt  }
0x48: {  	_ =	shalt  }
0x49: {  	_ =	shalt  }
0x4a: {  	_ =	shalt  }
0x4b: {  	_ =	shalt  }
0x4c: {  	_ =	shalt  }
0x4d: {  	_ =	shalt  }
0x4e: {  	_ =	shalt  }
0x4f: {  	_ =	shalt  }
0x50: {  	_ =	shalt  }
0x51: {  	_ =	shalt  }
0x52: {  	_ =	shalt  }
0x53: {  	_ =	shalt  }
0x54: {  	_ =	shalt  }
0x55: {  	_ =	shalt  }
0x56: {  	_ =	shalt  }
0x57: {  	_ =	shalt  }
0x58: {  	_ =	shalt  }
0x59: {  	_ =	shalt  }
0x5a: {  	_ =	shalt  }
0x5b: {  	_ =	shalt  }
0x5c: {  	_ =	shalt  }
0x5d: {  	_ =	shalt  }
0x5e: {  	_ =	shalt  }
0x5f: {  	_ =	shalt  }
0x60: {  	_ =	shalt  }
0x61: {  	_ =	shalt  }
0x62: {  	_ =	shalt  }
0x63: {  	_ =	shalt  }
0x64: {  	_ =	shalt  }
0x65: {  	_ =	shalt  }
0x66: {  	_ =	shalt  }
0x67: {  	_ =	shalt  }
0x68: {  	_ =	shalt  }
0x69: {  	_ =	shalt  }
0x6a: {  	_ =	shalt  }
0x6b: {  	_ =	shalt  }
0x6c: {  	_ =	shalt  }
0x6d: {  	_ =	shalt  }
0x6e: {  	_ =	shalt  }
0x6f: {  	_ =	shalt  }
0x70: {  	_ =	shalt  }
0x71: {  	_ =	shalt  }
0x72: {  	_ =	shalt  }
0x73: {  	_ =	shalt  }
0x74: {  	_ =	shalt  }
0x75: {  	_ =	shalt  }
0x76: {  	_ =	shalt  }
0x77: {  	_ =	shalt  }
0x78: {  	_ =	shalt  }
0x79: {  	_ =	shalt  }
0x7a: {  	_ =	shalt  }
0x7b: {  	_ =	shalt  }
0x7c: {  	_ =	shalt  }
0x7d: {  	_ =	shalt  }
0x7e: {  	_ =	shalt  }
0x7f: {  	_ =	shalt  }
0x80: {  	_ =	shalt  }
0x81: {  	_ =	shalt  }
0x82: {  	_ =	shalt  }
0x83: {  	_ =	shalt  }
0x84: {  	_ =	shalt  }
0x85: {  	_ =	shalt  }
0x86: {  	_ =	shalt  }
0x87: {  	_ =	shalt  }
.Lfunc_end0:
.L_simem_size_0:
called_computation_lowered:
.L_overlay_start_0:
0x88: {  	s2 =	sld [smem:$0x3FD9]  }
0x89: {  	s3 =	sld [smem:$0x3FFE];
	_ =	sdelay $0x1  }
0x8a: {  	s1 =	srdreg.scid  }
0x8b: {  	s0 =	sand.u32 $0x1, s1  }
0x8c: {  	s17 =	sshll.u32 s0, $0xA;
	s2 =	sadd.s32 s3, s2  }
0x8d: {  	s2 =	sadd.s32 s2, s17  }
0x8e: {  	[smem:$0x3FBE] =	sst s2  }
0x8f: {  	_ = 	snop  }
0x90: {  	s2 =	sld [smem:$0x3FC6]  }
0x91: {  	s18 =	sld [smem:$0x3FD0];
	(tm) =	ssettm $0x1  }
0x92: {  	s4 =	sld [smem:$0x3FFB];
	_ =	sdelay $0x3  }
0x93: {  	_ =	strace s4  }
0x94: {  	s4 =	sld [smem:$0x3FFC];
	_ =	sdelay $0x3  }
0x95: {  	_ =	strace s4  }
0x96: {  	s4 =	sld [smem:$0x3FFD];
	_ =	sdelay $0x3  }
0x97: {  	_ =	strace s4  }
0x98: {  	_ =	strace $0x8FFFFFFF  }
0x99: {  	s19 =	sld [smem:$0x3FDB];
	_ =	sdelay $0x1  }
0x9a: {  	s5 =	simm.s32 $_scs_section_size  }
0x9b: {  	s6 =	simm.s32 $_size__tile_overlayer_lowered;
	s7 =	simm.s32 $_tile_overlayer_lowered  }
0x9c: {  	s22 =	simm.s32 $0x1BFF;
	s21 =	sshll.u32 s7, $0x1;
	s4 =	sadd.s32 s5, s19  }
0x9d: {  	s8 =	simm.s32 $0x0;
	s20 =	sshll.u32 s6, $0x1;
	s6 =	sadd.s32 s21, s4  }
0x9e: {  	[timem:s8], [sflag:s22] =	dma.local [hbm:s6], s20  }
0x9f: {  	_ =	swait.ge [sflag:s22], s20  }
0xa0: {  	s5 =	ssub.s32 $0x0, s20;
	[sflag:s22] =	ssyncset.done $0x0  }
0xa1: {  	[sflag:s22] =	ssyncadd.s32 s5;
	_ =	sdelay $0x1  }
0xa2: {  	s23 =	simm.s32 $0x1B8B  }
0xa3: {  	_ =	swait.ge [sflag:s23], $0x1  }
0xa4: {  	[sflag:s23] =	ssyncset.done $0x0  }
0xa5: {  	s25 =	simm.s32 $0x1B8E;
	s24 =	sld [smem:$0x3FFE];
	[sflag:s23] =	ssyncadd.s32 $0xFFFFFFFF  }
0xa6: {  	s26 =	simm.s32 $execute0_lowered;
	[smem:$0x3FD2] =	sst s25  }
0xa7: {  	s6 =	sshll.u32 s26, $0x1;
	_ =	strace $0x80000046;
	[dreg:$0x1] =	wrdreg $0xFFFFFFFF  }
0xa8: {  	s28 =	simm.s32 $_size_execute0_lowered;
	s4 =	sadd.s32 s4, s6;
	[dreg:$0x0] =	wrdreg $0x0  }
0xa9: {  	s6 =	sshll.u32 s28, $0x1;
	[dreg:$0x2] =	wrdreg s4  }
0xaa: {  	[dreg:$0x3] =	wrdreg s6  }
0xab: {  	[dreg:$0x4] =	wrdreg $0xC0  }
0xac: {  	_ =	task [dreg:s8], $0x5FFFF  }
0xad: {  	[dreg:$0x1] =	wrdreg $0xFFFFFFFF  }
0xae: {  	[dreg:$0x0] =	wrdreg $0x60  }
0xaf: {  	[dreg:$0x2] =	wrdreg s2  }
0xb0: {  	[dreg:$0x3] =	wrdreg s18  }
0xb1: {  	[dreg:$0x4] =	wrdreg s24  }
0xb2: {  	[dreg:$0x5] =	wrdreg $0xA  }
0xb3: {  	_ =	task.clear_ibuf [dreg:s8], $0x6FFFF;
	_ =	strace $0x90000046  }
0xb4: {  	s29 =	simm.s32 $0xA;
	_ =	strace $0x80000048  }
0xb5: {  	_ =	swait.ge [sflag:s29], $0x1  }
0xb6: {  	[sflag:s29] =	ssyncadd.s32 $0xFFFFFFFF  }
0xb7: {  	_ =	strace $0x90000048  }
0xb8: {  	_ =	sfence  }
0xb9: {  	s30 =	sld [smem:$0x0];
	_ =	sdelay $0x2  }
0xba: {  	s31 =	sshll.u32 s1, $0xD;
	s1 =	sshrl.u32 s1, $0x2  }
0xbb: {  	s3 =	sand.u32 $0x4000, s31;
	s1 =	sadd.s32 s1, s30  }
0xbc: {  	s0 =	sor.u32 s3, s0;
	s1 =	sshll.u32 s1, $0x11  }
0xbd: {  	s0 =	sor.u32 s1, s0  }
0xbe: {  	s0 =	sadd.s32 $0x8F2B, s0  }
0xbf: {  	[sflag:s0] =	ssyncadd.remote.s32 $0x1  }
0xc0: {  	_ =	sfence.sel $0xFFFF  }
0xc1: {  	[dreg:$0x0] =	wrdreg $0xFFFFFFFF;
	(pc) =	sbr.abs _section_cstart, $3  }
0xc2: {  	[dreg:$0x1] =	wrdreg $0xFFFFFFFF  }
0xc3: {  	_ =	task.clear_ibuf [dreg:s8], $0x2FFFF;
	_ =	strace $0x9FFFFFFF  }
0xc4: {  	(tm) =	ssettm $0x7FFFFFFF  }
0xc5: {  	_ =	shalt  }
tec
execute0_lowered:
.L_overlay_start_1:
0x0: {  	(tag) =	ssettag $0x1  }
0x1: {  	s2 =	rddreg [dreg:$0x0];
	s0 =	srdreg.scid  }
0x2: {  	s4 =	rddreg [dreg:$0x1];
	s14 =	sand.u32 $0x1, s0  }
0x3: {  	s9 =	rddreg [dreg:$0x2];
	s1 =	stileid.u32;
	s5 =	sshll.u32 s14, $0x4  }
0x4: {  	s3 =	simm.s32 $0x0;
	s0 =	rddreg [dreg:$0x3];
	s6 =	sor.u32 s1, s5  }
0x5: {  	[smem:$0x7FF] =	sst s3;
	s5 =	sshll.u32 s6, $0x6  }
0x6: {  	_ =	strace $0x80000047;
	s5 =	sadd.s32 s4, s5;
	s4 =	simm.s32 $0x2  }
0x7: {  	[tilespmem:s3], [sflag:$0x2] =	stream.linear.gather [hbm4b:s5+s3], $0x200, $0x38;
	[tilespmem:$0x2A00] =	vst v63  }
0x8: {  	_ =	swait.ge [sflag:s4], $0x200  }
0x9: {  	s7 =	simm.s32 $0x200;
	s8 =	simm.s32 $0x1;
	[sflag:s4] =	ssyncset.done $0x0  }
0xa: {  	s10 =	smul.u32 $0x1400, s6;
	s6 =	simm.s32 $0x50;
	[sflag:s4] =	ssyncadd.s32 $0xFFFFFE00  }
0xb: {  	[tilespmem:s7], [sflag:$0x1] =	stream.indirect.gather [hbm4b:s2+s6], $0x80, s3, s6, $0xb8;
	[tilespmem:$0x2A00] =	vst v63  }
0xc: {  	_ =	swait.ge [sflag:s8], $0x2800  }
0xd: {  	s15 =	sadd.s32 s10, s9;
	[sflag:s8] =	ssyncset.done $0x0  }
0xe: {  	s9 =	sadd.s32 $0x3800, s15;
	[sflag:s8] =	ssyncadd.s32 $0xFFFFD800  }
0xf: {  	[hbm4b:s9+s3] =	stream.linear.scatter [tilespmem:s7], [sflag:$0x2], $0x2800, $0x38;
	[tilespmem:$0x2A00] =	vst v63  }
0x10: {  	_ =	swait.ge [sflag:s4], $0x2800  }
0x11: {  	[sflag:s4] =	ssyncset.done $0x0  }
0x12: {  	s10 =	simm.s32 $0x80;
	[sflag:s4] =	ssyncadd.s32 $0xFFFFD800  }
0x13: {  	[tilespmem:s7], [sflag:$0x1] =	stream.indirect.gather [hbm4b:s2+s6], $0x80, s10, s6, $0xb8;
	[tilespmem:$0x2A00] =	vst v63  }
0x14: {  	_ =	swait.ge [sflag:s8], $0x2800  }
0x15: {  	[sflag:s8] =	ssyncset.done $0x0  }
0x16: {  	s11 =	sadd.s32 $0x3D00, s15;
	[sflag:s8] =	ssyncadd.s32 $0xFFFFD800  }
0x17: {  	[hbm4b:s11+s3] =	stream.linear.scatter [tilespmem:s7], [sflag:$0x2], $0x2800, $0x38;
	[tilespmem:$0x2A00] =	vst v63  }
0x18: {  	_ =	swait.ge [sflag:s4], $0x2800  }
0x19: {  	[sflag:s4] =	ssyncset.done $0x0  }
0x1a: {  	s12 =	simm.s32 $0x100;
	[sflag:s4] =	ssyncadd.s32 $0xFFFFD800  }
0x1b: {  	[tilespmem:s7], [sflag:$0x1] =	stream.indirect.gather [hbm4b:s2+s6], $0x80, s12, s6, $0xb8;
	[tilespmem:$0x2A00] =	vst v63  }
0x1c: {  	_ =	swait.ge [sflag:s8], $0x2800  }
0x1d: {  	[sflag:s8] =	ssyncset.done $0x0  }
0x1e: {  	s16 =	ssub.s32 $0x2, s14;
	s13 =	sadd.s32 $0x4200, s15;
	[sflag:s8] =	ssyncadd.s32 $0xFFFFD800  }
0x1f: {  	[hbm4b:s13+s3] =	stream.linear.scatter [tilespmem:s7], [sflag:$0x2], $0x2800, $0x38;
	[tilespmem:$0x2A00] =	vst v63  }
0x20: {  	s17 =	sshrl.u32 s16, $0x1;
	_ =	swait.ge [sflag:s4], $0x2800  }
0x21: {  	s16 =	ssub.s32 s16, s17;
	[sflag:s4] =	ssyncset.done $0x0  }
0x22: {  	s14 =	simm.s32 $0x180;
	s16 =	smax.u32 s16, $0x1;
	[sflag:s4] =	ssyncadd.s32 $0xFFFFD800  }
0x23: {  	[tilespmem:s7], [sflag:$0x1] =	stream.indirect.gather [hbm4b:s2+s6], $0x80, s14, s6, $0xb8;
	[tilespmem:$0x2A00] =	vst v63  }
0x24: {  	p0 =	sne.s32 s16, $0x1;
	_ =	swait.ge [sflag:s8], $0x2800  }
.Ltmp0:
0x25: {  	[sflag:s8] =	ssyncset.done $0x0;
	(pc) =	sbr.rel @!p0 .LBB2_2-.Ltmp0, $4  }
0x26: {  	s15 =	sadd.s32 $0x4700, s15;
	[sflag:s8] =	ssyncadd.s32 $0xFFFFD800  }
0x27: {  	[hbm4b:s15+s3] =	stream.linear.scatter [tilespmem:s7], [sflag:$0x2], $0x2800, $0x38;
	[tilespmem:$0x2A00] =	vst v63  }
0x28: {  	_ =	swait.ge [sflag:s4], $0x2800  }
0x29: {  	s16 =	sadd.s32 $0xFFFFFFFF, s16;
	[sflag:s4] =	ssyncset.done $0x0  }
.LBB2_1:
0x2a: {  	p0 =	sne.s32 s16, $0x1;
	s16 =	sadd.s32 $0xFFFFFFFF, s16;
	[sflag:s4] =	ssyncadd.s32 $0xFFFFD800  }
0x2b: {  	[tilespmem:s3], [sflag:$0x2] =	stream.linear.gather [hbm4b:s5+s3], $0x200, $0x38;
	[tilespmem:$0x2A00] =	vst v63  }
0x2c: {  	_ =	swait.ge [sflag:s4], $0x200  }
0x2d: {  	[sflag:s4] =	ssyncset.done $0x0  }
0x2e: {  	[sflag:s4] =	ssyncadd.s32 $0xFFFFFE00  }
0x2f: {  	[tilespmem:s7], [sflag:$0x1] =	stream.indirect.gather [hbm4b:s2+s6], $0x80, s3, s6, $0xb8;
	[tilespmem:$0x2A00] =	vst v63  }
0x30: {  	_ =	swait.ge [sflag:s8], $0x2800  }
0x31: {  	[sflag:s8] =	ssyncset.done $0x0  }
0x32: {  	[sflag:s8] =	ssyncadd.s32 $0xFFFFD800  }
0x33: {  	[hbm4b:s9+s3] =	stream.linear.scatter [tilespmem:s7], [sflag:$0x2], $0x2800, $0x38;
	[tilespmem:$0x2A00] =	vst v63  }
0x34: {  	_ =	swait.ge [sflag:s4], $0x2800  }
0x35: {  	[sflag:s4] =	ssyncset.done $0x0  }
0x36: {  	[sflag:s4] =	ssyncadd.s32 $0xFFFFD800  }
0x37: {  	[tilespmem:s7], [sflag:$0x1] =	stream.indirect.gather [hbm4b:s2+s6], $0x80, s10, s6, $0xb8;
	[tilespmem:$0x2A00] =	vst v63  }
0x38: {  	_ =	swait.ge [sflag:s8], $0x2800  }
0x39: {  	[sflag:s8] =	ssyncset.done $0x0  }
0x3a: {  	[sflag:s8] =	ssyncadd.s32 $0xFFFFD800  }
0x3b: {  	[hbm4b:s11+s3] =	stream.linear.scatter [tilespmem:s7], [sflag:$0x2], $0x2800, $0x38;
	[tilespmem:$0x2A00] =	vst v63  }
0x3c: {  	_ =	swait.ge [sflag:s4], $0x2800  }
0x3d: {  	[sflag:s4] =	ssyncset.done $0x0  }
0x3e: {  	[sflag:s4] =	ssyncadd.s32 $0xFFFFD800  }
0x3f: {  	[tilespmem:s7], [sflag:$0x1] =	stream.indirect.gather [hbm4b:s2+s6], $0x80, s12, s6, $0xb8;
	[tilespmem:$0x2A00] =	vst v63  }
0x40: {  	_ =	swait.ge [sflag:s8], $0x2800  }
0x41: {  	[sflag:s8] =	ssyncset.done $0x0  }
0x42: {  	[sflag:s8] =	ssyncadd.s32 $0xFFFFD800  }
0x43: {  	[hbm4b:s13+s3] =	stream.linear.scatter [tilespmem:s7], [sflag:$0x2], $0x2800, $0x38;
	[tilespmem:$0x2A00] =	vst v63  }
0x44: {  	_ =	swait.ge [sflag:s4], $0x2800  }
0x45: {  	[sflag:s4] =	ssyncset.done $0x0  }
0x46: {  	[sflag:s4] =	ssyncadd.s32 $0xFFFFD800  }
0x47: {  	[tilespmem:s7], [sflag:$0x1] =	stream.indirect.gather [hbm4b:s2+s6], $0x80, s14, s6, $0xb8;
	[tilespmem:$0x2A00] =	vst v63  }
0x48: {  	_ =	swait.ge [sflag:s8], $0x2800  }
.Ltmp1:
0x49: {  	[sflag:s8] =	ssyncset.done $0x0;
	(pc) =	sbr.rel @p0 .LBB2_1-.Ltmp1, $4  }
0x4a: {  	[sflag:s8] =	ssyncadd.s32 $0xFFFFD800  }
0x4b: {  	[hbm4b:s15+s3] =	stream.linear.scatter [tilespmem:s7], [sflag:$0x2], $0x2800, $0x38;
	[tilespmem:$0x2A00] =	vst v63  }
0x4c: {  	_ =	swait.ge [sflag:s4], $0x2800  }
0x4d: {  	[sflag:s4] =	ssyncset.done $0x0  }
.LBB2_2:
0x4e: {  	[sflag:s4] =	ssyncadd.s32 $0xFFFFD800  }
0x4f: {  	_ =	sfence.sel $0x180000  }
0x50: {  	[bflag:$0x0] =	sbarrier.arrive $0xFFFF  }
0x51: {  	p0 =	sne.s32 s1, $0x0;
	_ =	strace $0x90000047  }
0x52: {  	s0 =	sadd.s32 @!p0 $0x100000, s0;
	[bflag:$0x2] =	sbarrier.arrive $0xFFFF  }
0x53: {  	[sflag:s0] =	ssyncadd.tile.s32 @!p0 $0x1;
	_ =	shalt  }
.Lfunc_end2:
_tile_overlayer_lowered:
.L_overlay_start_2:
0x54: {  	(tag) =	ssettag $0x2  }
0x55: {  	s0 =	rddreg [dreg:$0x0];
	s2 =	stileid.u32  }
0x56: {  	s1 =	rddreg [dreg:$0x1];
	p0 =	sne.s32 s2, $0x0  }
0x57: {  	s3 =	rddreg [dreg:$0x2];
	[bflag:$0x3] =	sbarrier.arrive $0xFFFF;
	s2 =	simm.s32 @!p0 $0x1C02  }
0x58: {  	[timem:s3], [sflag:s2] =	dma.local @!p0 [hbm:s0], s1  }
0x59: {  	s0 =	simm.s32 @!p0 $0x2  }
0x5a: {  	_ =	swait.ge @!p0 [sflag:s0], s1  }
0x5b: {  	s1 =	ssub.s32 @!p0 $0x0, s1;
	[sflag:s0] =	ssyncset.done @!p0 $0x0  }
0x5c: {  	[sflag:s0] =	ssyncadd.s32 @!p0 s1  }
0x5d: {  	[bflag:$0x3] =	sbarrier.arrive $0xFFFF  }
0x5e: {  	_ =	shalt  }

// kernel: kernel.13.cloned.1.call-start
scs
__scs_entry_jumppad:
0x0: {  	(pc) =	sbr.rel $0x88, $3  }
0x1: {  	(tag) =	ssettag $0x0;
	lr =	simm.s32 $0x1  }
0x2: {  	[smem:$0x3F97] =	sst lr;
	_ =	strace $0xD0000000  }
0x3: {  	_ = 	snop  }
0x4: {  	_ = 	snop  }
0x5: {  	_ = 	snop  }
0x6: {  	_ = 	snop  }
0x7: {  	_ = 	snop  }
__scs_overlays_trampoline_lowered:
0x8: {  	[smem:$0x3FA6] =	sst s0  }
0x9: {  	[smem:$0x3FA7] =	sst s1  }
0xa: {  	[smem:$0x3FA8] =	sst s2  }
0xb: {  	[smem:$0x3FA9] =	sst s3  }
0xc: {  	[smem:$0x3FAA] =	sst s4  }
0xd: {  	[smem:$0x3FAB] =	sst s5  }
0xe: {  	[smem:$0x3FAC] =	sst s6  }
0xf: {  	[smem:$0x3FAD] =	sst s7  }
0x10: {  	[smem:$0x3FAE] =	sst s8  }
0x11: {  	[smem:$0x3FAF] =	sst s9;
	s0 =	simm.s32 @!p0 $0x0  }
0x12: {  	s1 =	sld [smem:$0x3F95];
	s0 =	simm.s32 @p0 $0x1  }
0x13: {  	[smem:$0x3FB0] =	sst s0;
	s0 =	simm.s32 @!p1 $0x0  }
0x14: {  	s2 =	sld [smem:$0x3F94];
	s0 =	simm.s32 @p1 $0x1  }
0x15: {  	[smem:$0x3FB1] =	sst s0;
	s0 =	simm.s32 @!p2 $0x0  }
0x16: {  	s3 =	sld [smem:$0x3FDB];
	s0 =	simm.s32 @p2 $0x1  }
0x17: {  	s4 =	simm.s32 $0x1BF5;
	[smem:$0x3FB3] =	sst s0  }
0x18: {  	s0 =	sld [smem:$0x3F96];
	_ =	swait.ge [sflag:s4], $0x0  }
0x19: {  	s7 =	sld [smem:$0x3F97]  }
0x1a: {  	s8 =	sadd.s32 $0xFFFFE003, lr  }
0x1b: {  	s9 =	sadd.s32 $0xFFFFFEF7, lr;
	s5 =	simm.s32 $0xFFFFFFFF;
	p2 =	slt.u32 s8, $0xFFFFF086  }
0x1c: {  	p1 =	slt.u32 s9, $0xF7A;
	s5 =	simm.s32 @!p2 $0x0  }
0x1d: {  	s5 =	simm.s32 @p1 $0x1;
	p0 =	seq.s32 s7, s2  }
0x1e: {  	s7 =	smul.u32 @!p0 $0xF7A, s2;
	p2 =	seq.s32 @!p0 s5, $0x0  }
0x1f: {  	s9 =	smul.u32 $0xF7A, s1;
	s8 =	simm.s32 @!p0 $0x1BF5;
	p2 =	por !p2, p0  }
0x20: {  	[sflag:s8] =	ssyncset.s32 @!p0 $0xFFFFF086;
	s6 =	sadd.s32 @!p0 s3, s7;
	s7 =	simm.s32 @!p0 $0x108  }
0x21: {  	s3 =	sadd.s32 s3, s9;
	s6 =	sadd.s32 @!p0 $0x88, s6;
	s7 =	simm.s32 @p2 $0x1082  }
0x22: {  	[simem:s7], [sflag:s8] =	dma.local @!p0 [hbm:s6], $0xF7A  }
0x23: {  	s9 =	sor.u32 $0xD0000000, s2;
	s6 =	simm.s32 $0x108;
	_ =	swait.ge @!p0 [sflag:s8], $0x0  }
0x24: {  	s3 =	sadd.s32 $0x88, s3;
	s6 =	simm.s32 @!p1 $0x1082;
	[sflag:s4] =	ssyncset.s32 $0xFFFFF086  }
0x25: {  	[simem:s6], [sflag:s4] =	dma.local [hbm:s3], $0xF7A  }
0x26: {  	[smem:$0x3F97] =	sst s1;
	(tag) =	ssettag s2;
	_ =	strace s9  }
0x27: {  	s1 =	sld [smem:$0x3FA7]  }
0x28: {  	s2 =	sld [smem:$0x3FA8]  }
0x29: {  	s4 =	sld [smem:$0x3FAA]  }
0x2a: {  	p0 =	seq.s32 s5, $0x0;
	s5 =	sld [smem:$0x3FAB]  }
0x2b: {  	s6 =	sld [smem:$0x3FAC]  }
0x2c: {  	s7 =	sld [smem:$0x3FAD]  }
0x2d: {  	s3 =	simm.s32 $0x108;
	s8 =	sld [smem:$0x3FAE]  }
0x2e: {  	s3 =	simm.s32 @!p0 $0x1082;
	s9 =	sld [smem:$0x3FAF]  }
0x2f: {  	lr =	sadd.s32 s0, s3;
	s0 =	sld [smem:$0x3FA6]  }
0x30: {  	s3 =	sld [smem:$0x3FA9]  }
0x31: {  	[smem:$0x3FB2] =	sst s10  }
0x32: {  	s10 =	sld [smem:$0x3FB0];
	_ =	sdelay $0x3  }
0x33: {  	p0 =	seq.s32 s10, $0x1;
	s10 =	sld [smem:$0x3FB2];
	_ =	sdelay $0x3  }
0x34: {  	[smem:$0x3FB2] =	sst s10  }
0x35: {  	s10 =	sld [smem:$0x3FB1];
	_ =	sdelay $0x3  }
0x36: {  	p1 =	seq.s32 s10, $0x1;
	s10 =	sld [smem:$0x3FB2];
	_ =	sdelay $0x3  }
0x37: {  	[smem:$0x3FB2] =	sst s10  }
0x38: {  	s10 =	sld [smem:$0x3FB3]  }
0x39: {  	_ = 	snop;
	(pc) =	sbr.ind lr, $3  }
0x3a: {  	_ = 	snop  }
0x3b: {  	_ = 	snop  }
0x3c: {  	p2 =	seq.s32 s10, $0x1;
	s10 =	sld [smem:$0x3FB2]  }
0x3d: {  	_ =	shalt  }
0x3e: {  	_ =	shalt  }
0x3f: {  	_ =	shalt  }
0x40: {  	_ =	shalt  }
0x41: {  	_ =	shalt  }
0x42: {  	_ =	shalt  }
0x43: {  	_ =	shalt  }
0x44: {  	_ =	shalt  }
0x45: {  	_ =	shalt  }
0x46: {  	_ =	shalt  }
0x47: {  	_ =	shalt  }
0x48: {  	_ =	shalt  }
0x49: {  	_ =	shalt  }
0x4a: {  	_ =	shalt  }
0x4b: {  	_ =	shalt  }
0x4c: {  	_ =	shalt  }
0x4d: {  	_ =	shalt  }
0x4e: {  	_ =	shalt  }
0x4f: {  	_ =	shalt  }
0x50: {  	_ =	shalt  }
0x51: {  	_ =	shalt  }
0x52: {  	_ =	shalt  }
0x53: {  	_ =	shalt  }
0x54: {  	_ =	shalt  }
0x55: {  	_ =	shalt  }
0x56: {  	_ =	shalt  }
0x57: {  	_ =	shalt  }
0x58: {  	_ =	shalt  }
0x59: {  	_ =	shalt  }
0x5a: {  	_ =	shalt  }
0x5b: {  	_ =	shalt  }
0x5c: {  	_ =	shalt  }
0x5d: {  	_ =	shalt  }
0x5e: {  	_ =	shalt  }
0x5f: {  	_ =	shalt  }
0x60: {  	_ =	shalt  }
0x61: {  	_ =	shalt  }
0x62: {  	_ =	shalt  }
0x63: {  	_ =	shalt  }
0x64: {  	_ =	shalt  }
0x65: {  	_ =	shalt  }
0x66: {  	_ =	shalt  }
0x67: {  	_ =	shalt  }
0x68: {  	_ =	shalt  }
0x69: {  	_ =	shalt  }
0x6a: {  	_ =	shalt  }
0x6b: {  	_ =	shalt  }
0x6c: {  	_ =	shalt  }
0x6d: {  	_ =	shalt  }
0x6e: {  	_ =	shalt  }
0x6f: {  	_ =	shalt  }
0x70: {  	_ =	shalt  }
0x71: {  	_ =	shalt  }
0x72: {  	_ =	shalt  }
0x73: {  	_ =	shalt  }
0x74: {  	_ =	shalt  }
0x75: {  	_ =	shalt  }
0x76: {  	_ =	shalt  }
0x77: {  	_ =	shalt  }
0x78: {  	_ =	shalt  }
0x79: {  	_ =	shalt  }
0x7a: {  	_ =	shalt  }
0x7b: {  	_ =	shalt  }
0x7c: {  	_ =	shalt  }
0x7d: {  	_ =	shalt  }
0x7e: {  	_ =	shalt  }
0x7f: {  	_ =	shalt  }
0x80: {  	_ =	shalt  }
0x81: {  	_ =	shalt  }
0x82: {  	_ =	shalt  }
0x83: {  	_ =	shalt  }
0x84: {  	_ =	shalt  }
0x85: {  	_ =	shalt  }
0x86: {  	_ =	shalt  }
0x87: {  	_ =	shalt  }
.Lfunc_end0:
.L_simem_size_0:
called_computation.1_lowered:
.L_overlay_start_0:
0x88: {  	s2 =	sld [smem:$0x3FD9]  }
0x89: {  	s3 =	sld [smem:$0x3FFE];
	_ =	sdelay $0x1  }
0x8a: {  	s1 =	srdreg.scid  }
0x8b: {  	s0 =	sand.u32 $0x1, s1  }
0x8c: {  	s17 =	sshll.u32 s0, $0xA;
	s2 =	sadd.s32 s3, s2  }
0x8d: {  	s2 =	sadd.s32 s2, s17  }
0x8e: {  	[smem:$0x3FBE] =	sst s2  }
0x8f: {  	_ = 	snop  }
0x90: {  	(tm) =	ssettm $0x1  }
0x91: {  	s18 =	sld [smem:$0x3FFB];
	_ =	sdelay $0x3  }
0x92: {  	_ =	strace s18  }
0x93: {  	s2 =	sld [smem:$0x3FFC];
	_ =	sdelay $0x3  }
0x94: {  	_ =	strace s2  }
0x95: {  	s2 =	sld [smem:$0x3FFD];
	_ =	sdelay $0x3  }
0x96: {  	_ =	strace s2  }
0x97: {  	_ =	strace $0x8FFFFFFF  }
0x98: {  	s19 =	sld [smem:$0x3FDB];
	_ =	sdelay $0x1  }
0x99: {  	s20 =	simm.s32 $_scs_section_size  }
0x9a: {  	s4 =	simm.s32 $_size__tile_overlayer_lowered;
	s5 =	simm.s32 $_tile_overlayer_lowered  }
0x9b: {  	s6 =	simm.s32 $0x1BFF;
	s21 =	sshll.u32 s5, $0x1;
	s3 =	sadd.s32 s20, s19  }
0x9c: {  	s22 =	simm.s32 $0x0;
	s4 =	sshll.u32 s4, $0x1;
	s5 =	sadd.s32 s21, s3  }
0x9d: {  	[timem:s22], [sflag:s6] =	dma.local [hbm:s5], s4  }
0x9e: {  	_ =	swait.ge [sflag:s6], s4  }
0x9f: {  	s4 =	ssub.s32 $0x0, s4;
	[sflag:s6] =	ssyncset.done $0x0  }
0xa0: {  	[sflag:s6] =	ssyncadd.s32 s4;
	_ =	sdelay $0x1  }
0xa1: {  	s23 =	simm.s32 $0x1B8B  }
0xa2: {  	_ =	swait.ge [sflag:s23], $0x1  }
0xa3: {  	[sflag:s23] =	ssyncset.done $0x0  }
0xa4: {  	[sflag:s23] =	ssyncadd.s32 $0xFFFFFFFF  }
0xa5: {  	s4 =	sld [smem:$0x0]  }
0xa6: {  	s5 =	sand.u32 $0xFFFFFFFE, s1  }
0xa7: {  	p0 =	sne.s32 s1, s5  }
0xa8: {  	s5 =	sshll.u32 @p0 s5, $0xE  }
0xa9: {  	s5 =	sadd.s32 @p0 $0x11B8D, s5;
	s6 =	sshll.u32 @p0 s4, $0x11  }
0xaa: {  	s5 =	sor.u32 @p0 s6, s5  }
0xab: {  	[sflag:s5] =	ssyncadd.remote.s32 @p0 $0x1;
	_ =	sdelay $0x1  }
0xac: {  	s5 =	simm.s32 @p0 $0x1B8D  }
0xad: {  	_ =	swait.eq @p0 [sflag:s5], $0x1  }
0xae: {  	[sflag:s5] =	ssyncadd.s32 @p0 $0xFFFFFFFF  }
0xaf: {  	s6 =	sshll.u32 @!p0 s1, $0xE  }
0xb0: {  	s6 =	sor.u32 @!p0 $0x4000, s6;
	s5 =	simm.s32 @!p0 $0x1B8D  }
0xb1: {  	s4 =	sshll.u32 @!p0 s4, $0x11;
	s6 =	sadd.s32 @!p0 $0x11B8D, s6;
	_ =	swait.eq @!p0 [sflag:s5], $0x1  }
0xb2: {  	s4 =	sor.u32 @!p0 s4, s6;
	[sflag:s5] =	ssyncadd.s32 @!p0 $0xFFFFFFFF  }
0xb3: {  	s25 =	simm.s32 $0x1B8E;
	s24 =	sld [smem:$0x3FFE];
	[sflag:s4] =	ssyncadd.remote.s32 @!p0 $0x1  }
0xb4: {  	s26 =	simm.s32 $execute0_lowered;
	[smem:$0x3FD2] =	sst s25  }
0xb5: {  	s5 =	sshll.u32 s26, $0x1;
	_ =	strace $0x80000049;
	[dreg:$0x1] =	wrdreg $0xFFFFFFFF  }
0xb6: {  	s28 =	simm.s32 $_size_execute0_lowered;
	s3 =	sadd.s32 s3, s5;
	[dreg:$0x0] =	wrdreg $0x0  }
0xb7: {  	s5 =	sshll.u32 s28, $0x1;
	[dreg:$0x2] =	wrdreg s3  }
0xb8: {  	[dreg:$0x3] =	wrdreg s5  }
0xb9: {  	[dreg:$0x4] =	wrdreg $0xC0  }
0xba: {  	_ =	task [dreg:s22], $0x5FFFF  }
0xbb: {  	[dreg:$0x1] =	wrdreg $0xFFFFFFFF  }
0xbc: {  	[dreg:$0x0] =	wrdreg $0x60  }
0xbd: {  	[dreg:$0x2] =	wrdreg s24  }
0xbe: {  	[dreg:$0x3] =	wrdreg $0x48000  }
0xbf: {  	[dreg:$0x4] =	wrdreg $0x9  }
0xc0: {  	_ =	task.clear_ibuf [dreg:s22], $0x5FFFF;
	_ =	strace $0x90000049  }
0xc1: {  	s29 =	simm.s32 $0x9;
	_ =	strace $0x8000004B  }
0xc2: {  	_ =	swait.ge [sflag:s29], $0x1  }
0xc3: {  	[sflag:s29] =	ssyncadd.s32 $0xFFFFFFFF  }
0xc4: {  	_ =	strace $0x9000004B  }
0xc5: {  	_ =	sfence  }
0xc6: {  	s30 =	sld [smem:$0x0];
	_ =	sdelay $0x2  }
0xc7: {  	s31 =	sshll.u32 s1, $0xD;
	s1 =	sshrl.u32 s1, $0x2  }
0xc8: {  	s4 =	sand.u32 $0x4000, s31;
	s1 =	sadd.s32 s1, s30  }
0xc9: {  	s0 =	sor.u32 s4, s0;
	s1 =	sshll.u32 s1, $0x11  }
0xca: {  	s0 =	sor.u32 s1, s0  }
0xcb: {  	s0 =	sadd.s32 $0x8F2B, s0  }
0xcc: {  	[sflag:s0] =	ssyncadd.remote.s32 $0x1  }
0xcd: {  	_ =	sfence.sel $0xFFFF  }
0xce: {  	[dreg:$0x0] =	wrdreg $0xFFFFFFFF;
	(pc) =	sbr.abs _section_cstart, $3  }
0xcf: {  	[dreg:$0x1] =	wrdreg $0xFFFFFFFF  }
0xd0: {  	_ =	task.clear_ibuf [dreg:s22], $0x2FFFF;
	_ =	strace $0x9FFFFFFF  }
0xd1: {  	(tm) =	ssettm $0x7FFFFFFF  }
tec
execute0_lowered:
.L_overlay_start_1:
0x0: {  	(tag) =	ssettag $0x1  }
0x1: {  	s0 =	srdreg.scid;
	s7 =	rddreg [dreg:$0x0]  }
0x2: {  	s26 =	stileid.u32;
	s2 =	rddreg [dreg:$0x1];
	s3 =	simm.s32 $0x0  }
0x3: {  	s12 =	simm.s32 $0x80;
	s13 =	simm.s32 $0x100;
	s14 =	simm.s32 $0x180  }
0x4: {  	s15 =	simm.s32 $0x200;
	s16 =	simm.s32 $0x280;
	s17 =	simm.s32 $0x300  }
0x5: {  	s18 =	simm.s32 $0x380;
	s19 =	simm.s32 $0x400;
	s20 =	simm.s32 $0x480  }
0x6: {  	s21 =	simm.s32 $0x500;
	s22 =	simm.s32 $0x580;
	s23 =	simm.s32 $0x600  }
0x7: {  	s28 =	simm.s32 $0x780;
	s29 =	simm.s32 $0x0;
	s24 =	smul.u32 $0x2800, s26  }
0x8: {  	s1 =	sand.u32 $0x1, s0;
	[smem:$0x7FF] =	sst s3;
	s9 =	smul.u32 $0x50000, s26  }
0x9: {  	s5 =	sadd.s32 $0x42000, s7;
	s31 =	sshll.u32 s26, $0x6;
	s26 =	simm.s32 $0x700  }
0xa: {  	s6 =	smul.u32 $0x28000, s1;
	_ =	strace $0x8000004A;
	s1 =	ssub.s32 $0x2, s1  }
0xb: {  	s10 =	sor.u32 $0x1C01, s31;
	s30 =	sshrl.u32 s1, $0x1;
	s9 =	sshrl.u32 s9, $0x2  }
0xc: {  	s4 =	sadd.s32 s24, s6;
	s6 =	sadd.s32 s6, s7;
	s1 =	ssub.s32 s1, s30  }
0xd: {  	s11 =	sadd.s32 s9, s2;
	s9 =	simm.s32 $0x1;
	s4 =	sshrl.u32 s4, $0x3  }
0xe: {  	s25 =	sadd.s32 $0x42800, s6;
	s6 =	smax.u32 s1, $0x1;
	s11 =	sshrl.u32 s11, $0x3  }
0xf: {  	s8 =	sadd.s32 s4, s7;
	s4 =	sadd.s32 $0x3F800, s7;
	s24 =	sadd.s32 s24, s25  }
0x10: {  	s25 =	simm.s32 $0x680;
	s7 =	sadd.s32 $0x2B800, s8;
	s8 =	simm.s32 $0x800  }
.LBB2_1:
0x11: {  	[tilespmem:s8], [sflag:$0x1] =	stream.linear.gather [hbm4b:s5+s3], $0x4000, $0x38;
	[tilespmem:$0x18800] =	vst v63  }
0x12: {  	_ =	swait.ge [sflag:s9], $0x4000  }
0x13: {  	[sflag:s9] =	ssyncset.done $0x0  }
0x14: {  	[sflag:s9] =	ssyncadd.s32 $0xFFFFC000  }
0x15: {  	[spmem:s11], [sflag:s10] =	dma.local [hbm:s4], $0x2800  }
0x16: {  	_ =	swait.ge [sflag:s9], $0x2800  }
0x17: {  	[sflag:s9] =	ssyncset.done $0x0  }
0x18: {  	[sflag:s9] =	ssyncadd.s32 $0xFFFFD800  }
0x19: {  	s1 =	sadd.s32 $0x0, s7;
	[bflag:$0x0] =	sbarrier.arrive $0xFFFF  }
0x1a: {  	[tilespmem:s3], [sflag:$0x1] =	stream.linear.gather [hbm4b:s1+s3], $0x800, $0x38;
	[tilespmem:$0x18800] =	vst v63  }
0x1b: {  	_ =	swait.ge [sflag:s9], $0x800  }
0x1c: {  	[sflag:s9] =	ssyncset.done $0x0  }
0x1d: {  	[sflag:s9] =	ssyncadd.s32 $0xFFFFF800  }
0x1e: {  	[spmem:s2] =	stream.indirect.scatter.add.f32 [tilespmem:s8], [sflag:$0x1], $0x80, s3, s12, $0xb8;
	[tilespmem:$0x18800] =	vst v63  }
0x1f: {  	_ =	swait.ge [sflag:s9], $0x4000  }
0x20: {  	[sflag:s9] =	ssyncset.done $0x0  }
0x21: {  	[sflag:s9] =	ssyncadd.s32 $0xFFFFC000  }
0x22: {  	[spmem:s2] =	stream.indirect.scatter.add.f32 [tilespmem:s8], [sflag:$0x1], $0x80, s12, s12, $0xb8;
	[tilespmem:$0x18800] =	vst v63  }
0x23: {  	_ =	swait.ge [sflag:s9], $0x4000  }
0x24: {  	[sflag:s9] =	ssyncset.done $0x0  }
0x25: {  	[sflag:s9] =	ssyncadd.s32 $0xFFFFC000  }
0x26: {  	[spmem:s2] =	stream.indirect.scatter.add.f32 [tilespmem:s8], [sflag:$0x1], $0x80, s13, s12, $0xb8;
	[tilespmem:$0x18800] =	vst v63  }
0x27: {  	_ =	swait.ge [sflag:s9], $0x4000  }
0x28: {  	[sflag:s9] =	ssyncset.done $0x0  }
0x29: {  	[sflag:s9] =	ssyncadd.s32 $0xFFFFC000  }
0x2a: {  	[spmem:s2] =	stream.indirect.scatter.add.f32 [tilespmem:s8], [sflag:$0x1], $0x80, s14, s12, $0xb8;
	[tilespmem:$0x18800] =	vst v63  }
0x2b: {  	_ =	swait.ge [sflag:s9], $0x4000  }
0x2c: {  	[sflag:s9] =	ssyncset.done $0x0  }
0x2d: {  	[sflag:s9] =	ssyncadd.s32 $0xFFFFC000  }
0x2e: {  	[spmem:s2] =	stream.indirect.scatter.add.f32 [tilespmem:s8], [sflag:$0x1], $0x80, s15, s12, $0xb8;
	[tilespmem:$0x18800] =	vst v63  }
0x2f: {  	_ =	swait.ge [sflag:s9], $0x4000  }
0x30: {  	[sflag:s9] =	ssyncset.done $0x0  }
0x31: {  	[sflag:s9] =	ssyncadd.s32 $0xFFFFC000  }
0x32: {  	[spmem:s2] =	stream.indirect.scatter.add.f32 [tilespmem:s8], [sflag:$0x1], $0x80, s16, s12, $0xb8;
	[tilespmem:$0x18800] =	vst v63  }
0x33: {  	_ =	swait.ge [sflag:s9], $0x4000  }
0x34: {  	[sflag:s9] =	ssyncset.done $0x0  }
0x35: {  	[sflag:s9] =	ssyncadd.s32 $0xFFFFC000  }
0x36: {  	[spmem:s2] =	stream.indirect.scatter.add.f32 [tilespmem:s8], [sflag:$0x1], $0x80, s17, s12, $0xb8;
	[tilespmem:$0x18800] =	vst v63  }
0x37: {  	_ =	swait.ge [sflag:s9], $0x4000  }
0x38: {  	[sflag:s9] =	ssyncset.done $0x0  }
0x39: {  	[sflag:s9] =	ssyncadd.s32 $0xFFFFC000  }
0x3a: {  	[spmem:s2] =	stream.indirect.scatter.add.f32 [tilespmem:s8], [sflag:$0x1], $0x80, s18, s12, $0xb8;
	[tilespmem:$0x18800] =	vst v63  }
0x3b: {  	_ =	swait.ge [sflag:s9], $0x4000  }
0x3c: {  	[sflag:s9] =	ssyncset.done $0x0  }
0x3d: {  	[sflag:s9] =	ssyncadd.s32 $0xFFFFC000  }
0x3e: {  	[spmem:s2] =	stream.indirect.scatter.add.f32 [tilespmem:s8], [sflag:$0x1], $0x80, s19, s12, $0xb8;
	[tilespmem:$0x18800] =	vst v63  }
0x3f: {  	_ =	swait.ge [sflag:s9], $0x4000  }
0x40: {  	[sflag:s9] =	ssyncset.done $0x0  }
0x41: {  	[sflag:s9] =	ssyncadd.s32 $0xFFFFC000  }
0x42: {  	[spmem:s2] =	stream.indirect.scatter.add.f32 [tilespmem:s8], [sflag:$0x1], $0x80, s20, s12, $0xb8;
	[tilespmem:$0x18800] =	vst v63  }
0x43: {  	_ =	swait.ge [sflag:s9], $0x4000  }
0x44: {  	[sflag:s9] =	ssyncset.done $0x0  }
0x45: {  	[sflag:s9] =	ssyncadd.s32 $0xFFFFC000  }
0x46: {  	[spmem:s2] =	stream.indirect.scatter.add.f32 [tilespmem:s8], [sflag:$0x1], $0x80, s21, s12, $0xb8;
	[tilespmem:$0x18800] =	vst v63  }
0x47: {  	_ =	swait.ge [sflag:s9], $0x4000  }
0x48: {  	[sflag:s9] =	ssyncset.done $0x0  }
0x49: {  	[sflag:s9] =	ssyncadd.s32 $0xFFFFC000  }
0x4a: {  	[spmem:s2] =	stream.indirect.scatter.add.f32 [tilespmem:s8], [sflag:$0x1], $0x80, s22, s12, $0xb8;
	[tilespmem:$0x18800] =	vst v63  }
0x4b: {  	_ =	swait.ge [sflag:s9], $0x4000  }
0x4c: {  	[sflag:s9] =	ssyncset.done $0x0  }
0x4d: {  	[sflag:s9] =	ssyncadd.s32 $0xFFFFC000  }
0x4e: {  	[spmem:s2] =	stream.indirect.scatter.add.f32 [tilespmem:s8], [sflag:$0x1], $0x80, s23, s12, $0xb8;
	[tilespmem:$0x18800] =	vst v63  }
0x4f: {  	_ =	swait.ge [sflag:s9], $0x4000  }
0x50: {  	[sflag:s9] =	ssyncset.done $0x0  }
0x51: {  	[sflag:s9] =	ssyncadd.s32 $0xFFFFC000  }
0x52: {  	[spmem:s2] =	stream.indirect.scatter.add.f32 [tilespmem:s8], [sflag:$0x1], $0x80, s25, s12, $0xb8;
	[tilespmem:$0x18800] =	vst v63  }
0x53: {  	_ =	swait.ge [sflag:s9], $0x4000  }
0x54: {  	[sflag:s9] =	ssyncset.done $0x0  }
0x55: {  	[sflag:s9] =	ssyncadd.s32 $0xFFFFC000  }
0x56: {  	[spmem:s2] =	stream.indirect.scatter.add.f32 [tilespmem:s8], [sflag:$0x1], $0x80, s26, s12, $0xb8;
	[tilespmem:$0x18800] =	vst v63  }
0x57: {  	_ =	swait.ge [sflag:s9], $0x4000  }
0x58: {  	[sflag:s9] =	ssyncset.done $0x0  }
0x59: {  	[sflag:s9] =	ssyncadd.s32 $0xFFFFC000  }
0x5a: {  	[spmem:s2] =	stream.indirect.scatter.add.f32 [tilespmem:s8], [sflag:$0x1], $0x80, s28, s12, $0xb8;
	[tilespmem:$0x18800] =	vst v63  }
0x5b: {  	_ =	swait.ge [sflag:s9], $0x4000  }
0x5c: {  	s30 =	simm.s32 $0x100;
	s31 =	simm.s32 $0x200;
	[sflag:s9] =	ssyncset.done $0x0  }
.LBB2_2:
0x5d: {  	s0 =	sadd.s32 s30, s7  }
0x5e: {  	[sflag:s9] =	ssyncadd.s32 $0xFFFFC000;
	s30 =	smov.u32 s31;
	s1 =	sadd.s32 $0x100, s31  }
0x5f: {  	[tilespmem:s3], [sflag:$0x1] =	stream.linear.gather [hbm4b:s0+s3], $0x800, $0x38;
	[tilespmem:$0x18800] =	vst v63  }
0x60: {  	p0 =	sne.s32 s31, $0x400;
	_ =	swait.ge [sflag:s9], $0x800  }
0x61: {  	[sflag:s9] =	ssyncset.done $0x0  }
0x62: {  	[sflag:s9] =	ssyncadd.s32 $0xFFFFF800  }
0x63: {  	[spmem:s2] =	stream.indirect.scatter.add.f32 [tilespmem:s8], [sflag:$0x1], $0x80, s3, s12, $0xb8;
	[tilespmem:$0x18800] =	vst v63  }
0x64: {  	_ =	swait.ge [sflag:s9], $0x4000  }
0x65: {  	[sflag:s9] =	ssyncset.done $0x0  }
0x66: {  	[sflag:s9] =	ssyncadd.s32 $0xFFFFC000  }
0x67: {  	[spmem:s2] =	stream.indirect.scatter.add.f32 [tilespmem:s8], [sflag:$0x1], $0x80, s12, s12, $0xb8;
	[tilespmem:$0x18800] =	vst v63  }
0x68: {  	_ =	swait.ge [sflag:s9], $0x4000  }
0x69: {  	[sflag:s9] =	ssyncset.done $0x0  }
0x6a: {  	[sflag:s9] =	ssyncadd.s32 $0xFFFFC000  }
0x6b: {  	[spmem:s2] =	stream.indirect.scatter.add.f32 [tilespmem:s8], [sflag:$0x1], $0x80, s13, s12, $0xb8;
	[tilespmem:$0x18800] =	vst v63  }
0x6c: {  	_ =	swait.ge [sflag:s9], $0x4000  }
0x6d: {  	[sflag:s9] =	ssyncset.done $0x0  }
0x6e: {  	[sflag:s9] =	ssyncadd.s32 $0xFFFFC000  }
0x6f: {  	[spmem:s2] =	stream.indirect.scatter.add.f32 [tilespmem:s8], [sflag:$0x1], $0x80, s14, s12, $0xb8;
	[tilespmem:$0x18800] =	vst v63  }
0x70: {  	_ =	swait.ge [sflag:s9], $0x4000  }
0x71: {  	[sflag:s9] =	ssyncset.done $0x0  }
0x72: {  	[sflag:s9] =	ssyncadd.s32 $0xFFFFC000  }
0x73: {  	[spmem:s2] =	stream.indirect.scatter.add.f32 [tilespmem:s8], [sflag:$0x1], $0x80, s15, s12, $0xb8;
	[tilespmem:$0x18800] =	vst v63  }
0x74: {  	_ =	swait.ge [sflag:s9], $0x4000  }
0x75: {  	[sflag:s9] =	ssyncset.done $0x0  }
0x76: {  	[sflag:s9] =	ssyncadd.s32 $0xFFFFC000  }
0x77: {  	[spmem:s2] =	stream.indirect.scatter.add.f32 [tilespmem:s8], [sflag:$0x1], $0x80, s16, s12, $0xb8;
	[tilespmem:$0x18800] =	vst v63  }
0x78: {  	_ =	swait.ge [sflag:s9], $0x4000  }
0x79: {  	[sflag:s9] =	ssyncset.done $0x0  }
0x7a: {  	[sflag:s9] =	ssyncadd.s32 $0xFFFFC000  }
0x7b: {  	[spmem:s2] =	stream.indirect.scatter.add.f32 [tilespmem:s8], [sflag:$0x1], $0x80, s17, s12, $0xb8;
	[tilespmem:$0x18800] =	vst v63  }
0x7c: {  	_ =	swait.ge [sflag:s9], $0x4000  }
0x7d: {  	[sflag:s9] =	ssyncset.done $0x0  }
0x7e: {  	[sflag:s9] =	ssyncadd.s32 $0xFFFFC000  }
0x7f: {  	[spmem:s2] =	stream.indirect.scatter.add.f32 [tilespmem:s8], [sflag:$0x1], $0x80, s18, s12, $0xb8;
	[tilespmem:$0x18800] =	vst v63  }
0x80: {  	_ =	swait.ge [sflag:s9], $0x4000  }
0x81: {  	[sflag:s9] =	ssyncset.done $0x0  }
0x82: {  	[sflag:s9] =	ssyncadd.s32 $0xFFFFC000  }
0x83: {  	[spmem:s2] =	stream.indirect.scatter.add.f32 [tilespmem:s8], [sflag:$0x1], $0x80, s19, s12, $0xb8;
	[tilespmem:$0x18800] =	vst v63  }
0x84: {  	_ =	swait.ge [sflag:s9], $0x4000  }
0x85: {  	[sflag:s9] =	ssyncset.done $0x0  }
0x86: {  	[sflag:s9] =	ssyncadd.s32 $0xFFFFC000  }
0x87: {  	[spmem:s2] =	stream.indirect.scatter.add.f32 [tilespmem:s8], [sflag:$0x1], $0x80, s20, s12, $0xb8;
	[tilespmem:$0x18800] =	vst v63  }
0x88: {  	_ =	swait.ge [sflag:s9], $0x4000  }
0x89: {  	[sflag:s9] =	ssyncset.done $0x0  }
0x8a: {  	[sflag:s9] =	ssyncadd.s32 $0xFFFFC000  }
0x8b: {  	[spmem:s2] =	stream.indirect.scatter.add.f32 [tilespmem:s8], [sflag:$0x1], $0x80, s21, s12, $0xb8;
	[tilespmem:$0x18800] =	vst v63  }
0x8c: {  	_ =	swait.ge [sflag:s9], $0x4000  }
0x8d: {  	[sflag:s9] =	ssyncset.done $0x0  }
0x8e: {  	[sflag:s9] =	ssyncadd.s32 $0xFFFFC000  }
0x8f: {  	[spmem:s2] =	stream.indirect.scatter.add.f32 [tilespmem:s8], [sflag:$0x1], $0x80, s22, s12, $0xb8;
	[tilespmem:$0x18800] =	vst v63  }
0x90: {  	_ =	swait.ge [sflag:s9], $0x4000  }
0x91: {  	[sflag:s9] =	ssyncset.done $0x0  }
0x92: {  	[sflag:s9] =	ssyncadd.s32 $0xFFFFC000  }
0x93: {  	[spmem:s2] =	stream.indirect.scatter.add.f32 [tilespmem:s8], [sflag:$0x1], $0x80, s23, s12, $0xb8;
	[tilespmem:$0x18800] =	vst v63  }
0x94: {  	_ =	swait.ge [sflag:s9], $0x4000  }
0x95: {  	[sflag:s9] =	ssyncset.done $0x0  }
0x96: {  	[sflag:s9] =	ssyncadd.s32 $0xFFFFC000  }
0x97: {  	[spmem:s2] =	stream.indirect.scatter.add.f32 [tilespmem:s8], [sflag:$0x1], $0x80, s25, s12, $0xb8;
	[tilespmem:$0x18800] =	vst v63  }
0x98: {  	_ =	swait.ge [sflag:s9], $0x4000  }
0x99: {  	[sflag:s9] =	ssyncset.done $0x0  }
0x9a: {  	[sflag:s9] =	ssyncadd.s32 $0xFFFFC000  }
0x9b: {  	[spmem:s2] =	stream.indirect.scatter.add.f32 [tilespmem:s8], [sflag:$0x1], $0x80, s26, s12, $0xb8;
	[tilespmem:$0x18800] =	vst v63  }
0x9c: {  	_ =	swait.ge [sflag:s9], $0x4000  }
.Ltmp0:
0x9d: {  	[sflag:s9] =	ssyncset.done $0x0;
	(pc) =	sbr.rel @p0 .LBB2_2-.Ltmp0, $4  }
0x9e: {  	[sflag:s9] =	ssyncadd.s32 $0xFFFFC000  }
0x9f: {  	[spmem:s2] =	stream.indirect.scatter.add.f32 [tilespmem:s8], [sflag:$0x1], $0x80, s28, s12, $0xb8;
	[tilespmem:$0x18800] =	vst v63  }
0xa0: {  	_ =	swait.ge [sflag:s9], $0x4000  }
0xa1: {  	s31 =	smov.u32 s1;
	[sflag:s9] =	ssyncset.done $0x0  }
0xa2: {  	s0 =	sadd.s32 s30, s7;
	[sflag:s9] =	ssyncadd.s32 $0xFFFFC000  }
0xa3: {  	[tilespmem:s3], [sflag:$0x1] =	stream.linear.gather [hbm4b:s0+s3], $0x800, $0x38;
	[tilespmem:$0x18800] =	vst v63  }
0xa4: {  	_ =	swait.ge [sflag:s9], $0x800  }
0xa5: {  	[sflag:s9] =	ssyncset.done $0x0  }
0xa6: {  	[sflag:s9] =	ssyncadd.s32 $0xFFFFF800  }
0xa7: {  	[spmem:s2] =	stream.indirect.scatter.add.f32 [tilespmem:s8], [sflag:$0x1], $0x80, s3, s12, $0xb8;
	[tilespmem:$0x18800] =	vst v63  }
0xa8: {  	_ =	swait.ge [sflag:s9], $0x4000  }
0xa9: {  	[sflag:s9] =	ssyncset.done $0x0  }
0xaa: {  	[sflag:s9] =	ssyncadd.s32 $0xFFFFC000  }
0xab: {  	[spmem:s2] =	stream.indirect.scatter.add.f32 [tilespmem:s8], [sflag:$0x1], $0x80, s12, s12, $0xb8;
	[tilespmem:$0x18800] =	vst v63  }
0xac: {  	_ =	swait.ge [sflag:s9], $0x4000  }
0xad: {  	[sflag:s9] =	ssyncset.done $0x0  }
0xae: {  	[sflag:s9] =	ssyncadd.s32 $0xFFFFC000  }
0xaf: {  	[spmem:s2] =	stream.indirect.scatter.add.f32 [tilespmem:s8], [sflag:$0x1], $0x80, s13, s12, $0xb8;
	[tilespmem:$0x18800] =	vst v63  }
0xb0: {  	_ =	swait.ge [sflag:s9], $0x4000  }
0xb1: {  	[sflag:s9] =	ssyncset.done $0x0  }
0xb2: {  	[sflag:s9] =	ssyncadd.s32 $0xFFFFC000  }
0xb3: {  	[spmem:s2] =	stream.indirect.scatter.add.f32 [tilespmem:s8], [sflag:$0x1], $0x80, s14, s12, $0xb8;
	[tilespmem:$0x18800] =	vst v63  }
0xb4: {  	_ =	swait.ge [sflag:s9], $0x4000  }
0xb5: {  	[sflag:s9] =	ssyncset.done $0x0  }
0xb6: {  	[sflag:s9] =	ssyncadd.s32 $0xFFFFC000  }
0xb7: {  	[spmem:s2] =	stream.indirect.scatter.add.f32 [tilespmem:s8], [sflag:$0x1], $0x80, s15, s12, $0xb8;
	[tilespmem:$0x18800] =	vst v63  }
0xb8: {  	_ =	swait.ge [sflag:s9], $0x4000  }
0xb9: {  	[sflag:s9] =	ssyncset.done $0x0  }
0xba: {  	[sflag:s9] =	ssyncadd.s32 $0xFFFFC000  }
0xbb: {  	[spmem:s2] =	stream.indirect.scatter.add.f32 [tilespmem:s8], [sflag:$0x1], $0x80, s16, s12, $0xb8;
	[tilespmem:$0x18800] =	vst v63  }
0xbc: {  	_ =	swait.ge [sflag:s9], $0x4000  }
0xbd: {  	[sflag:s9] =	ssyncset.done $0x0  }
0xbe: {  	[sflag:s9] =	ssyncadd.s32 $0xFFFFC000  }
0xbf: {  	[spmem:s2] =	stream.indirect.scatter.add.f32 [tilespmem:s8], [sflag:$0x1], $0x80, s17, s12, $0xb8;
	[tilespmem:$0x18800] =	vst v63  }
0xc0: {  	_ =	swait.ge [sflag:s9], $0x4000  }
0xc1: {  	[sflag:s9] =	ssyncset.done $0x0  }
0xc2: {  	[sflag:s9] =	ssyncadd.s32 $0xFFFFC000  }
0xc3: {  	[spmem:s2] =	stream.indirect.scatter.add.f32 [tilespmem:s8], [sflag:$0x1], $0x80, s18, s12, $0xb8;
	[tilespmem:$0x18800] =	vst v63  }
0xc4: {  	_ =	swait.ge [sflag:s9], $0x4000  }
0xc5: {  	[sflag:s9] =	ssyncset.done $0x0  }
0xc6: {  	[sflag:s9] =	ssyncadd.s32 $0xFFFFC000  }
0xc7: {  	[spmem:s2] =	stream.indirect.scatter.add.f32 [tilespmem:s8], [sflag:$0x1], $0x80, s19, s12, $0xb8;
	[tilespmem:$0x18800] =	vst v63  }
0xc8: {  	_ =	swait.ge [sflag:s9], $0x4000  }
0xc9: {  	[sflag:s9] =	ssyncset.done $0x0  }
0xca: {  	[sflag:s9] =	ssyncadd.s32 $0xFFFFC000  }
0xcb: {  	[spmem:s2] =	stream.indirect.scatter.add.f32 [tilespmem:s8], [sflag:$0x1], $0x80, s20, s12, $0xb8;
	[tilespmem:$0x18800] =	vst v63  }
0xcc: {  	_ =	swait.ge [sflag:s9], $0x4000  }
0xcd: {  	[sflag:s9] =	ssyncset.done $0x0  }
0xce: {  	[sflag:s9] =	ssyncadd.s32 $0xFFFFC000  }
0xcf: {  	[spmem:s2] =	stream.indirect.scatter.add.f32 [tilespmem:s8], [sflag:$0x1], $0x80, s21, s12, $0xb8;
	[tilespmem:$0x18800] =	vst v63  }
0xd0: {  	_ =	swait.ge [sflag:s9], $0x4000  }
0xd1: {  	[sflag:s9] =	ssyncset.done $0x0  }
0xd2: {  	[sflag:s9] =	ssyncadd.s32 $0xFFFFC000  }
0xd3: {  	[spmem:s2] =	stream.indirect.scatter.add.f32 [tilespmem:s8], [sflag:$0x1], $0x80, s22, s12, $0xb8;
	[tilespmem:$0x18800] =	vst v63  }
0xd4: {  	_ =	swait.ge [sflag:s9], $0x4000  }
0xd5: {  	[sflag:s9] =	ssyncset.done $0x0  }
0xd6: {  	[sflag:s9] =	ssyncadd.s32 $0xFFFFC000  }
0xd7: {  	[spmem:s2] =	stream.indirect.scatter.add.f32 [tilespmem:s8], [sflag:$0x1], $0x80, s23, s12, $0xb8;
	[tilespmem:$0x18800] =	vst v63  }
0xd8: {  	_ =	swait.ge [sflag:s9], $0x4000  }
0xd9: {  	[sflag:s9] =	ssyncset.done $0x0  }
0xda: {  	[sflag:s9] =	ssyncadd.s32 $0xFFFFC000  }
0xdb: {  	[spmem:s2] =	stream.indirect.scatter.add.f32 [tilespmem:s8], [sflag:$0x1], $0x80, s25, s12, $0xb8;
	[tilespmem:$0x18800] =	vst v63  }
0xdc: {  	_ =	swait.ge [sflag:s9], $0x4000  }
0xdd: {  	[sflag:s9] =	ssyncset.done $0x0  }
0xde: {  	[sflag:s9] =	ssyncadd.s32 $0xFFFFC000  }
0xdf: {  	[spmem:s2] =	stream.indirect.scatter.add.f32 [tilespmem:s8], [sflag:$0x1], $0x80, s26, s12, $0xb8;
	[tilespmem:$0x18800] =	vst v63  }
0xe0: {  	_ =	swait.ge [sflag:s9], $0x4000  }
0xe1: {  	[sflag:s9] =	ssyncset.done $0x0  }
0xe2: {  	[sflag:s9] =	ssyncadd.s32 $0xFFFFC000  }
0xe3: {  	[spmem:s2] =	stream.indirect.scatter.add.f32 [tilespmem:s8], [sflag:$0x1], $0x80, s28, s12, $0xb8;
	[tilespmem:$0x18800] =	vst v63  }
0xe4: {  	_ =	swait.ge [sflag:s9], $0x4000  }
0xe5: {  	s29 =	sadd.s32 $0x1, s29;
	[sflag:s9] =	ssyncset.done $0x0  }
0xe6: {  	p0 =	sne.s32 s29, s6;
	[sflag:s9] =	ssyncadd.s32 $0xFFFFC000  }
.Ltmp1:
0xe7: {  	[bflag:$0x0] =	sbarrier.arrive $0xFFFF;
	(pc) =	sbr.rel @p0 .LBB2_1-.Ltmp1, $4  }
0xe8: {  	[hbm:s24], [sflag:s10] =	dma.local [spmem:s11], $0x2800  }
0xe9: {  	_ =	swait.ge [sflag:s9], $0x2800  }
0xea: {  	[sflag:s9] =	ssyncset.done $0x0  }
0xeb: {  	[sflag:s9] =	ssyncadd.s32 $0xFFFFD800  }
0xec: {  	_ =	sfence.sel $0x180000  }
0xed: {  	[bflag:$0x0] =	sbarrier.arrive $0xFFFF  }
0xee: {  	_ =	strace $0x9000004A  }
0xef: {  	s0 =	stileid.u32;
	[bflag:$0x2] =	sbarrier.arrive $0xFFFF  }
0xf0: {  	p0 =	sne.s32 s0, $0x0;
	s0 =	rddreg [dreg:$0x2]  }
0xf1: {  	s0 =	sadd.s32 @!p0 $0x100000, s0  }
0xf2: {  	[sflag:s0] =	ssyncadd.tile.s32 @!p0 $0x1;
	_ =	shalt  }
.Lfunc_end2:
_tile_overlayer_lowered:
.L_overlay_start_2:
0xf3: {  	(tag) =	ssettag $0x2  }
0xf4: {  	s0 =	rddreg [dreg:$0x0];
	s2 =	stileid.u32  }
0xf5: {  	s1 =	rddreg [dreg:$0x1];
	p0 =	sne.s32 s2, $0x0  }
0xf6: {  	s3 =	rddreg [dreg:$0x2];
	[bflag:$0x3] =	sbarrier.arrive $0xFFFF;
	s2 =	simm.s32 @!p0 $0x1C01  }
0xf7: {  	[timem:s3], [sflag:s2] =	dma.local @!p0 [hbm:s0], s1  }
0xf8: {  	s0 =	simm.s32 @!p0 $0x1  }
0xf9: {  	_ =	swait.ge @!p0 [sflag:s0], s1  }
0xfa: {  	s1 =	ssub.s32 @!p0 $0x0, s1;
	[sflag:s0] =	ssyncset.done @!p0 $0x0  }
0xfb: {  	[sflag:s0] =	ssyncadd.s32 @!p0 s1  }
0xfc: {  	[bflag:$0x3] =	sbarrier.arrive $0xFFFF  }
0xfd: {  	_ =	shalt  }

// kernel: kernel.16.cloned.1.call-start
scs
__scs_entry_jumppad:
0x0: {  	(pc) =	sbr.rel $0x88, $3  }
0x1: {  	(tag) =	ssettag $0x0;
	lr =	simm.s32 $0x1  }
0x2: {  	[smem:$0x3F97] =	sst lr;
	_ =	strace $0xD0000000  }
0x3: {  	_ = 	snop  }
0x4: {  	_ = 	snop  }
0x5: {  	_ = 	snop  }
0x6: {  	_ = 	snop  }
0x7: {  	_ = 	snop  }
__scs_overlays_trampoline_lowered:
0x8: {  	[smem:$0x3FA6] =	sst s0  }
0x9: {  	[smem:$0x3FA7] =	sst s1  }
0xa: {  	[smem:$0x3FA8] =	sst s2  }
0xb: {  	[smem:$0x3FA9] =	sst s3  }
0xc: {  	[smem:$0x3FAA] =	sst s4  }
0xd: {  	[smem:$0x3FAB] =	sst s5  }
0xe: {  	[smem:$0x3FAC] =	sst s6  }
0xf: {  	[smem:$0x3FAD] =	sst s7  }
0x10: {  	[smem:$0x3FAE] =	sst s8  }
0x11: {  	[smem:$0x3FAF] =	sst s9;
	s0 =	simm.s32 @!p0 $0x0  }
0x12: {  	s1 =	sld [smem:$0x3F95];
	s0 =	simm.s32 @p0 $0x1  }
0x13: {  	[smem:$0x3FB0] =	sst s0;
	s0 =	simm.s32 @!p1 $0x0  }
0x14: {  	s2 =	sld [smem:$0x3F94];
	s0 =	simm.s32 @p1 $0x1  }
0x15: {  	[smem:$0x3FB1] =	sst s0;
	s0 =	simm.s32 @!p2 $0x0  }
0x16: {  	s3 =	sld [smem:$0x3FDB];
	s0 =	simm.s32 @p2 $0x1  }
0x17: {  	s4 =	simm.s32 $0x1BF5;
	[smem:$0x3FB3] =	sst s0  }
0x18: {  	s0 =	sld [smem:$0x3F96];
	_ =	swait.ge [sflag:s4], $0x0  }
0x19: {  	s7 =	sld [smem:$0x3F97]  }
0x1a: {  	s8 =	sadd.s32 $0xFFFFE003, lr  }
0x1b: {  	s9 =	sadd.s32 $0xFFFFFEF7, lr;
	s5 =	simm.s32 $0xFFFFFFFF;
	p2 =	slt.u32 s8, $0xFFFFF086  }
0x1c: {  	p1 =	slt.u32 s9, $0xF7A;
	s5 =	simm.s32 @!p2 $0x0  }
0x1d: {  	s5 =	simm.s32 @p1 $0x1;
	p0 =	seq.s32 s7, s2  }
0x1e: {  	s7 =	smul.u32 @!p0 $0xF7A, s2;
	p2 =	seq.s32 @!p0 s5, $0x0  }
0x1f: {  	s9 =	smul.u32 $0xF7A, s1;
	s8 =	simm.s32 @!p0 $0x1BF5;
	p2 =	por !p2, p0  }
0x20: {  	[sflag:s8] =	ssyncset.s32 @!p0 $0xFFFFF086;
	s6 =	sadd.s32 @!p0 s3, s7;
	s7 =	simm.s32 @!p0 $0x108  }
0x21: {  	s3 =	sadd.s32 s3, s9;
	s6 =	sadd.s32 @!p0 $0x88, s6;
	s7 =	simm.s32 @p2 $0x1082  }
0x22: {  	[simem:s7], [sflag:s8] =	dma.local @!p0 [hbm:s6], $0xF7A  }
0x23: {  	s9 =	sor.u32 $0xD0000000, s2;
	s6 =	simm.s32 $0x108;
	_ =	swait.ge @!p0 [sflag:s8], $0x0  }
0x24: {  	s3 =	sadd.s32 $0x88, s3;
	s6 =	simm.s32 @!p1 $0x1082;
	[sflag:s4] =	ssyncset.s32 $0xFFFFF086  }
0x25: {  	[simem:s6], [sflag:s4] =	dma.local [hbm:s3], $0xF7A  }
0x26: {  	[smem:$0x3F97] =	sst s1;
	(tag) =	ssettag s2;
	_ =	strace s9  }
0x27: {  	s1 =	sld [smem:$0x3FA7]  }
0x28: {  	s2 =	sld [smem:$0x3FA8]  }
0x29: {  	s4 =	sld [smem:$0x3FAA]  }
0x2a: {  	p0 =	seq.s32 s5, $0x0;
	s5 =	sld [smem:$0x3FAB]  }
0x2b: {  	s6 =	sld [smem:$0x3FAC]  }
0x2c: {  	s7 =	sld [smem:$0x3FAD]  }
0x2d: {  	s3 =	simm.s32 $0x108;
	s8 =	sld [smem:$0x3FAE]  }
0x2e: {  	s3 =	simm.s32 @!p0 $0x1082;
	s9 =	sld [smem:$0x3FAF]  }
0x2f: {  	lr =	sadd.s32 s0, s3;
	s0 =	sld [smem:$0x3FA6]  }
0x30: {  	s3 =	sld [smem:$0x3FA9]  }
0x31: {  	[smem:$0x3FB2] =	sst s10  }
0x32: {  	s10 =	sld [smem:$0x3FB0];
	_ =	sdelay $0x3  }
0x33: {  	p0 =	seq.s32 s10, $0x1;
	s10 =	sld [smem:$0x3FB2];
	_ =	sdelay $0x3  }
0x34: {  	[smem:$0x3FB2] =	sst s10  }
0x35: {  	s10 =	sld [smem:$0x3FB1];
	_ =	sdelay $0x3  }
0x36: {  	p1 =	seq.s32 s10, $0x1;
	s10 =	sld [smem:$0x3FB2];
	_ =	sdelay $0x3  }
0x37: {  	[smem:$0x3FB2] =	sst s10  }
0x38: {  	s10 =	sld [smem:$0x3FB3]  }
0x39: {  	_ = 	snop;
	(pc) =	sbr.ind lr, $3  }
0x3a: {  	_ = 	snop  }
0x3b: {  	_ = 	snop  }
0x3c: {  	p2 =	seq.s32 s10, $0x1;
	s10 =	sld [smem:$0x3FB2]  }
0x3d: {  	_ =	shalt  }
0x3e: {  	_ =	shalt  }
0x3f: {  	_ =	shalt  }
0x40: {  	_ =	shalt  }
0x41: {  	_ =	shalt  }
0x42: {  	_ =	shalt  }
0x43: {  	_ =	shalt  }
0x44: {  	_ =	shalt  }
0x45: {  	_ =	shalt  }
0x46: {  	_ =	shalt  }
0x47: {  	_ =	shalt  }
0x48: {  	_ =	shalt  }
0x49: {  	_ =	shalt  }
0x4a: {  	_ =	shalt  }
0x4b: {  	_ =	shalt  }
0x4c: {  	_ =	shalt  }
0x4d: {  	_ =	shalt  }
0x4e: {  	_ =	shalt  }
0x4f: {  	_ =	shalt  }
0x50: {  	_ =	shalt  }
0x51: {  	_ =	shalt  }
0x52: {  	_ =	shalt  }
0x53: {  	_ =	shalt  }
0x54: {  	_ =	shalt  }
0x55: {  	_ =	shalt  }
0x56: {  	_ =	shalt  }
0x57: {  	_ =	shalt  }
0x58: {  	_ =	shalt  }
0x59: {  	_ =	shalt  }
0x5a: {  	_ =	shalt  }
0x5b: {  	_ =	shalt  }
0x5c: {  	_ =	shalt  }
0x5d: {  	_ =	shalt  }
0x5e: {  	_ =	shalt  }
0x5f: {  	_ =	shalt  }
0x60: {  	_ =	shalt  }
0x61: {  	_ =	shalt  }
0x62: {  	_ =	shalt  }
0x63: {  	_ =	shalt  }
0x64: {  	_ =	shalt  }
0x65: {  	_ =	shalt  }
0x66: {  	_ =	shalt  }
0x67: {  	_ =	shalt  }
0x68: {  	_ =	shalt  }
0x69: {  	_ =	shalt  }
0x6a: {  	_ =	shalt  }
0x6b: {  	_ =	shalt  }
0x6c: {  	_ =	shalt  }
0x6d: {  	_ =	shalt  }
0x6e: {  	_ =	shalt  }
0x6f: {  	_ =	shalt  }
0x70: {  	_ =	shalt  }
0x71: {  	_ =	shalt  }
0x72: {  	_ =	shalt  }
0x73: {  	_ =	shalt  }
0x74: {  	_ =	shalt  }
0x75: {  	_ =	shalt  }
0x76: {  	_ =	shalt  }
0x77: {  	_ =	shalt  }
0x78: {  	_ =	shalt  }
0x79: {  	_ =	shalt  }
0x7a: {  	_ =	shalt  }
0x7b: {  	_ =	shalt  }
0x7c: {  	_ =	shalt  }
0x7d: {  	_ =	shalt  }
0x7e: {  	_ =	shalt  }
0x7f: {  	_ =	shalt  }
0x80: {  	_ =	shalt  }
0x81: {  	_ =	shalt  }
0x82: {  	_ =	shalt  }
0x83: {  	_ =	shalt  }
0x84: {  	_ =	shalt  }
0x85: {  	_ =	shalt  }
0x86: {  	_ =	shalt  }
0x87: {  	_ =	shalt  }
.Lfunc_end0:
.L_simem_size_0:
called_computation.2_lowered:
.L_overlay_start_0:
0x88: {  	s2 =	sld [smem:$0x3FD9]  }
0x89: {  	s3 =	sld [smem:$0x3FFE];
	_ =	sdelay $0x1  }
0x8a: {  	s1 =	srdreg.scid  }
0x8b: {  	s0 =	sand.u32 $0x1, s1  }
0x8c: {  	s17 =	sshll.u32 s0, $0xA;
	s2 =	sadd.s32 s3, s2  }
0x8d: {  	s2 =	sadd.s32 s2, s17  }
0x8e: {  	[smem:$0x3FBE] =	sst s2  }
0x8f: {  	_ = 	snop  }
0x90: {  	s18 =	sld [smem:$0x3FD0];
	(tm) =	ssettm $0x1  }
0x91: {  	s19 =	sld [smem:$0x3FFB];
	_ =	sdelay $0x3  }
0x92: {  	_ =	strace s19  }
0x93: {  	s2 =	sld [smem:$0x3FFC];
	_ =	sdelay $0x3  }
0x94: {  	_ =	strace s2  }
0x95: {  	s2 =	sld [smem:$0x3FFD];
	_ =	sdelay $0x3  }
0x96: {  	_ =	strace s2  }
0x97: {  	_ =	strace $0x8FFFFFFF  }
0x98: {  	s20 =	sld [smem:$0x3FDB];
	_ =	sdelay $0x1  }
0x99: {  	s4 =	simm.s32 $_scs_section_size  }
0x9a: {  	s5 =	simm.s32 $_size__tile_overlayer_lowered;
	s6 =	simm.s32 $_tile_overlayer_lowered  }
0x9b: {  	s7 =	simm.s32 $0x1BFF;
	s21 =	sshll.u32 s6, $0x1;
	s4 =	sadd.s32 s4, s20  }
0x9c: {  	s22 =	simm.s32 $0x0;
	s5 =	sshll.u32 s5, $0x1;
	s6 =	sadd.s32 s21, s4  }
0x9d: {  	[timem:s22], [sflag:s7] =	dma.local [hbm:s6], s5  }
0x9e: {  	_ =	swait.ge [sflag:s7], s5  }
0x9f: {  	s5 =	ssub.s32 $0x0, s5;
	[sflag:s7] =	ssyncset.done $0x0  }
0xa0: {  	[sflag:s7] =	ssyncadd.s32 s5;
	_ =	sdelay $0x1  }
0xa1: {  	s23 =	simm.s32 $0x1B8B  }
0xa2: {  	_ =	swait.ge [sflag:s23], $0x1  }
0xa3: {  	[sflag:s23] =	ssyncset.done $0x0  }
0xa4: {  	[sflag:s23] =	ssyncadd.s32 $0xFFFFFFFF  }
0xa5: {  	s5 =	sld [smem:$0x0]  }
0xa6: {  	s6 =	sand.u32 $0xFFFFFFFE, s1  }
0xa7: {  	p0 =	sne.s32 s1, s6  }
0xa8: {  	s6 =	sshll.u32 @p0 s6, $0xE  }
0xa9: {  	s6 =	sadd.s32 @p0 $0x11B8D, s6;
	s7 =	sshll.u32 @p0 s5, $0x11  }
0xaa: {  	s6 =	sor.u32 @p0 s7, s6  }
0xab: {  	[sflag:s6] =	ssyncadd.remote.s32 @p0 $0x1;
	_ =	sdelay $0x1  }
0xac: {  	s6 =	simm.s32 @p0 $0x1B8D  }
0xad: {  	_ =	swait.eq @p0 [sflag:s6], $0x1  }
0xae: {  	[sflag:s6] =	ssyncadd.s32 @p0 $0xFFFFFFFF  }
0xaf: {  	s7 =	sshll.u32 @!p0 s1, $0xE  }
0xb0: {  	s7 =	sor.u32 @!p0 $0x4000, s7;
	s6 =	simm.s32 @!p0 $0x1B8D  }
0xb1: {  	s5 =	sshll.u32 @!p0 s5, $0x11;
	s7 =	sadd.s32 @!p0 $0x11B8D, s7;
	_ =	swait.eq @!p0 [sflag:s6], $0x1  }
0xb2: {  	s5 =	sor.u32 @!p0 s5, s7;
	[sflag:s6] =	ssyncadd.s32 @!p0 $0xFFFFFFFF  }
0xb3: {  	s25 =	simm.s32 $0x1B8E;
	s24 =	sld [smem:$0x3FFE];
	[sflag:s5] =	ssyncadd.remote.s32 @!p0 $0x1  }
0xb4: {  	s26 =	simm.s32 $execute0_lowered;
	[smem:$0x3FD2] =	sst s25  }
0xb5: {  	s6 =	sshll.u32 s26, $0x1;
	_ =	strace $0x8000004C;
	[dreg:$0x1] =	wrdreg $0xFFFFFFFF  }
0xb6: {  	s28 =	simm.s32 $_size_execute0_lowered;
	s4 =	sadd.s32 s4, s6;
	[dreg:$0x0] =	wrdreg $0x0  }
0xb7: {  	s6 =	sshll.u32 s28, $0x1;
	[dreg:$0x2] =	wrdreg s4  }
0xb8: {  	[dreg:$0x3] =	wrdreg s6  }
0xb9: {  	[dreg:$0x4] =	wrdreg $0xC0  }
0xba: {  	_ =	task [dreg:s22], $0x5FFFF  }
0xbb: {  	[dreg:$0x1] =	wrdreg $0xFFFFFFFF  }
0xbc: {  	[dreg:$0x0] =	wrdreg $0x60  }
0xbd: {  	[dreg:$0x2] =	wrdreg s24  }
0xbe: {  	[dreg:$0x3] =	wrdreg s18  }
0xbf: {  	[dreg:$0x4] =	wrdreg $0x88000  }
0xc0: {  	[dreg:$0x5] =	wrdreg $0xA  }
0xc1: {  	_ =	task.clear_ibuf [dreg:s22], $0x6FFFF;
	_ =	strace $0x9000004C  }
0xc2: {  	s29 =	simm.s32 $0xA;
	_ =	strace $0x8000004E  }
0xc3: {  	_ =	swait.ge [sflag:s29], $0x1  }
0xc4: {  	[sflag:s29] =	ssyncadd.s32 $0xFFFFFFFF  }
0xc5: {  	_ =	strace $0x9000004E  }
0xc6: {  	_ =	sfence  }
0xc7: {  	s30 =	sld [smem:$0x0];
	_ =	sdelay $0x2  }
0xc8: {  	s31 =	sshll.u32 s1, $0xD;
	s1 =	sshrl.u32 s1, $0x2  }
0xc9: {  	s4 =	sand.u32 $0x4000, s31;
	s1 =	sadd.s32 s1, s30  }
0xca: {  	s0 =	sor.u32 s4, s0;
	s1 =	sshll.u32 s1, $0x11  }
0xcb: {  	s0 =	sor.u32 s1, s0  }
0xcc: {  	s0 =	sadd.s32 $0x8F2B, s0  }
0xcd: {  	[sflag:s0] =	ssyncadd.remote.s32 $0x1  }
0xce: {  	_ =	sfence.sel $0xFFFF  }
0xcf: {  	[dreg:$0x0] =	wrdreg $0xFFFFFFFF;
	(pc) =	sbr.abs _section_cstart, $3  }
0xd0: {  	[dreg:$0x1] =	wrdreg $0xFFFFFFFF  }
0xd1: {  	_ =	task.clear_ibuf [dreg:s22], $0x2FFFF;
	_ =	strace $0x9FFFFFFF  }
0xd2: {  	(tm) =	ssettm $0x7FFFFFFF  }
0xd3: {  	_ =	shalt  }
tec
execute0_lowered:
.L_overlay_start_1:
0x0: {  	(tag) =	ssettag $0x1  }
0x1: {  	s0 =	rddreg [dreg:$0x0]  }
0x2: {  	s2 =	rddreg [dreg:$0x1];
	s3 =	srdreg.scid  }
0x3: {  	s1 =	rddreg [dreg:$0x2];
	s10 =	stileid.u32  }
0x4: {  	s6 =	simm.s32 $0x98;
	s12 =	simm.s32 $0x3;
	s13 =	simm.s32 $0x400  }
0x5: {  	s14 =	simm.s32 $0x80;
	s15 =	simm.s32 $0x800;
	s16 =	simm.s32 $0x4800  }
0x6: {  	s17 =	simm.s32 $0x1;
	s18 =	simm.s32 $0x100;
	s19 =	simm.s32 $0x2  }
0x7: {  	s20 =	simm.s32 $0x480;
	s21 =	simm.s32 $0x180;
	s28 =	simm.s32 $0x600  }
0x8: {  	s29 =	simm.s32 $0x300;
	s30 =	simm.s32 $0x680;
	s31 =	simm.s32 $0x380  }
0x9: {  	s5 =	sand.u32 $0x1, s3;
	s3 =	simm.s32 $0x0;
	s8 =	smul.u32 $0x50000, s10  }
0xa: {  	s24 =	sshll.u32 s10, $0x6;
	s25 =	smul.u32 $0x2800, s10;
	p0 =	seq.s32 s5, $0x0  }
0xb: {  	s4 =	smul.u32 $0x980, s5;
	[smem:$0x7FF] =	sst s3;
	s22 =	ssub.s32 $0x2, s5  }
0xc: {  	s5 =	smul.u32 $0x28000, s5;
	s6 =	simm.s32 @!p0 $0x8;
	_ =	strace $0x8000004D  }
0xd: {  	s23 =	sshrl.u32 s22, $0x1;
	s8 =	sshrl.u32 s8, $0x2;
	s7 =	smul.u32 s10, s6  }
0xe: {  	s8 =	sadd.s32 s8, s1;
	s6 =	sshrl.u32 s6, $0x3;
	s2 =	sadd.s32 s2, s5  }
0xf: {  	s5 =	simm.s32 $0x0;
	[dreg:$0x5] =	wrdreg s6;
	s11 =	sshrl.u32 s8, $0x3  }
0x10: {  	s26 =	sadd.s32 s25, s2;
	s25 =	simm.s32 $0x580;
	s7 =	sadd.s32 s4, s7  }
0x11: {  	s2 =	simm.s32 $0x700;
	s4 =	sadd.s32 $0x3800, s0;
	s7 =	sshll.u32 s7, $0x4  }
0x12: {  	[dreg:$0x7] =	wrdreg s26;
	s9 =	sadd.s32 s7, s0;
	s0 =	sadd.s32 $0x3F800, s0  }
0x13: {  	s26 =	simm.s32 $0x280;
	s7 =	sor.u32 $0x1C03, s24;
	[dreg:$0x4] =	wrdreg s0  }
0x14: {  	s0 =	ssub.s32 s22, s23;
	s24 =	sadd.s32 $0x2B800, s9;
	s6 =	sadd.s32 $0x35800, s9  }
0x15: {  	s9 =	smov.u32 s7;
	s22 =	simm.s32 $0x500;
	s0 =	smax.u32 s0, $0x1  }
0x16: {  	s23 =	simm.s32 $0x200;
	[dreg:$0x6] =	wrdreg s0;
	s0 =	simm.s32 $0x780  }
.LBB2_1:
0x17: {  	s8 =	rddreg [dreg:$0x4]  }
0x18: {  	[spmem:s11], [sflag:s9] =	dma.local [hbm:s8], $0x2800  }
0x19: {  	_ =	swait.ge [sflag:s12], $0x2800  }
0x1a: {  	[sflag:s12] =	ssyncset.done $0x0  }
0x1b: {  	[sflag:s12] =	ssyncadd.s32 $0xFFFFD800  }
0x1c: {  	[bflag:$0x0] =	sbarrier.arrive $0xFFFF  }
0x1d: {  	[tilespmem:s3], [sflag:$0x3] =	stream.linear.gather [hbm4b:s6+s3], $0x400, $0x38;
	[tilespmem:$0x1C800] =	vst v63  }
0x1e: {  	_ =	swait.ge [sflag:s12], $0x400  }
0x1f: {  	[sflag:s12] =	ssyncset.done $0x0  }
0x20: {  	[sflag:s12] =	ssyncadd.s32 $0xFFFFFC00  }
0x21: {  	[tilespmem:s13], [sflag:$0x3] =	stream.linear.gather [hbm4b:s24+s3], $0x400, $0x38;
	[tilespmem:$0x1C800] =	vst v63  }
0x22: {  	_ =	swait.ge [sflag:s12], $0x400  }
0x23: {  	[sflag:s12] =	ssyncset.done $0x0  }
0x24: {  	[sflag:s12] =	ssyncadd.s32 $0xFFFFFC00  }
0x25: {  	[tilespmem:s15], [sflag:$0x1] =	stream.indirect.gather [hbm4b:s4+s14], $0x80, s3, s14, $0xb8;
	[tilespmem:$0x1C800] =	vst v63  }
0x26: {  	_ = 	snop  }
0x27: {  	[tilespmem:s16], [sflag:$0x2] =	stream.indirect.gather [hbm4b:s4+s14], $0x80, s14, s14, $0xb8;
	[tilespmem:$0x1C800] =	vst v63  }
0x28: {  	_ =	swait.ge [sflag:s17], $0x4000  }
0x29: {  	[sflag:s17] =	ssyncset.done $0x0  }
0x2a: {  	[sflag:s17] =	ssyncadd.s32 $0xFFFFC000  }
0x2b: {  	[spmem:s1] =	stream.indirect.scatter.add.f32 [tilespmem:s15], [sflag:$0x3], $0x80, s13, s14, $0xb8;
	[tilespmem:$0x1C800] =	vst v63  }
0x2c: {  	_ =	swait.ge [sflag:s12], $0x4000  }
0x2d: {  	[sflag:s12] =	ssyncset.done $0x0  }
0x2e: {  	[sflag:s12] =	ssyncadd.s32 $0xFFFFC000  }
0x2f: {  	[tilespmem:s15], [sflag:$0x1] =	stream.indirect.gather [hbm4b:s4+s14], $0x80, s18, s14, $0xb8;
	[tilespmem:$0x1C800] =	vst v63  }
0x30: {  	_ =	swait.ge [sflag:s19], $0x4000  }
0x31: {  	[sflag:s19] =	ssyncset.done $0x0  }
0x32: {  	[sflag:s19] =	ssyncadd.s32 $0xFFFFC000  }
0x33: {  	[spmem:s1] =	stream.indirect.scatter.add.f32 [tilespmem:s16], [sflag:$0x3], $0x80, s20, s14, $0xb8;
	[tilespmem:$0x1C800] =	vst v63  }
0x34: {  	_ =	swait.ge [sflag:s12], $0x4000  }
0x35: {  	[sflag:s12] =	ssyncset.done $0x0  }
0x36: {  	[sflag:s12] =	ssyncadd.s32 $0xFFFFC000  }
0x37: {  	[tilespmem:s16], [sflag:$0x2] =	stream.indirect.gather [hbm4b:s4+s14], $0x80, s21, s14, $0xb8;
	[tilespmem:$0x1C800] =	vst v63  }
0x38: {  	_ =	swait.ge [sflag:s17], $0x4000  }
0x39: {  	[sflag:s17] =	ssyncset.done $0x0  }
0x3a: {  	[sflag:s17] =	ssyncadd.s32 $0xFFFFC000  }
0x3b: {  	[spmem:s1] =	stream.indirect.scatter.add.f32 [tilespmem:s15], [sflag:$0x3], $0x80, s22, s14, $0xb8;
	[tilespmem:$0x1C800] =	vst v63  }
0x3c: {  	_ =	swait.ge [sflag:s12], $0x4000  }
0x3d: {  	[sflag:s12] =	ssyncset.done $0x0  }
0x3e: {  	[sflag:s12] =	ssyncadd.s32 $0xFFFFC000  }
0x3f: {  	[tilespmem:s15], [sflag:$0x1] =	stream.indirect.gather [hbm4b:s4+s14], $0x80, s23, s14, $0xb8;
	[tilespmem:$0x1C800] =	vst v63  }
0x40: {  	_ =	swait.ge [sflag:s19], $0x4000  }
0x41: {  	[sflag:s19] =	ssyncset.done $0x0  }
0x42: {  	[sflag:s19] =	ssyncadd.s32 $0xFFFFC000  }
0x43: {  	[spmem:s1] =	stream.indirect.scatter.add.f32 [tilespmem:s16], [sflag:$0x3], $0x80, s25, s14, $0xb8;
	[tilespmem:$0x1C800] =	vst v63  }
0x44: {  	_ =	swait.ge [sflag:s12], $0x4000  }
0x45: {  	[sflag:s12] =	ssyncset.done $0x0  }
0x46: {  	[sflag:s12] =	ssyncadd.s32 $0xFFFFC000  }
0x47: {  	[tilespmem:s16], [sflag:$0x2] =	stream.indirect.gather [hbm4b:s4+s14], $0x80, s26, s14, $0xb8;
	[tilespmem:$0x1C800] =	vst v63  }
0x48: {  	_ =	swait.ge [sflag:s17], $0x4000  }
0x49: {  	[sflag:s17] =	ssyncset.done $0x0  }
0x4a: {  	[sflag:s17] =	ssyncadd.s32 $0xFFFFC000  }
0x4b: {  	[spmem:s1] =	stream.indirect.scatter.add.f32 [tilespmem:s15], [sflag:$0x3], $0x80, s28, s14, $0xb8;
	[tilespmem:$0x1C800] =	vst v63  }
0x4c: {  	_ =	swait.ge [sflag:s12], $0x4000  }
0x4d: {  	[sflag:s12] =	ssyncset.done $0x0  }
0x4e: {  	[sflag:s12] =	ssyncadd.s32 $0xFFFFC000  }
0x4f: {  	[tilespmem:s15], [sflag:$0x1] =	stream.indirect.gather [hbm4b:s4+s14], $0x80, s29, s14, $0xb8;
	[tilespmem:$0x1C800] =	vst v63  }
0x50: {  	_ =	swait.ge [sflag:s19], $0x4000  }
0x51: {  	[sflag:s19] =	ssyncset.done $0x0  }
0x52: {  	[sflag:s19] =	ssyncadd.s32 $0xFFFFC000  }
0x53: {  	[spmem:s1] =	stream.indirect.scatter.add.f32 [tilespmem:s16], [sflag:$0x3], $0x80, s30, s14, $0xb8;
	[tilespmem:$0x1C800] =	vst v63  }
0x54: {  	_ =	swait.ge [sflag:s12], $0x4000  }
0x55: {  	[sflag:s12] =	ssyncset.done $0x0  }
0x56: {  	[sflag:s12] =	ssyncadd.s32 $0xFFFFC000  }
0x57: {  	[tilespmem:s16], [sflag:$0x2] =	stream.indirect.gather [hbm4b:s4+s14], $0x80, s31, s14, $0xb8;
	[tilespmem:$0x1C800] =	vst v63  }
0x58: {  	_ =	swait.ge [sflag:s17], $0x4000  }
0x59: {  	[sflag:s17] =	ssyncset.done $0x0  }
0x5a: {  	[sflag:s17] =	ssyncadd.s32 $0xFFFFC000  }
0x5b: {  	[spmem:s1] =	stream.indirect.scatter.add.f32 [tilespmem:s15], [sflag:$0x3], $0x80, s2, s14, $0xb8;
	[tilespmem:$0x1C800] =	vst v63  }
0x5c: {  	_ =	swait.ge [sflag:s12], $0x4000  }
0x5d: {  	[sflag:s12] =	ssyncset.done $0x0  }
0x5e: {  	[sflag:s12] =	ssyncadd.s32 $0xFFFFC000  }
0x5f: {  	_ =	swait.ge [sflag:s19], $0x4000  }
0x60: {  	s10 =	rddreg [dreg:$0x5]  }
0x61: {  	p0 =	sne.s32 s10, $0x1  }
.Ltmp0:
0x62: {  	[sflag:s19] =	ssyncset.done $0x0;
	(pc) =	sbr.rel @!p0 .LBB2_3-.Ltmp0, $4  }
0x63: {  	[sflag:s19] =	ssyncadd.s32 $0xFFFFC000  }
0x64: {  	[spmem:s1] =	stream.indirect.scatter.add.f32 [tilespmem:s16], [sflag:$0x3], $0x80, s0, s14, $0xb8;
	[tilespmem:$0x1C800] =	vst v63  }
0x65: {  	s7 =	smov.u32 s9;
	s9 =	smov.u32 s24;
	_ =	swait.ge [sflag:s12], $0x4000  }
0x66: {  	s8 =	sadd.s32 $0xFFFFFFFF, s10;
	s10 =	smov.u32 s6;
	[sflag:s12] =	ssyncset.done $0x0  }
.LBB2_2:
0x67: {  	[sflag:s12] =	ssyncadd.s32 $0xFFFFC000;
	s9 =	sadd.s32 $0x80, s9;
	s10 =	sadd.s32 $0x80, s10  }
0x68: {  	[tilespmem:s3], [sflag:$0x3] =	stream.linear.gather [hbm4b:s10+s3], $0x400, $0x38;
	[tilespmem:$0x1C800] =	vst v63  }
0x69: {  	p0 =	sne.s32 s8, $0x1;
	s8 =	sadd.s32 $0xFFFFFFFF, s8;
	_ =	swait.ge [sflag:s12], $0x400  }
0x6a: {  	[sflag:s12] =	ssyncset.done $0x0  }
0x6b: {  	[sflag:s12] =	ssyncadd.s32 $0xFFFFFC00  }
0x6c: {  	[tilespmem:s13], [sflag:$0x3] =	stream.linear.gather [hbm4b:s9+s3], $0x400, $0x38;
	[tilespmem:$0x1C800] =	vst v63  }
0x6d: {  	_ =	swait.ge [sflag:s12], $0x400  }
0x6e: {  	[sflag:s12] =	ssyncset.done $0x0  }
0x6f: {  	[sflag:s12] =	ssyncadd.s32 $0xFFFFFC00  }
0x70: {  	[tilespmem:s15], [sflag:$0x1] =	stream.indirect.gather [hbm4b:s4+s14], $0x80, s3, s14, $0xb8;
	[tilespmem:$0x1C800] =	vst v63  }
0x71: {  	_ = 	snop  }
0x72: {  	[tilespmem:s16], [sflag:$0x2] =	stream.indirect.gather [hbm4b:s4+s14], $0x80, s14, s14, $0xb8;
	[tilespmem:$0x1C800] =	vst v63  }
0x73: {  	_ =	swait.ge [sflag:s17], $0x4000  }
0x74: {  	[sflag:s17] =	ssyncset.done $0x0  }
0x75: {  	[sflag:s17] =	ssyncadd.s32 $0xFFFFC000  }
0x76: {  	[spmem:s1] =	stream.indirect.scatter.add.f32 [tilespmem:s15], [sflag:$0x3], $0x80, s13, s14, $0xb8;
	[tilespmem:$0x1C800] =	vst v63  }
0x77: {  	_ =	swait.ge [sflag:s12], $0x4000  }
0x78: {  	[sflag:s12] =	ssyncset.done $0x0  }
0x79: {  	[sflag:s12] =	ssyncadd.s32 $0xFFFFC000  }
0x7a: {  	[tilespmem:s15], [sflag:$0x1] =	stream.indirect.gather [hbm4b:s4+s14], $0x80, s18, s14, $0xb8;
	[tilespmem:$0x1C800] =	vst v63  }
0x7b: {  	_ =	swait.ge [sflag:s19], $0x4000  }
0x7c: {  	[sflag:s19] =	ssyncset.done $0x0  }
0x7d: {  	[sflag:s19] =	ssyncadd.s32 $0xFFFFC000  }
0x7e: {  	[spmem:s1] =	stream.indirect.scatter.add.f32 [tilespmem:s16], [sflag:$0x3], $0x80, s20, s14, $0xb8;
	[tilespmem:$0x1C800] =	vst v63  }
0x7f: {  	_ =	swait.ge [sflag:s12], $0x4000  }
0x80: {  	[sflag:s12] =	ssyncset.done $0x0  }
0x81: {  	[sflag:s12] =	ssyncadd.s32 $0xFFFFC000  }
0x82: {  	[tilespmem:s16], [sflag:$0x2] =	stream.indirect.gather [hbm4b:s4+s14], $0x80, s21, s14, $0xb8;
	[tilespmem:$0x1C800] =	vst v63  }
0x83: {  	_ =	swait.ge [sflag:s17], $0x4000  }
0x84: {  	[sflag:s17] =	ssyncset.done $0x0  }
0x85: {  	[sflag:s17] =	ssyncadd.s32 $0xFFFFC000  }
0x86: {  	[spmem:s1] =	stream.indirect.scatter.add.f32 [tilespmem:s15], [sflag:$0x3], $0x80, s22, s14, $0xb8;
	[tilespmem:$0x1C800] =	vst v63  }
0x87: {  	_ =	swait.ge [sflag:s12], $0x4000  }
0x88: {  	[sflag:s12] =	ssyncset.done $0x0  }
0x89: {  	[sflag:s12] =	ssyncadd.s32 $0xFFFFC000  }
0x8a: {  	[tilespmem:s15], [sflag:$0x1] =	stream.indirect.gather [hbm4b:s4+s14], $0x80, s23, s14, $0xb8;
	[tilespmem:$0x1C800] =	vst v63  }
0x8b: {  	_ =	swait.ge [sflag:s19], $0x4000  }
0x8c: {  	[sflag:s19] =	ssyncset.done $0x0  }
0x8d: {  	[sflag:s19] =	ssyncadd.s32 $0xFFFFC000  }
0x8e: {  	[spmem:s1] =	stream.indirect.scatter.add.f32 [tilespmem:s16], [sflag:$0x3], $0x80, s25, s14, $0xb8;
	[tilespmem:$0x1C800] =	vst v63  }
0x8f: {  	_ =	swait.ge [sflag:s12], $0x4000  }
0x90: {  	[sflag:s12] =	ssyncset.done $0x0  }
0x91: {  	[sflag:s12] =	ssyncadd.s32 $0xFFFFC000  }
0x92: {  	[tilespmem:s16], [sflag:$0x2] =	stream.indirect.gather [hbm4b:s4+s14], $0x80, s26, s14, $0xb8;
	[tilespmem:$0x1C800] =	vst v63  }
0x93: {  	_ =	swait.ge [sflag:s17], $0x4000  }
0x94: {  	[sflag:s17] =	ssyncset.done $0x0  }
0x95: {  	[sflag:s17] =	ssyncadd.s32 $0xFFFFC000  }
0x96: {  	[spmem:s1] =	stream.indirect.scatter.add.f32 [tilespmem:s15], [sflag:$0x3], $0x80, s28, s14, $0xb8;
	[tilespmem:$0x1C800] =	vst v63  }
0x97: {  	_ =	swait.ge [sflag:s12], $0x4000  }
0x98: {  	[sflag:s12] =	ssyncset.done $0x0  }
0x99: {  	[sflag:s12] =	ssyncadd.s32 $0xFFFFC000  }
0x9a: {  	[tilespmem:s15], [sflag:$0x1] =	stream.indirect.gather [hbm4b:s4+s14], $0x80, s29, s14, $0xb8;
	[tilespmem:$0x1C800] =	vst v63  }
0x9b: {  	_ =	swait.ge [sflag:s19], $0x4000  }
0x9c: {  	[sflag:s19] =	ssyncset.done $0x0  }
0x9d: {  	[sflag:s19] =	ssyncadd.s32 $0xFFFFC000  }
0x9e: {  	[spmem:s1] =	stream.indirect.scatter.add.f32 [tilespmem:s16], [sflag:$0x3], $0x80, s30, s14, $0xb8;
	[tilespmem:$0x1C800] =	vst v63  }
0x9f: {  	_ =	swait.ge [sflag:s12], $0x4000  }
0xa0: {  	[sflag:s12] =	ssyncset.done $0x0  }
0xa1: {  	[sflag:s12] =	ssyncadd.s32 $0xFFFFC000  }
0xa2: {  	[tilespmem:s16], [sflag:$0x2] =	stream.indirect.gather [hbm4b:s4+s14], $0x80, s31, s14, $0xb8;
	[tilespmem:$0x1C800] =	vst v63  }
0xa3: {  	_ =	swait.ge [sflag:s17], $0x4000  }
0xa4: {  	[sflag:s17] =	ssyncset.done $0x0  }
0xa5: {  	[sflag:s17] =	ssyncadd.s32 $0xFFFFC000  }
0xa6: {  	[spmem:s1] =	stream.indirect.scatter.add.f32 [tilespmem:s15], [sflag:$0x3], $0x80, s2, s14, $0xb8;
	[tilespmem:$0x1C800] =	vst v63  }
0xa7: {  	_ =	swait.ge [sflag:s12], $0x4000  }
0xa8: {  	[sflag:s12] =	ssyncset.done $0x0  }
0xa9: {  	[sflag:s12] =	ssyncadd.s32 $0xFFFFC000  }
0xaa: {  	_ =	swait.ge [sflag:s19], $0x4000  }
.Ltmp1:
0xab: {  	[sflag:s19] =	ssyncset.done $0x0;
	(pc) =	sbr.rel @p0 .LBB2_2-.Ltmp1, $4  }
0xac: {  	[sflag:s19] =	ssyncadd.s32 $0xFFFFC000  }
0xad: {  	[spmem:s1] =	stream.indirect.scatter.add.f32 [tilespmem:s16], [sflag:$0x3], $0x80, s0, s14, $0xb8;
	[tilespmem:$0x1C800] =	vst v63  }
0xae: {  	_ =	swait.ge [sflag:s12], $0x4000  }
0xaf: {  	[sflag:s12] =	ssyncset.done $0x0  }
.LBB2_3:
0xb0: {  	[sflag:s12] =	ssyncadd.s32 $0xFFFFC000  }
0xb1: {  	[bflag:$0x0] =	sbarrier.arrive $0xFFFF  }
0xb2: {  	s9 =	smov.u32 s7;
	s8 =	rddreg [dreg:$0x7]  }
0xb3: {  	[hbm:s8], [sflag:s9] =	dma.local [spmem:s11], $0x2800  }
0xb4: {  	_ =	swait.ge [sflag:s12], $0x2800  }
0xb5: {  	s5 =	sadd.s32 $0x1, s5;
	s10 =	rddreg [dreg:$0x6]  }
0xb6: {  	p0 =	sne.s32 s5, s10  }
.Ltmp2:
0xb7: {  	_ = 	snop;
	(pc) =	sbr.rel @p0 .LBB2_1-.Ltmp2, $3  }
0xb8: {  	_ =	sdelay $0x1  }
0xb9: {  	[sflag:s12] =	ssyncset.done $0x0  }
0xba: {  	[sflag:s12] =	ssyncadd.s32 $0xFFFFD800  }
0xbb: {  	_ =	sfence.sel $0x180000  }
0xbc: {  	[bflag:$0x0] =	sbarrier.arrive $0xFFFF  }
0xbd: {  	_ =	strace $0x9000004D  }
0xbe: {  	s0 =	stileid.u32;
	[bflag:$0x2] =	sbarrier.arrive $0xFFFF  }
0xbf: {  	p0 =	sne.s32 s0, $0x0;
	s0 =	rddreg [dreg:$0x3]  }
0xc0: {  	s0 =	sadd.s32 @!p0 $0x100000, s0  }
0xc1: {  	[sflag:s0] =	ssyncadd.tile.s32 @!p0 $0x1;
	_ =	shalt  }
.Lfunc_end2:
_tile_overlayer_lowered:
.L_overlay_start_2:
0xc2: {  	(tag) =	ssettag $0x2  }
0xc3: {  	s0 =	rddreg [dreg:$0x0];
	s2 =	stileid.u32  }
0xc4: {  	s1 =	rddreg [dreg:$0x1];
	p0 =	sne.s32 s2, $0x0  }
0xc5: {  	s3 =	rddreg [dreg:$0x2];
	[bflag:$0x3] =	sbarrier.arrive $0xFFFF;
	s2 =	simm.s32 @!p0 $0x1C03  }
0xc6: {  	[timem:s3], [sflag:s2] =	dma.local @!p0 [hbm:s0], s1  }
0xc7: {  	s0 =	simm.s32 @!p0 $0x3  }
0xc8: {  	_ =	swait.ge @!p0 [sflag:s0], s1  }
0xc9: {  	s1 =	ssub.s32 @!p0 $0x0, s1;
	[sflag:s0] =	ssyncset.done @!p0 $0x0  }
0xca: {  	[sflag:s0] =	ssyncadd.s32 @!p0 s1  }
0xcb: {  	[bflag:$0x3] =	sbarrier.arrive $0xFFFF  }
0xcc: {  	_ =	shalt  }

// kernel: kernel.19.cloned.1.call-start
scs
__scs_entry_jumppad:
0x0: {  	(pc) =	sbr.rel $0x88, $3  }
0x1: {  	(tag) =	ssettag $0x0;
	lr =	simm.s32 $0x1  }
0x2: {  	[smem:$0x3F97] =	sst lr;
	_ =	strace $0xD0000000  }
0x3: {  	_ = 	snop  }
0x4: {  	_ = 	snop  }
0x5: {  	_ = 	snop  }
0x6: {  	_ = 	snop  }
0x7: {  	_ = 	snop  }
__scs_overlays_trampoline_lowered:
0x8: {  	[smem:$0x3FA6] =	sst s0  }
0x9: {  	[smem:$0x3FA7] =	sst s1  }
0xa: {  	[smem:$0x3FA8] =	sst s2  }
0xb: {  	[smem:$0x3FA9] =	sst s3  }
0xc: {  	[smem:$0x3FAA] =	sst s4  }
0xd: {  	[smem:$0x3FAB] =	sst s5  }
0xe: {  	[smem:$0x3FAC] =	sst s6  }
0xf: {  	[smem:$0x3FAD] =	sst s7  }
0x10: {  	[smem:$0x3FAE] =	sst s8  }
0x11: {  	[smem:$0x3FAF] =	sst s9;
	s0 =	simm.s32 @!p0 $0x0  }
0x12: {  	s1 =	sld [smem:$0x3F95];
	s0 =	simm.s32 @p0 $0x1  }
0x13: {  	[smem:$0x3FB0] =	sst s0;
	s0 =	simm.s32 @!p1 $0x0  }
0x14: {  	s2 =	sld [smem:$0x3F94];
	s0 =	simm.s32 @p1 $0x1  }
0x15: {  	[smem:$0x3FB1] =	sst s0;
	s0 =	simm.s32 @!p2 $0x0  }
0x16: {  	s3 =	sld [smem:$0x3FDB];
	s0 =	simm.s32 @p2 $0x1  }
0x17: {  	s4 =	simm.s32 $0x1BF5;
	[smem:$0x3FB3] =	sst s0  }
0x18: {  	s0 =	sld [smem:$0x3F96];
	_ =	swait.ge [sflag:s4], $0x0  }
0x19: {  	s7 =	sld [smem:$0x3F97]  }
0x1a: {  	s8 =	sadd.s32 $0xFFFFE003, lr  }
0x1b: {  	s9 =	sadd.s32 $0xFFFFFEF7, lr;
	s5 =	simm.s32 $0xFFFFFFFF;
	p2 =	slt.u32 s8, $0xFFFFF086  }
0x1c: {  	p1 =	slt.u32 s9, $0xF7A;
	s5 =	simm.s32 @!p2 $0x0  }
0x1d: {  	s5 =	simm.s32 @p1 $0x1;
	p0 =	seq.s32 s7, s2  }
0x1e: {  	s7 =	smul.u32 @!p0 $0xF7A, s2;
	p2 =	seq.s32 @!p0 s5, $0x0  }
0x1f: {  	s9 =	smul.u32 $0xF7A, s1;
	s8 =	simm.s32 @!p0 $0x1BF5;
	p2 =	por !p2, p0  }
0x20: {  	[sflag:s8] =	ssyncset.s32 @!p0 $0xFFFFF086;
	s6 =	sadd.s32 @!p0 s3, s7;
	s7 =	simm.s32 @!p0 $0x108  }
0x21: {  	s3 =	sadd.s32 s3, s9;
	s6 =	sadd.s32 @!p0 $0x88, s6;
	s7 =	simm.s32 @p2 $0x1082  }
0x22: {  	[simem:s7], [sflag:s8] =	dma.local @!p0 [hbm:s6], $0xF7A  }
0x23: {  	s9 =	sor.u32 $0xD0000000, s2;
	s6 =	simm.s32 $0x108;
	_ =	swait.ge @!p0 [sflag:s8], $0x0  }
0x24: {  	s3 =	sadd.s32 $0x88, s3;
	s6 =	simm.s32 @!p1 $0x1082;
	[sflag:s4] =	ssyncset.s32 $0xFFFFF086  }
0x25: {  	[simem:s6], [sflag:s4] =	dma.local [hbm:s3], $0xF7A  }
0x26: {  	[smem:$0x3F97] =	sst s1;
	(tag) =	ssettag s2;
	_ =	strace s9  }
0x27: {  	s1 =	sld [smem:$0x3FA7]  }
0x28: {  	s2 =	sld [smem:$0x3FA8]  }
0x29: {  	s4 =	sld [smem:$0x3FAA]  }
0x2a: {  	p0 =	seq.s32 s5, $0x0;
	s5 =	sld [smem:$0x3FAB]  }
0x2b: {  	s6 =	sld [smem:$0x3FAC]  }
0x2c: {  	s7 =	sld [smem:$0x3FAD]  }
0x2d: {  	s3 =	simm.s32 $0x108;
	s8 =	sld [smem:$0x3FAE]  }
0x2e: {  	s3 =	simm.s32 @!p0 $0x1082;
	s9 =	sld [smem:$0x3FAF]  }
0x2f: {  	lr =	sadd.s32 s0, s3;
	s0 =	sld [smem:$0x3FA6]  }
0x30: {  	s3 =	sld [smem:$0x3FA9]  }
0x31: {  	[smem:$0x3FB2] =	sst s10  }
0x32: {  	s10 =	sld [smem:$0x3FB0];
	_ =	sdelay $0x3  }
0x33: {  	p0 =	seq.s32 s10, $0x1;
	s10 =	sld [smem:$0x3FB2];
	_ =	sdelay $0x3  }
0x34: {  	[smem:$0x3FB2] =	sst s10  }
0x35: {  	s10 =	sld [smem:$0x3FB1];
	_ =	sdelay $0x3  }
0x36: {  	p1 =	seq.s32 s10, $0x1;
	s10 =	sld [smem:$0x3FB2];
	_ =	sdelay $0x3  }
0x37: {  	[smem:$0x3FB2] =	sst s10  }
0x38: {  	s10 =	sld [smem:$0x3FB3]  }
0x39: {  	_ = 	snop;
	(pc) =	sbr.ind lr, $3  }
0x3a: {  	_ = 	snop  }
0x3b: {  	_ = 	snop  }
0x3c: {  	p2 =	seq.s32 s10, $0x1;
	s10 =	sld [smem:$0x3FB2]  }
0x3d: {  	_ =	shalt  }
0x3e: {  	_ =	shalt  }
0x3f: {  	_ =	shalt  }
0x40: {  	_ =	shalt  }
0x41: {  	_ =	shalt  }
0x42: {  	_ =	shalt  }
0x43: {  	_ =	shalt  }
0x44: {  	_ =	shalt  }
0x45: {  	_ =	shalt  }
0x46: {  	_ =	shalt  }
0x47: {  	_ =	shalt  }
0x48: {  	_ =	shalt  }
0x49: {  	_ =	shalt  }
0x4a: {  	_ =	shalt  }
0x4b: {  	_ =	shalt  }
0x4c: {  	_ =	shalt  }
0x4d: {  	_ =	shalt  }
0x4e: {  	_ =	shalt  }
0x4f: {  	_ =	shalt  }
0x50: {  	_ =	shalt  }
0x51: {  	_ =	shalt  }
0x52: {  	_ =	shalt  }
0x53: {  	_ =	shalt  }
0x54: {  	_ =	shalt  }
0x55: {  	_ =	shalt  }
0x56: {  	_ =	shalt  }
0x57: {  	_ =	shalt  }
0x58: {  	_ =	shalt  }
0x59: {  	_ =	shalt  }
0x5a: {  	_ =	shalt  }
0x5b: {  	_ =	shalt  }
0x5c: {  	_ =	shalt  }
0x5d: {  	_ =	shalt  }
0x5e: {  	_ =	shalt  }
0x5f: {  	_ =	shalt  }
0x60: {  	_ =	shalt  }
0x61: {  	_ =	shalt  }
0x62: {  	_ =	shalt  }
0x63: {  	_ =	shalt  }
0x64: {  	_ =	shalt  }
0x65: {  	_ =	shalt  }
0x66: {  	_ =	shalt  }
0x67: {  	_ =	shalt  }
0x68: {  	_ =	shalt  }
0x69: {  	_ =	shalt  }
0x6a: {  	_ =	shalt  }
0x6b: {  	_ =	shalt  }
0x6c: {  	_ =	shalt  }
0x6d: {  	_ =	shalt  }
0x6e: {  	_ =	shalt  }
0x6f: {  	_ =	shalt  }
0x70: {  	_ =	shalt  }
0x71: {  	_ =	shalt  }
0x72: {  	_ =	shalt  }
0x73: {  	_ =	shalt  }
0x74: {  	_ =	shalt  }
0x75: {  	_ =	shalt  }
0x76: {  	_ =	shalt  }
0x77: {  	_ =	shalt  }
0x78: {  	_ =	shalt  }
0x79: {  	_ =	shalt  }
0x7a: {  	_ =	shalt  }
0x7b: {  	_ =	shalt  }
0x7c: {  	_ =	shalt  }
0x7d: {  	_ =	shalt  }
0x7e: {  	_ =	shalt  }
0x7f: {  	_ =	shalt  }
0x80: {  	_ =	shalt  }
0x81: {  	_ =	shalt  }
0x82: {  	_ =	shalt  }
0x83: {  	_ =	shalt  }
0x84: {  	_ =	shalt  }
0x85: {  	_ =	shalt  }
0x86: {  	_ =	shalt  }
0x87: {  	_ =	shalt  }
.Lfunc_end0:
.L_simem_size_0:
called_computation.3_lowered:
.L_overlay_start_0:
0x88: {  	s2 =	sld [smem:$0x3FD9]  }
0x89: {  	s3 =	sld [smem:$0x3FFE];
	_ =	sdelay $0x1  }
0x8a: {  	s1 =	srdreg.scid  }
0x8b: {  	s0 =	sand.u32 $0x1, s1  }
0x8c: {  	s17 =	sshll.u32 s0, $0xA;
	s2 =	sadd.s32 s3, s2  }
0x8d: {  	s2 =	sadd.s32 s2, s17  }
0x8e: {  	[smem:$0x3FBE] =	sst s2  }
0x8f: {  	_ = 	snop  }
0x90: {  	s2 =	sld [smem:$0x3FD0];
	(tm) =	ssettm $0x1  }
0x91: {  	s18 =	sld [smem:$0x3FFB];
	_ =	sdelay $0x3  }
0x92: {  	_ =	strace s18  }
0x93: {  	s3 =	sld [smem:$0x3FFC];
	_ =	sdelay $0x3  }
0x94: {  	_ =	strace s3  }
0x95: {  	s3 =	sld [smem:$0x3FFD];
	_ =	sdelay $0x3  }
0x96: {  	_ =	strace s3  }
0x97: {  	_ =	strace $0x8FFFFFFF  }
0x98: {  	s19 =	sld [smem:$0x3FDB];
	_ =	sdelay $0x1  }
0x99: {  	s4 =	simm.s32 $_scs_section_size  }
0x9a: {  	s5 =	simm.s32 $_size__tile_overlayer_lowered;
	s6 =	simm.s32 $_tile_overlayer_lowered  }
0x9b: {  	s22 =	simm.s32 $0x1BFF;
	s21 =	sshll.u32 s6, $0x1;
	s3 =	sadd.s32 s4, s19  }
0x9c: {  	s7 =	simm.s32 $0x0;
	s20 =	sshll.u32 s5, $0x1;
	s5 =	sadd.s32 s21, s3  }
0x9d: {  	[timem:s7], [sflag:s22] =	dma.local [hbm:s5], s20  }
0x9e: {  	_ =	swait.ge [sflag:s22], s20  }
0x9f: {  	s4 =	ssub.s32 $0x0, s20;
	[sflag:s22] =	ssyncset.done $0x0  }
0xa0: {  	[sflag:s22] =	ssyncadd.s32 s4;
	_ =	sdelay $0x1  }
0xa1: {  	s23 =	simm.s32 $0x1B8B  }
0xa2: {  	_ =	swait.ge [sflag:s23], $0x1  }
0xa3: {  	[sflag:s23] =	ssyncset.done $0x0  }
0xa4: {  	s25 =	simm.s32 $0x1B8E;
	s24 =	sld [smem:$0x3FFE];
	[sflag:s23] =	ssyncadd.s32 $0xFFFFFFFF  }
0xa5: {  	s26 =	simm.s32 $execute0_lowered;
	[smem:$0x3FD2] =	sst s25  }
0xa6: {  	s5 =	sshll.u32 s26, $0x1;
	_ =	strace $0x8000004F;
	[dreg:$0x1] =	wrdreg $0xFFFFFFFF  }
0xa7: {  	s28 =	simm.s32 $_size_execute0_lowered;
	s3 =	sadd.s32 s3, s5;
	[dreg:$0x0] =	wrdreg $0x0  }
0xa8: {  	s5 =	sshll.u32 s28, $0x1;
	[dreg:$0x2] =	wrdreg s3  }
0xa9: {  	[dreg:$0x3] =	wrdreg s5  }
0xaa: {  	[dreg:$0x4] =	wrdreg $0xC0  }
0xab: {  	_ =	task [dreg:s7], $0x5FFFF  }
0xac: {  	[dreg:$0x1] =	wrdreg $0xFFFFFFFF  }
0xad: {  	[dreg:$0x0] =	wrdreg $0x60  }
0xae: {  	[dreg:$0x2] =	wrdreg s2  }
0xaf: {  	[dreg:$0x3] =	wrdreg s24  }
0xb0: {  	[dreg:$0x4] =	wrdreg $0x88000  }
0xb1: {  	[dreg:$0x5] =	wrdreg $0xA  }
0xb2: {  	_ =	task.clear_ibuf [dreg:s7], $0x6FFFF;
	_ =	strace $0x9000004F  }
0xb3: {  	s29 =	simm.s32 $0xA;
	_ =	strace $0x80000051  }
0xb4: {  	_ =	swait.ge [sflag:s29], $0x1  }
0xb5: {  	[sflag:s29] =	ssyncadd.s32 $0xFFFFFFFF  }
0xb6: {  	_ =	strace $0x90000051  }
0xb7: {  	_ =	sfence  }
0xb8: {  	s30 =	sld [smem:$0x0];
	_ =	sdelay $0x2  }
0xb9: {  	s31 =	sshll.u32 s1, $0xD;
	s1 =	sshrl.u32 s1, $0x2  }
0xba: {  	s3 =	sand.u32 $0x4000, s31;
	s1 =	sadd.s32 s1, s30  }
0xbb: {  	s0 =	sor.u32 s3, s0;
	s1 =	sshll.u32 s1, $0x11  }
0xbc: {  	s0 =	sor.u32 s1, s0  }
0xbd: {  	s0 =	sadd.s32 $0x8F2B, s0  }
0xbe: {  	[sflag:s0] =	ssyncadd.remote.s32 $0x1  }
0xbf: {  	_ =	sfence.sel $0xFFFF  }
0xc0: {  	[dreg:$0x0] =	wrdreg $0xFFFFFFFF;
	(pc) =	sbr.abs _section_cstart, $3  }
0xc1: {  	[dreg:$0x1] =	wrdreg $0xFFFFFFFF  }
0xc2: {  	_ =	task.clear_ibuf [dreg:s7], $0x2FFFF;
	_ =	strace $0x9FFFFFFF  }
0xc3: {  	(tm) =	ssettm $0x7FFFFFFF  }
tec
execute0_lowered:
.L_overlay_start_1:
0x0: {  	(tag) =	ssettag $0x1  }
0x1: {  	s1 =	rddreg [dreg:$0x0];
	s0 =	srdreg.scid  }
0x2: {  	s2 =	rddreg [dreg:$0x1];
	s9 =	stileid.u32  }
0x3: {  	s5 =	simm.s32 $0x98;
	s3 =	rddreg [dreg:$0x2];
	s4 =	simm.s32 $0x0  }
0x4: {  	s12 =	simm.s32 $0x3;
	s13 =	simm.s32 $0x400;
	s14 =	simm.s32 $0x80  }
0x5: {  	s15 =	simm.s32 $0x800;
	s16 =	simm.s32 $0x4800;
	s17 =	simm.s32 $0x1  }
0x6: {  	s18 =	simm.s32 $0x100;
	s19 =	simm.s32 $0x2;
	s20 =	simm.s32 $0x480  }
0x7: {  	s21 =	simm.s32 $0x180;
	s28 =	simm.s32 $0x600;
	s29 =	simm.s32 $0x300  }
0x8: {  	s30 =	simm.s32 $0x680;
	s31 =	simm.s32 $0x380;
	s8 =	smul.u32 $0x50000, s9  }
0x9: {  	s0 =	sand.u32 $0x1, s0;
	[smem:$0x7FF] =	sst s4;
	s25 =	smul.u32 $0x2800, s9  }
0xa: {  	s10 =	sadd.s32 $0x3F800, s2;
	s24 =	sshll.u32 s9, $0x6;
	s6 =	smul.u32 $0x980, s0  }
0xb: {  	p0 =	seq.s32 s0, $0x0;
	s22 =	smul.u32 $0x28000, s0;
	_ =	strace $0x80000050  }
0xc: {  	[dreg:$0x4] =	wrdreg s10;
	s0 =	ssub.s32 $0x2, s0;
	s10 =	sor.u32 $0x1C03, s24  }
0xd: {  	s5 =	simm.s32 @!p0 $0x8;
	s23 =	sshrl.u32 s0, $0x1;
	s8 =	sshrl.u32 s8, $0x2  }
0xe: {  	s7 =	smul.u32 s9, s5;
	s0 =	ssub.s32 s0, s23;
	s5 =	sshrl.u32 s5, $0x3  }
0xf: {  	s8 =	sadd.s32 s8, s3;
	s23 =	simm.s32 $0x200;
	[dreg:$0x5] =	wrdreg s5  }
0x10: {  	s0 =	smax.u32 s0, $0x1;
	s11 =	sshrl.u32 s8, $0x3;
	s6 =	sadd.s32 s6, s7  }
0x11: {  	s5 =	simm.s32 $0x0;
	[dreg:$0x6] =	wrdreg s0;
	s6 =	sshll.u32 s6, $0x4  }
0x12: {  	s0 =	simm.s32 $0x780;
	s6 =	sadd.s32 s6, s2;
	s2 =	sadd.s32 s22, s2  }
0x13: {  	s22 =	simm.s32 $0x500;
	s2 =	sadd.s32 $0x42000, s2;
	s24 =	sadd.s32 $0x2B800, s6  }
0x14: {  	s6 =	sadd.s32 $0x35800, s6;
	s26 =	sadd.s32 s25, s2;
	s25 =	simm.s32 $0x580  }
0x15: {  	s2 =	simm.s32 $0x700;
	[dreg:$0x7] =	wrdreg s26;
	s26 =	simm.s32 $0x280  }
.LBB2_1:
0x16: {  	s8 =	rddreg [dreg:$0x4]  }
0x17: {  	[spmem:s11], [sflag:s10] =	dma.local [hbm:s8], $0x2800  }
0x18: {  	_ =	swait.ge [sflag:s12], $0x2800  }
0x19: {  	[sflag:s12] =	ssyncset.done $0x0  }
0x1a: {  	[sflag:s12] =	ssyncadd.s32 $0xFFFFD800  }
0x1b: {  	[bflag:$0x0] =	sbarrier.arrive $0xFFFF  }
0x1c: {  	[tilespmem:s4], [sflag:$0x3] =	stream.linear.gather [hbm4b:s6+s4], $0x400, $0x38;
	[tilespmem:$0x1C800] =	vst v63  }
0x1d: {  	_ =	swait.ge [sflag:s12], $0x400  }
0x1e: {  	[sflag:s12] =	ssyncset.done $0x0  }
0x1f: {  	[sflag:s12] =	ssyncadd.s32 $0xFFFFFC00  }
0x20: {  	[tilespmem:s13], [sflag:$0x3] =	stream.linear.gather [hbm4b:s24+s4], $0x400, $0x38;
	[tilespmem:$0x1C800] =	vst v63  }
0x21: {  	_ =	swait.ge [sflag:s12], $0x400  }
0x22: {  	[sflag:s12] =	ssyncset.done $0x0  }
0x23: {  	[sflag:s12] =	ssyncadd.s32 $0xFFFFFC00  }
0x24: {  	[tilespmem:s15], [sflag:$0x1] =	stream.indirect.gather [hbm4b:s1+s14], $0x80, s4, s14, $0xb8;
	[tilespmem:$0x1C800] =	vst v63  }
0x25: {  	_ = 	snop  }
0x26: {  	[tilespmem:s16], [sflag:$0x2] =	stream.indirect.gather [hbm4b:s1+s14], $0x80, s14, s14, $0xb8;
	[tilespmem:$0x1C800] =	vst v63  }
0x27: {  	_ =	swait.ge [sflag:s17], $0x4000  }
0x28: {  	[sflag:s17] =	ssyncset.done $0x0  }
0x29: {  	[sflag:s17] =	ssyncadd.s32 $0xFFFFC000  }
0x2a: {  	[spmem:s3] =	stream.indirect.scatter.add.f32 [tilespmem:s15], [sflag:$0x3], $0x80, s13, s14, $0xb8;
	[tilespmem:$0x1C800] =	vst v63  }
0x2b: {  	_ =	swait.ge [sflag:s12], $0x4000  }
0x2c: {  	[sflag:s12] =	ssyncset.done $0x0  }
0x2d: {  	[sflag:s12] =	ssyncadd.s32 $0xFFFFC000  }
0x2e: {  	[tilespmem:s15], [sflag:$0x1] =	stream.indirect.gather [hbm4b:s1+s14], $0x80, s18, s14, $0xb8;
	[tilespmem:$0x1C800] =	vst v63  }
0x2f: {  	_ =	swait.ge [sflag:s19], $0x4000  }
0x30: {  	[sflag:s19] =	ssyncset.done $0x0  }
0x31: {  	[sflag:s19] =	ssyncadd.s32 $0xFFFFC000  }
0x32: {  	[spmem:s3] =	stream.indirect.scatter.add.f32 [tilespmem:s16], [sflag:$0x3], $0x80, s20, s14, $0xb8;
	[tilespmem:$0x1C800] =	vst v63  }
0x33: {  	_ =	swait.ge [sflag:s12], $0x4000  }
0x34: {  	[sflag:s12] =	ssyncset.done $0x0  }
0x35: {  	[sflag:s12] =	ssyncadd.s32 $0xFFFFC000  }
0x36: {  	[tilespmem:s16], [sflag:$0x2] =	stream.indirect.gather [hbm4b:s1+s14], $0x80, s21, s14, $0xb8;
	[tilespmem:$0x1C800] =	vst v63  }
0x37: {  	_ =	swait.ge [sflag:s17], $0x4000  }
0x38: {  	[sflag:s17] =	ssyncset.done $0x0  }
0x39: {  	[sflag:s17] =	ssyncadd.s32 $0xFFFFC000  }
0x3a: {  	[spmem:s3] =	stream.indirect.scatter.add.f32 [tilespmem:s15], [sflag:$0x3], $0x80, s22, s14, $0xb8;
	[tilespmem:$0x1C800] =	vst v63  }
0x3b: {  	_ =	swait.ge [sflag:s12], $0x4000  }
0x3c: {  	[sflag:s12] =	ssyncset.done $0x0  }
0x3d: {  	[sflag:s12] =	ssyncadd.s32 $0xFFFFC000  }
0x3e: {  	[tilespmem:s15], [sflag:$0x1] =	stream.indirect.gather [hbm4b:s1+s14], $0x80, s23, s14, $0xb8;
	[tilespmem:$0x1C800] =	vst v63  }
0x3f: {  	_ =	swait.ge [sflag:s19], $0x4000  }
0x40: {  	[sflag:s19] =	ssyncset.done $0x0  }
0x41: {  	[sflag:s19] =	ssyncadd.s32 $0xFFFFC000  }
0x42: {  	[spmem:s3] =	stream.indirect.scatter.add.f32 [tilespmem:s16], [sflag:$0x3], $0x80, s25, s14, $0xb8;
	[tilespmem:$0x1C800] =	vst v63  }
0x43: {  	_ =	swait.ge [sflag:s12], $0x4000  }
0x44: {  	[sflag:s12] =	ssyncset.done $0x0  }
0x45: {  	[sflag:s12] =	ssyncadd.s32 $0xFFFFC000  }
0x46: {  	[tilespmem:s16], [sflag:$0x2] =	stream.indirect.gather [hbm4b:s1+s14], $0x80, s26, s14, $0xb8;
	[tilespmem:$0x1C800] =	vst v63  }
0x47: {  	_ =	swait.ge [sflag:s17], $0x4000  }
0x48: {  	[sflag:s17] =	ssyncset.done $0x0  }
0x49: {  	[sflag:s17] =	ssyncadd.s32 $0xFFFFC000  }
0x4a: {  	[spmem:s3] =	stream.indirect.scatter.add.f32 [tilespmem:s15], [sflag:$0x3], $0x80, s28, s14, $0xb8;
	[tilespmem:$0x1C800] =	vst v63  }
0x4b: {  	_ =	swait.ge [sflag:s12], $0x4000  }
0x4c: {  	[sflag:s12] =	ssyncset.done $0x0  }
0x4d: {  	[sflag:s12] =	ssyncadd.s32 $0xFFFFC000  }
0x4e: {  	[tilespmem:s15], [sflag:$0x1] =	stream.indirect.gather [hbm4b:s1+s14], $0x80, s29, s14, $0xb8;
	[tilespmem:$0x1C800] =	vst v63  }
0x4f: {  	_ =	swait.ge [sflag:s19], $0x4000  }
0x50: {  	[sflag:s19] =	ssyncset.done $0x0  }
0x51: {  	[sflag:s19] =	ssyncadd.s32 $0xFFFFC000  }
0x52: {  	[spmem:s3] =	stream.indirect.scatter.add.f32 [tilespmem:s16], [sflag:$0x3], $0x80, s30, s14, $0xb8;
	[tilespmem:$0x1C800] =	vst v63  }
0x53: {  	_ =	swait.ge [sflag:s12], $0x4000  }
0x54: {  	[sflag:s12] =	ssyncset.done $0x0  }
0x55: {  	[sflag:s12] =	ssyncadd.s32 $0xFFFFC000  }
0x56: {  	[tilespmem:s16], [sflag:$0x2] =	stream.indirect.gather [hbm4b:s1+s14], $0x80, s31, s14, $0xb8;
	[tilespmem:$0x1C800] =	vst v63  }
0x57: {  	_ =	swait.ge [sflag:s17], $0x4000  }
0x58: {  	[sflag:s17] =	ssyncset.done $0x0  }
0x59: {  	[sflag:s17] =	ssyncadd.s32 $0xFFFFC000  }
0x5a: {  	[spmem:s3] =	stream.indirect.scatter.add.f32 [tilespmem:s15], [sflag:$0x3], $0x80, s2, s14, $0xb8;
	[tilespmem:$0x1C800] =	vst v63  }
0x5b: {  	_ =	swait.ge [sflag:s12], $0x4000  }
0x5c: {  	[sflag:s12] =	ssyncset.done $0x0  }
0x5d: {  	[sflag:s12] =	ssyncadd.s32 $0xFFFFC000  }
0x5e: {  	_ =	swait.ge [sflag:s19], $0x4000  }
0x5f: {  	s7 =	smov.u32 s10;
	s10 =	rddreg [dreg:$0x5]  }
0x60: {  	p0 =	sne.s32 s10, $0x1  }
.Ltmp0:
0x61: {  	[sflag:s19] =	ssyncset.done $0x0;
	(pc) =	sbr.rel @!p0 .LBB2_3-.Ltmp0, $4  }
0x62: {  	[sflag:s19] =	ssyncadd.s32 $0xFFFFC000  }
0x63: {  	[spmem:s3] =	stream.indirect.scatter.add.f32 [tilespmem:s16], [sflag:$0x3], $0x80, s0, s14, $0xb8;
	[tilespmem:$0x1C800] =	vst v63  }
0x64: {  	s9 =	smov.u32 s24;
	_ =	swait.ge [sflag:s12], $0x4000  }
0x65: {  	s8 =	sadd.s32 $0xFFFFFFFF, s10;
	s10 =	smov.u32 s6;
	[sflag:s12] =	ssyncset.done $0x0  }
.LBB2_2:
0x66: {  	[sflag:s12] =	ssyncadd.s32 $0xFFFFC000;
	s9 =	sadd.s32 $0x80, s9;
	s10 =	sadd.s32 $0x80, s10  }
0x67: {  	[tilespmem:s4], [sflag:$0x3] =	stream.linear.gather [hbm4b:s10+s4], $0x400, $0x38;
	[tilespmem:$0x1C800] =	vst v63  }
0x68: {  	p0 =	sne.s32 s8, $0x1;
	s8 =	sadd.s32 $0xFFFFFFFF, s8;
	_ =	swait.ge [sflag:s12], $0x400  }
0x69: {  	[sflag:s12] =	ssyncset.done $0x0  }
0x6a: {  	[sflag:s12] =	ssyncadd.s32 $0xFFFFFC00  }
0x6b: {  	[tilespmem:s13], [sflag:$0x3] =	stream.linear.gather [hbm4b:s9+s4], $0x400, $0x38;
	[tilespmem:$0x1C800] =	vst v63  }
0x6c: {  	_ =	swait.ge [sflag:s12], $0x400  }
0x6d: {  	[sflag:s12] =	ssyncset.done $0x0  }
0x6e: {  	[sflag:s12] =	ssyncadd.s32 $0xFFFFFC00  }
0x6f: {  	[tilespmem:s15], [sflag:$0x1] =	stream.indirect.gather [hbm4b:s1+s14], $0x80, s4, s14, $0xb8;
	[tilespmem:$0x1C800] =	vst v63  }
0x70: {  	_ = 	snop  }
0x71: {  	[tilespmem:s16], [sflag:$0x2] =	stream.indirect.gather [hbm4b:s1+s14], $0x80, s14, s14, $0xb8;
	[tilespmem:$0x1C800] =	vst v63  }
0x72: {  	_ =	swait.ge [sflag:s17], $0x4000  }
0x73: {  	[sflag:s17] =	ssyncset.done $0x0  }
0x74: {  	[sflag:s17] =	ssyncadd.s32 $0xFFFFC000  }
0x75: {  	[spmem:s3] =	stream.indirect.scatter.add.f32 [tilespmem:s15], [sflag:$0x3], $0x80, s13, s14, $0xb8;
	[tilespmem:$0x1C800] =	vst v63  }
0x76: {  	_ =	swait.ge [sflag:s12], $0x4000  }
0x77: {  	[sflag:s12] =	ssyncset.done $0x0  }
0x78: {  	[sflag:s12] =	ssyncadd.s32 $0xFFFFC000  }
0x79: {  	[tilespmem:s15], [sflag:$0x1] =	stream.indirect.gather [hbm4b:s1+s14], $0x80, s18, s14, $0xb8;
	[tilespmem:$0x1C800] =	vst v63  }
0x7a: {  	_ =	swait.ge [sflag:s19], $0x4000  }
0x7b: {  	[sflag:s19] =	ssyncset.done $0x0  }
0x7c: {  	[sflag:s19] =	ssyncadd.s32 $0xFFFFC000  }
0x7d: {  	[spmem:s3] =	stream.indirect.scatter.add.f32 [tilespmem:s16], [sflag:$0x3], $0x80, s20, s14, $0xb8;
	[tilespmem:$0x1C800] =	vst v63  }
0x7e: {  	_ =	swait.ge [sflag:s12], $0x4000  }
0x7f: {  	[sflag:s12] =	ssyncset.done $0x0  }
0x80: {  	[sflag:s12] =	ssyncadd.s32 $0xFFFFC000  }
0x81: {  	[tilespmem:s16], [sflag:$0x2] =	stream.indirect.gather [hbm4b:s1+s14], $0x80, s21, s14, $0xb8;
	[tilespmem:$0x1C800] =	vst v63  }
0x82: {  	_ =	swait.ge [sflag:s17], $0x4000  }
0x83: {  	[sflag:s17] =	ssyncset.done $0x0  }
0x84: {  	[sflag:s17] =	ssyncadd.s32 $0xFFFFC000  }
0x85: {  	[spmem:s3] =	stream.indirect.scatter.add.f32 [tilespmem:s15], [sflag:$0x3], $0x80, s22, s14, $0xb8;
	[tilespmem:$0x1C800] =	vst v63  }
0x86: {  	_ =	swait.ge [sflag:s12], $0x4000  }
0x87: {  	[sflag:s12] =	ssyncset.done $0x0  }
0x88: {  	[sflag:s12] =	ssyncadd.s32 $0xFFFFC000  }
0x89: {  	[tilespmem:s15], [sflag:$0x1] =	stream.indirect.gather [hbm4b:s1+s14], $0x80, s23, s14, $0xb8;
	[tilespmem:$0x1C800] =	vst v63  }
0x8a: {  	_ =	swait.ge [sflag:s19], $0x4000  }
0x8b: {  	[sflag:s19] =	ssyncset.done $0x0  }
0x8c: {  	[sflag:s19] =	ssyncadd.s32 $0xFFFFC000  }
0x8d: {  	[spmem:s3] =	stream.indirect.scatter.add.f32 [tilespmem:s16], [sflag:$0x3], $0x80, s25, s14, $0xb8;
	[tilespmem:$0x1C800] =	vst v63  }
0x8e: {  	_ =	swait.ge [sflag:s12], $0x4000  }
0x8f: {  	[sflag:s12] =	ssyncset.done $0x0  }
0x90: {  	[sflag:s12] =	ssyncadd.s32 $0xFFFFC000  }
0x91: {  	[tilespmem:s16], [sflag:$0x2] =	stream.indirect.gather [hbm4b:s1+s14], $0x80, s26, s14, $0xb8;
	[tilespmem:$0x1C800] =	vst v63  }
0x92: {  	_ =	swait.ge [sflag:s17], $0x4000  }
0x93: {  	[sflag:s17] =	ssyncset.done $0x0  }
0x94: {  	[sflag:s17] =	ssyncadd.s32 $0xFFFFC000  }
0x95: {  	[spmem:s3] =	stream.indirect.scatter.add.f32 [tilespmem:s15], [sflag:$0x3], $0x80, s28, s14, $0xb8;
	[tilespmem:$0x1C800] =	vst v63  }
0x96: {  	_ =	swait.ge [sflag:s12], $0x4000  }
0x97: {  	[sflag:s12] =	ssyncset.done $0x0  }
0x98: {  	[sflag:s12] =	ssyncadd.s32 $0xFFFFC000  }
0x99: {  	[tilespmem:s15], [sflag:$0x1] =	stream.indirect.gather [hbm4b:s1+s14], $0x80, s29, s14, $0xb8;
	[tilespmem:$0x1C800] =	vst v63  }
0x9a: {  	_ =	swait.ge [sflag:s19], $0x4000  }
0x9b: {  	[sflag:s19] =	ssyncset.done $0x0  }
0x9c: {  	[sflag:s19] =	ssyncadd.s32 $0xFFFFC000  }
0x9d: {  	[spmem:s3] =	stream.indirect.scatter.add.f32 [tilespmem:s16], [sflag:$0x3], $0x80, s30, s14, $0xb8;
	[tilespmem:$0x1C800] =	vst v63  }
0x9e: {  	_ =	swait.ge [sflag:s12], $0x4000  }
0x9f: {  	[sflag:s12] =	ssyncset.done $0x0  }
0xa0: {  	[sflag:s12] =	ssyncadd.s32 $0xFFFFC000  }
0xa1: {  	[tilespmem:s16], [sflag:$0x2] =	stream.indirect.gather [hbm4b:s1+s14], $0x80, s31, s14, $0xb8;
	[tilespmem:$0x1C800] =	vst v63  }
0xa2: {  	_ =	swait.ge [sflag:s17], $0x4000  }
0xa3: {  	[sflag:s17] =	ssyncset.done $0x0  }
0xa4: {  	[sflag:s17] =	ssyncadd.s32 $0xFFFFC000  }
0xa5: {  	[spmem:s3] =	stream.indirect.scatter.add.f32 [tilespmem:s15], [sflag:$0x3], $0x80, s2, s14, $0xb8;
	[tilespmem:$0x1C800] =	vst v63  }
0xa6: {  	_ =	swait.ge [sflag:s12], $0x4000  }
0xa7: {  	[sflag:s12] =	ssyncset.done $0x0  }
0xa8: {  	[sflag:s12] =	ssyncadd.s32 $0xFFFFC000  }
0xa9: {  	_ =	swait.ge [sflag:s19], $0x4000  }
.Ltmp1:
0xaa: {  	[sflag:s19] =	ssyncset.done $0x0;
	(pc) =	sbr.rel @p0 .LBB2_2-.Ltmp1, $4  }
0xab: {  	[sflag:s19] =	ssyncadd.s32 $0xFFFFC000  }
0xac: {  	[spmem:s3] =	stream.indirect.scatter.add.f32 [tilespmem:s16], [sflag:$0x3], $0x80, s0, s14, $0xb8;
	[tilespmem:$0x1C800] =	vst v63  }
0xad: {  	_ =	swait.ge [sflag:s12], $0x4000  }
0xae: {  	[sflag:s12] =	ssyncset.done $0x0  }
.LBB2_3:
0xaf: {  	[sflag:s12] =	ssyncadd.s32 $0xFFFFC000  }
0xb0: {  	[bflag:$0x0] =	sbarrier.arrive $0xFFFF  }
0xb1: {  	s10 =	smov.u32 s7;
	s8 =	rddreg [dreg:$0x7]  }
0xb2: {  	[hbm:s8], [sflag:s10] =	dma.local [spmem:s11], $0x2800  }
0xb3: {  	_ =	swait.ge [sflag:s12], $0x2800  }
0xb4: {  	s5 =	sadd.s32 $0x1, s5;
	s9 =	rddreg [dreg:$0x6]  }
0xb5: {  	p0 =	sne.s32 s5, s9  }
.Ltmp2:
0xb6: {  	_ = 	snop;
	(pc) =	sbr.rel @p0 .LBB2_1-.Ltmp2, $3  }
0xb7: {  	_ =	sdelay $0x1  }
0xb8: {  	[sflag:s12] =	ssyncset.done $0x0  }
0xb9: {  	[sflag:s12] =	ssyncadd.s32 $0xFFFFD800  }
0xba: {  	_ =	sfence.sel $0x180000  }
0xbb: {  	[bflag:$0x0] =	sbarrier.arrive $0xFFFF  }
0xbc: {  	_ =	strace $0x90000050  }
0xbd: {  	s0 =	stileid.u32;
	[bflag:$0x2] =	sbarrier.arrive $0xFFFF  }
0xbe: {  	p0 =	sne.s32 s0, $0x0;
	s0 =	rddreg [dreg:$0x3]  }
0xbf: {  	s0 =	sadd.s32 @!p0 $0x100000, s0  }
0xc0: {  	[sflag:s0] =	ssyncadd.tile.s32 @!p0 $0x1;
	_ =	shalt  }
.Lfunc_end2:
_tile_overlayer_lowered:
.L_overlay_start_2:
0xc1: {  	(tag) =	ssettag $0x2  }
0xc2: {  	s0 =	rddreg [dreg:$0x0];
	s2 =	stileid.u32  }
0xc3: {  	s1 =	rddreg [dreg:$0x1];
	p0 =	sne.s32 s2, $0x0  }
0xc4: {  	s3 =	rddreg [dreg:$0x2];
	[bflag:$0x3] =	sbarrier.arrive $0xFFFF;
	s2 =	simm.s32 @!p0 $0x1C03  }
0xc5: {  	[timem:s3], [sflag:s2] =	dma.local @!p0 [hbm:s0], s1  }
0xc6: {  	s0 =	simm.s32 @!p0 $0x3  }
0xc7: {  	_ =	swait.ge @!p0 [sflag:s0], s1  }
0xc8: {  	s1 =	ssub.s32 @!p0 $0x0, s1;
	[sflag:s0] =	ssyncset.done @!p0 $0x0  }
0xc9: {  	[sflag:s0] =	ssyncadd.s32 @!p0 s1  }
0xca: {  	[bflag:$0x3] =	sbarrier.arrive $0xFFFF  }
0xcb: {  	_ =	shalt  }

// kernel: kernel.22.cloned.1.call-start
scs
__scs_entry_jumppad:
0x0: {  	(pc) =	sbr.rel $0x88, $3  }
0x1: {  	(tag) =	ssettag $0x0;
	lr =	simm.s32 $0x1  }
0x2: {  	[smem:$0x3F97] =	sst lr;
	_ =	strace $0xD0000000  }
0x3: {  	_ = 	snop  }
0x4: {  	_ = 	snop  }
0x5: {  	_ = 	snop  }
0x6: {  	_ = 	snop  }
0x7: {  	_ = 	snop  }
__scs_overlays_trampoline_lowered:
0x8: {  	[smem:$0x3FA6] =	sst s0  }
0x9: {  	[smem:$0x3FA7] =	sst s1  }
0xa: {  	[smem:$0x3FA8] =	sst s2  }
0xb: {  	[smem:$0x3FA9] =	sst s3  }
0xc: {  	[smem:$0x3FAA] =	sst s4  }
0xd: {  	[smem:$0x3FAB] =	sst s5  }
0xe: {  	[smem:$0x3FAC] =	sst s6  }
0xf: {  	[smem:$0x3FAD] =	sst s7  }
0x10: {  	[smem:$0x3FAE] =	sst s8  }
0x11: {  	[smem:$0x3FAF] =	sst s9;
	s0 =	simm.s32 @!p0 $0x0  }
0x12: {  	s1 =	sld [smem:$0x3F95];
	s0 =	simm.s32 @p0 $0x1  }
0x13: {  	[smem:$0x3FB0] =	sst s0;
	s0 =	simm.s32 @!p1 $0x0  }
0x14: {  	s2 =	sld [smem:$0x3F94];
	s0 =	simm.s32 @p1 $0x1  }
0x15: {  	[smem:$0x3FB1] =	sst s0;
	s0 =	simm.s32 @!p2 $0x0  }
0x16: {  	s3 =	sld [smem:$0x3FDB];
	s0 =	simm.s32 @p2 $0x1  }
0x17: {  	s4 =	simm.s32 $0x1BF5;
	[smem:$0x3FB3] =	sst s0  }
0x18: {  	s0 =	sld [smem:$0x3F96];
	_ =	swait.ge [sflag:s4], $0x0  }
0x19: {  	s7 =	sld [smem:$0x3F97]  }
0x1a: {  	s8 =	sadd.s32 $0xFFFFE003, lr  }
0x1b: {  	s9 =	sadd.s32 $0xFFFFFEF7, lr;
	s5 =	simm.s32 $0xFFFFFFFF;
	p2 =	slt.u32 s8, $0xFFFFF086  }
0x1c: {  	p1 =	slt.u32 s9, $0xF7A;
	s5 =	simm.s32 @!p2 $0x0  }
0x1d: {  	s5 =	simm.s32 @p1 $0x1;
	p0 =	seq.s32 s7, s2  }
0x1e: {  	s7 =	smul.u32 @!p0 $0xF7A, s2;
	p2 =	seq.s32 @!p0 s5, $0x0  }
0x1f: {  	s9 =	smul.u32 $0xF7A, s1;
	s8 =	simm.s32 @!p0 $0x1BF5;
	p2 =	por !p2, p0  }
0x20: {  	[sflag:s8] =	ssyncset.s32 @!p0 $0xFFFFF086;
	s6 =	sadd.s32 @!p0 s3, s7;
	s7 =	simm.s32 @!p0 $0x108  }
0x21: {  	s3 =	sadd.s32 s3, s9;
	s6 =	sadd.s32 @!p0 $0x88, s6;
	s7 =	simm.s32 @p2 $0x1082  }
0x22: {  	[simem:s7], [sflag:s8] =	dma.local @!p0 [hbm:s6], $0xF7A  }
0x23: {  	s9 =	sor.u32 $0xD0000000, s2;
	s6 =	simm.s32 $0x108;
	_ =	swait.ge @!p0 [sflag:s8], $0x0  }
0x24: {  	s3 =	sadd.s32 $0x88, s3;
	s6 =	simm.s32 @!p1 $0x1082;
	[sflag:s4] =	ssyncset.s32 $0xFFFFF086  }
0x25: {  	[simem:s6], [sflag:s4] =	dma.local [hbm:s3], $0xF7A  }
0x26: {  	[smem:$0x3F97] =	sst s1;
	(tag) =	ssettag s2;
	_ =	strace s9  }
0x27: {  	s1 =	sld [smem:$0x3FA7]  }
0x28: {  	s2 =	sld [smem:$0x3FA8]  }
0x29: {  	s4 =	sld [smem:$0x3FAA]  }
0x2a: {  	p0 =	seq.s32 s5, $0x0;
	s5 =	sld [smem:$0x3FAB]  }
0x2b: {  	s6 =	sld [smem:$0x3FAC]  }
0x2c: {  	s7 =	sld [smem:$0x3FAD]  }
0x2d: {  	s3 =	simm.s32 $0x108;
	s8 =	sld [smem:$0x3FAE]  }
0x2e: {  	s3 =	simm.s32 @!p0 $0x1082;
	s9 =	sld [smem:$0x3FAF]  }
0x2f: {  	lr =	sadd.s32 s0, s3;
	s0 =	sld [smem:$0x3FA6]  }
0x30: {  	s3 =	sld [smem:$0x3FA9]  }
0x31: {  	[smem:$0x3FB2] =	sst s10  }
0x32: {  	s10 =	sld [smem:$0x3FB0];
	_ =	sdelay $0x3  }
0x33: {  	p0 =	seq.s32 s10, $0x1;
	s10 =	sld [smem:$0x3FB2];
	_ =	sdelay $0x3  }
0x34: {  	[smem:$0x3FB2] =	sst s10  }
0x35: {  	s10 =	sld [smem:$0x3FB1];
	_ =	sdelay $0x3  }
0x36: {  	p1 =	seq.s32 s10, $0x1;
	s10 =	sld [smem:$0x3FB2];
	_ =	sdelay $0x3  }
0x37: {  	[smem:$0x3FB2] =	sst s10  }
0x38: {  	s10 =	sld [smem:$0x3FB3]  }
0x39: {  	_ = 	snop;
	(pc) =	sbr.ind lr, $3  }
0x3a: {  	_ = 	snop  }
0x3b: {  	_ = 	snop  }
0x3c: {  	p2 =	seq.s32 s10, $0x1;
	s10 =	sld [smem:$0x3FB2]  }
0x3d: {  	_ =	shalt  }
0x3e: {  	_ =	shalt  }
0x3f: {  	_ =	shalt  }
0x40: {  	_ =	shalt  }
0x41: {  	_ =	shalt  }
0x42: {  	_ =	shalt  }
0x43: {  	_ =	shalt  }
0x44: {  	_ =	shalt  }
0x45: {  	_ =	shalt  }
0x46: {  	_ =	shalt  }
0x47: {  	_ =	shalt  }
0x48: {  	_ =	shalt  }
0x49: {  	_ =	shalt  }
0x4a: {  	_ =	shalt  }
0x4b: {  	_ =	shalt  }
0x4c: {  	_ =	shalt  }
0x4d: {  	_ =	shalt  }
0x4e: {  	_ =	shalt  }
0x4f: {  	_ =	shalt  }
0x50: {  	_ =	shalt  }
0x51: {  	_ =	shalt  }
0x52: {  	_ =	shalt  }
0x53: {  	_ =	shalt  }
0x54: {  	_ =	shalt  }
0x55: {  	_ =	shalt  }
0x56: {  	_ =	shalt  }
0x57: {  	_ =	shalt  }
0x58: {  	_ =	shalt  }
0x59: {  	_ =	shalt  }
0x5a: {  	_ =	shalt  }
0x5b: {  	_ =	shalt  }
0x5c: {  	_ =	shalt  }
0x5d: {  	_ =	shalt  }
0x5e: {  	_ =	shalt  }
0x5f: {  	_ =	shalt  }
0x60: {  	_ =	shalt  }
0x61: {  	_ =	shalt  }
0x62: {  	_ =	shalt  }
0x63: {  	_ =	shalt  }
0x64: {  	_ =	shalt  }
0x65: {  	_ =	shalt  }
0x66: {  	_ =	shalt  }
0x67: {  	_ =	shalt  }
0x68: {  	_ =	shalt  }
0x69: {  	_ =	shalt  }
0x6a: {  	_ =	shalt  }
0x6b: {  	_ =	shalt  }
0x6c: {  	_ =	shalt  }
0x6d: {  	_ =	shalt  }
0x6e: {  	_ =	shalt  }
0x6f: {  	_ =	shalt  }
0x70: {  	_ =	shalt  }
0x71: {  	_ =	shalt  }
0x72: {  	_ =	shalt  }
0x73: {  	_ =	shalt  }
0x74: {  	_ =	shalt  }
0x75: {  	_ =	shalt  }
0x76: {  	_ =	shalt  }
0x77: {  	_ =	shalt  }
0x78: {  	_ =	shalt  }
0x79: {  	_ =	shalt  }
0x7a: {  	_ =	shalt  }
0x7b: {  	_ =	shalt  }
0x7c: {  	_ =	shalt  }
0x7d: {  	_ =	shalt  }
0x7e: {  	_ =	shalt  }
0x7f: {  	_ =	shalt  }
0x80: {  	_ =	shalt  }
0x81: {  	_ =	shalt  }
0x82: {  	_ =	shalt  }
0x83: {  	_ =	shalt  }
0x84: {  	_ =	shalt  }
0x85: {  	_ =	shalt  }
0x86: {  	_ =	shalt  }
0x87: {  	_ =	shalt  }
.Lfunc_end0:
.L_simem_size_0:
called_computation.4_lowered:
.L_overlay_start_0:
0x88: {  	s2 =	sld [smem:$0x3FD9]  }
0x89: {  	s3 =	sld [smem:$0x3FFE];
	_ =	sdelay $0x1  }
0x8a: {  	s1 =	srdreg.scid  }
0x8b: {  	s0 =	sand.u32 $0x1, s1  }
0x8c: {  	s17 =	sshll.u32 s0, $0xA;
	s2 =	sadd.s32 s3, s2  }
0x8d: {  	s2 =	sadd.s32 s2, s17  }
0x8e: {  	[smem:$0x3FBE] =	sst s2  }
0x8f: {  	_ = 	snop  }
0x90: {  	s18 =	sld [smem:$0x3FD0];
	(tm) =	ssettm $0x1  }
0x91: {  	s19 =	sld [smem:$0x3FFB];
	_ =	sdelay $0x3  }
0x92: {  	_ =	strace s19  }
0x93: {  	s2 =	sld [smem:$0x3FFC];
	_ =	sdelay $0x3  }
0x94: {  	_ =	strace s2  }
0x95: {  	s2 =	sld [smem:$0x3FFD];
	_ =	sdelay $0x3  }
0x96: {  	_ =	strace s2  }
0x97: {  	_ =	strace $0x8FFFFFFF  }
0x98: {  	s20 =	sld [smem:$0x3FDB];
	_ =	sdelay $0x1  }
0x99: {  	s4 =	simm.s32 $_scs_section_size  }
0x9a: {  	s5 =	simm.s32 $_size__tile_overlayer_lowered;
	s6 =	simm.s32 $_tile_overlayer_lowered  }
0x9b: {  	s7 =	simm.s32 $0x1BFF;
	s21 =	sshll.u32 s6, $0x1;
	s4 =	sadd.s32 s4, s20  }
0x9c: {  	s22 =	simm.s32 $0x0;
	s5 =	sshll.u32 s5, $0x1;
	s6 =	sadd.s32 s21, s4  }
0x9d: {  	[timem:s22], [sflag:s7] =	dma.local [hbm:s6], s5  }
0x9e: {  	_ =	swait.ge [sflag:s7], s5  }
0x9f: {  	s5 =	ssub.s32 $0x0, s5;
	[sflag:s7] =	ssyncset.done $0x0  }
0xa0: {  	[sflag:s7] =	ssyncadd.s32 s5;
	_ =	sdelay $0x1  }
0xa1: {  	s23 =	simm.s32 $0x1B8B  }
0xa2: {  	_ =	swait.ge [sflag:s23], $0x1  }
0xa3: {  	[sflag:s23] =	ssyncset.done $0x0  }
0xa4: {  	[sflag:s23] =	ssyncadd.s32 $0xFFFFFFFF  }
0xa5: {  	s5 =	sld [smem:$0x0]  }
0xa6: {  	s6 =	sand.u32 $0xFFFFFFFE, s1  }
0xa7: {  	p0 =	sne.s32 s1, s6  }
0xa8: {  	s6 =	sshll.u32 @p0 s6, $0xE  }
0xa9: {  	s6 =	sadd.s32 @p0 $0x11B8D, s6;
	s7 =	sshll.u32 @p0 s5, $0x11  }
0xaa: {  	s6 =	sor.u32 @p0 s7, s6  }
0xab: {  	[sflag:s6] =	ssyncadd.remote.s32 @p0 $0x1;
	_ =	sdelay $0x1  }
0xac: {  	s6 =	simm.s32 @p0 $0x1B8D  }
0xad: {  	_ =	swait.eq @p0 [sflag:s6], $0x1  }
0xae: {  	[sflag:s6] =	ssyncadd.s32 @p0 $0xFFFFFFFF  }
0xaf: {  	s7 =	sshll.u32 @!p0 s1, $0xE  }
0xb0: {  	s7 =	sor.u32 @!p0 $0x4000, s7;
	s6 =	simm.s32 @!p0 $0x1B8D  }
0xb1: {  	s5 =	sshll.u32 @!p0 s5, $0x11;
	s7 =	sadd.s32 @!p0 $0x11B8D, s7;
	_ =	swait.eq @!p0 [sflag:s6], $0x1  }
0xb2: {  	s5 =	sor.u32 @!p0 s5, s7;
	[sflag:s6] =	ssyncadd.s32 @!p0 $0xFFFFFFFF  }
0xb3: {  	s25 =	simm.s32 $0x1B8E;
	s24 =	sld [smem:$0x3FFE];
	[sflag:s5] =	ssyncadd.remote.s32 @!p0 $0x1  }
0xb4: {  	s26 =	simm.s32 $execute0_lowered;
	[smem:$0x3FD2] =	sst s25  }
0xb5: {  	s6 =	sshll.u32 s26, $0x1;
	_ =	strace $0x80000052;
	[dreg:$0x1] =	wrdreg $0xFFFFFFFF  }
0xb6: {  	s28 =	simm.s32 $_size_execute0_lowered;
	s4 =	sadd.s32 s4, s6;
	[dreg:$0x0] =	wrdreg $0x0  }
0xb7: {  	s6 =	sshll.u32 s28, $0x1;
	[dreg:$0x2] =	wrdreg s4  }
0xb8: {  	[dreg:$0x3] =	wrdreg s6  }
0xb9: {  	[dreg:$0x4] =	wrdreg $0xC0  }
0xba: {  	_ =	task [dreg:s22], $0x5FFFF  }
0xbb: {  	[dreg:$0x1] =	wrdreg $0xFFFFFFFF  }
0xbc: {  	[dreg:$0x0] =	wrdreg $0x60  }
0xbd: {  	[dreg:$0x2] =	wrdreg s18  }
0xbe: {  	[dreg:$0x3] =	wrdreg s24  }
0xbf: {  	[dreg:$0x4] =	wrdreg $0x9  }
0xc0: {  	_ =	task.clear_ibuf [dreg:s22], $0x5FFFF;
	_ =	strace $0x90000052  }
0xc1: {  	s29 =	simm.s32 $0x9;
	_ =	strace $0x80000054  }
0xc2: {  	_ =	swait.ge [sflag:s29], $0x1  }
0xc3: {  	[sflag:s29] =	ssyncadd.s32 $0xFFFFFFFF  }
0xc4: {  	_ =	strace $0x90000054  }
0xc5: {  	_ =	sfence  }
0xc6: {  	s30 =	sld [smem:$0x0];
	_ =	sdelay $0x2  }
0xc7: {  	s31 =	sshll.u32 s1, $0xD;
	s1 =	sshrl.u32 s1, $0x2  }
0xc8: {  	s4 =	sand.u32 $0x4000, s31;
	s1 =	sadd.s32 s1, s30  }
0xc9: {  	s0 =	sor.u32 s4, s0;
	s1 =	sshll.u32 s1, $0x11  }
0xca: {  	s0 =	sor.u32 s1, s0  }
0xcb: {  	s0 =	sadd.s32 $0x8F2B, s0  }
0xcc: {  	[sflag:s0] =	ssyncadd.remote.s32 $0x1  }
0xcd: {  	_ =	sfence.sel $0xFFFF  }
0xce: {  	[dreg:$0x0] =	wrdreg $0xFFFFFFFF;
	(pc) =	sbr.abs _section_cstart, $3  }
0xcf: {  	[dreg:$0x1] =	wrdreg $0xFFFFFFFF  }
0xd0: {  	_ =	task.clear_ibuf [dreg:s22], $0x2FFFF;
	_ =	strace $0x9FFFFFFF  }
0xd1: {  	(tm) =	ssettm $0x7FFFFFFF  }
tec
execute0_lowered:
.L_overlay_start_1:
0x0: {  	(tag) =	ssettag $0x1  }
0x1: {  	s0 =	srdreg.scid  }
0x2: {  	s2 =	rddreg [dreg:$0x0];
	s6 =	sand.u32 $0x1, s0  }
0x3: {  	s9 =	rddreg [dreg:$0x1];
	s0 =	stileid.u32;
	s1 =	sshll.u32 s6, $0x4  }
0x4: {  	s3 =	simm.s32 $0x0;
	s7 =	simm.s32 $0x80;
	s10 =	sor.u32 s0, s1  }
0x5: {  	s8 =	simm.s32 $0x1;
	[smem:$0x7FF] =	sst s3;
	s4 =	sshll.u32 s10, $0x4  }
0x6: {  	s11 =	ssub.s32 $0x2, s6;
	s1 =	rddreg [dreg:$0x2];
	s4 =	sadd.s32 s4, s9  }
0x7: {  	_ =	strace $0x80000053;
	s5 =	sadd.s32 $0x3800, s4;
	s4 =	simm.s32 $0x2  }
0x8: {  	[tilespmem:s3], [sflag:$0x2] =	stream.linear.gather [hbm4b:s5+s3], $0x80, $0x38;
	[tilespmem:$0x2080] =	vst v63  }
0x9: {  	s6 =	simm.s32 $0x40;
	s12 =	sshrl.u32 s11, $0x1;
	_ =	swait.ge [sflag:s4], $0x80  }
0xa: {  	s10 =	sshll.u32 s10, $0xA;
	s31 =	ssub.s32 s11, s12;
	[sflag:s4] =	ssyncset.done $0x0  }
0xb: {  	s9 =	sadd.s32 s10, s9;
	s10 =	smax.u32 s31, $0x1;
	[sflag:s4] =	ssyncadd.s32 $0xFFFFFF80  }
0xc: {  	[tilespmem:s7], [sflag:$0x1] =	stream.indirect.gather [hbm4b:s2+s6], $0x80, s3, s6, $0xb8;
	[tilespmem:$0x2080] =	vst v63  }
0xd: {  	p0 =	sne.s32 s10, $0x1;
	_ =	swait.ge [sflag:s8], $0x2000  }
.Ltmp0:
0xe: {  	[sflag:s8] =	ssyncset.done $0x0;
	(pc) =	sbr.rel @!p0 .LBB2_2-.Ltmp0, $4  }
0xf: {  	s9 =	sadd.s32 $0x3A00, s9;
	[sflag:s8] =	ssyncadd.s32 $0xFFFFE000  }
0x10: {  	[hbm4b:s9+s3] =	stream.linear.scatter [tilespmem:s7], [sflag:$0x2], $0x2000, $0x38;
	[tilespmem:$0x2080] =	vst v63  }
0x11: {  	_ =	swait.ge [sflag:s4], $0x2000  }
0x12: {  	s10 =	sadd.s32 $0xFFFFFFFF, s10;
	[sflag:s4] =	ssyncset.done $0x0  }
.LBB2_1:
0x13: {  	p0 =	sne.s32 s10, $0x1;
	s10 =	sadd.s32 $0xFFFFFFFF, s10;
	[sflag:s4] =	ssyncadd.s32 $0xFFFFE000  }
0x14: {  	[tilespmem:s3], [sflag:$0x2] =	stream.linear.gather [hbm4b:s5+s3], $0x80, $0x38;
	[tilespmem:$0x2080] =	vst v63  }
0x15: {  	_ =	swait.ge [sflag:s4], $0x80  }
0x16: {  	[sflag:s4] =	ssyncset.done $0x0  }
0x17: {  	[sflag:s4] =	ssyncadd.s32 $0xFFFFFF80  }
0x18: {  	[tilespmem:s7], [sflag:$0x1] =	stream.indirect.gather [hbm4b:s2+s6], $0x80, s3, s6, $0xb8;
	[tilespmem:$0x2080] =	vst v63  }
0x19: {  	_ =	swait.ge [sflag:s8], $0x2000  }
.Ltmp1:
0x1a: {  	[sflag:s8] =	ssyncset.done $0x0;
	(pc) =	sbr.rel @p0 .LBB2_1-.Ltmp1, $4  }
0x1b: {  	[sflag:s8] =	ssyncadd.s32 $0xFFFFE000  }
0x1c: {  	[hbm4b:s9+s3] =	stream.linear.scatter [tilespmem:s7], [sflag:$0x2], $0x2000, $0x38;
	[tilespmem:$0x2080] =	vst v63  }
0x1d: {  	_ =	swait.ge [sflag:s4], $0x2000  }
0x1e: {  	[sflag:s4] =	ssyncset.done $0x0  }
.LBB2_2:
0x1f: {  	[sflag:s4] =	ssyncadd.s32 $0xFFFFE000  }
0x20: {  	_ =	sfence.sel $0x180000  }
0x21: {  	[bflag:$0x0] =	sbarrier.arrive $0xFFFF  }
0x22: {  	p0 =	sne.s32 s0, $0x0;
	_ =	strace $0x90000053  }
0x23: {  	s0 =	sadd.s32 @!p0 $0x100000, s1;
	[bflag:$0x2] =	sbarrier.arrive $0xFFFF  }
0x24: {  	[sflag:s0] =	ssyncadd.tile.s32 @!p0 $0x1;
	_ =	shalt  }
.Lfunc_end2:
_tile_overlayer_lowered:
.L_overlay_start_2:
0x25: {  	(tag) =	ssettag $0x2  }
0x26: {  	s0 =	rddreg [dreg:$0x0];
	s2 =	stileid.u32  }
0x27: {  	s1 =	rddreg [dreg:$0x1];
	p0 =	sne.s32 s2, $0x0  }
0x28: {  	s3 =	rddreg [dreg:$0x2];
	[bflag:$0x3] =	sbarrier.arrive $0xFFFF;
	s2 =	simm.s32 @!p0 $0x1C02  }
0x29: {  	[timem:s3], [sflag:s2] =	dma.local @!p0 [hbm:s0], s1  }
0x2a: {  	s0 =	simm.s32 @!p0 $0x2  }
0x2b: {  	_ =	swait.ge @!p0 [sflag:s0], s1  }
0x2c: {  	s1 =	ssub.s32 @!p0 $0x0, s1;
	[sflag:s0] =	ssyncset.done @!p0 $0x0  }
0x2d: {  	[sflag:s0] =	ssyncadd.s32 @!p0 s1  }
0x2e: {  	[bflag:$0x3] =	sbarrier.arrive $0xFFFF  }
0x2f: {  	_ =	shalt  }

// kernel: kernel.25.cloned.1.call-start
scs
__scs_entry_jumppad:
0x0: {  	(pc) =	sbr.rel $0x88, $3  }
0x1: {  	(tag) =	ssettag $0x0;
	lr =	simm.s32 $0x1  }
0x2: {  	[smem:$0x3F97] =	sst lr;
	_ =	strace $0xD0000000  }
0x3: {  	_ = 	snop  }
0x4: {  	_ = 	snop  }
0x5: {  	_ = 	snop  }
0x6: {  	_ = 	snop  }
0x7: {  	_ = 	snop  }
__scs_overlays_trampoline_lowered:
0x8: {  	[smem:$0x3FA6] =	sst s0  }
0x9: {  	[smem:$0x3FA7] =	sst s1  }
0xa: {  	[smem:$0x3FA8] =	sst s2  }
0xb: {  	[smem:$0x3FA9] =	sst s3  }
0xc: {  	[smem:$0x3FAA] =	sst s4  }
0xd: {  	[smem:$0x3FAB] =	sst s5  }
0xe: {  	[smem:$0x3FAC] =	sst s6  }
0xf: {  	[smem:$0x3FAD] =	sst s7  }
0x10: {  	[smem:$0x3FAE] =	sst s8  }
0x11: {  	[smem:$0x3FAF] =	sst s9;
	s0 =	simm.s32 @!p0 $0x0  }
0x12: {  	s1 =	sld [smem:$0x3F95];
	s0 =	simm.s32 @p0 $0x1  }
0x13: {  	[smem:$0x3FB0] =	sst s0;
	s0 =	simm.s32 @!p1 $0x0  }
0x14: {  	s2 =	sld [smem:$0x3F94];
	s0 =	simm.s32 @p1 $0x1  }
0x15: {  	[smem:$0x3FB1] =	sst s0;
	s0 =	simm.s32 @!p2 $0x0  }
0x16: {  	s3 =	sld [smem:$0x3FDB];
	s0 =	simm.s32 @p2 $0x1  }
0x17: {  	s4 =	simm.s32 $0x1BF5;
	[smem:$0x3FB3] =	sst s0  }
0x18: {  	s0 =	sld [smem:$0x3F96];
	_ =	swait.ge [sflag:s4], $0x0  }
0x19: {  	s7 =	sld [smem:$0x3F97]  }
0x1a: {  	s8 =	sadd.s32 $0xFFFFE003, lr  }
0x1b: {  	s9 =	sadd.s32 $0xFFFFFEF7, lr;
	s5 =	simm.s32 $0xFFFFFFFF;
	p2 =	slt.u32 s8, $0xFFFFF086  }
0x1c: {  	p1 =	slt.u32 s9, $0xF7A;
	s5 =	simm.s32 @!p2 $0x0  }
0x1d: {  	s5 =	simm.s32 @p1 $0x1;
	p0 =	seq.s32 s7, s2  }
0x1e: {  	s7 =	smul.u32 @!p0 $0xF7A, s2;
	p2 =	seq.s32 @!p0 s5, $0x0  }
0x1f: {  	s9 =	smul.u32 $0xF7A, s1;
	s8 =	simm.s32 @!p0 $0x1BF5;
	p2 =	por !p2, p0  }
0x20: {  	[sflag:s8] =	ssyncset.s32 @!p0 $0xFFFFF086;
	s6 =	sadd.s32 @!p0 s3, s7;
	s7 =	simm.s32 @!p0 $0x108  }
0x21: {  	s3 =	sadd.s32 s3, s9;
	s6 =	sadd.s32 @!p0 $0x88, s6;
	s7 =	simm.s32 @p2 $0x1082  }
0x22: {  	[simem:s7], [sflag:s8] =	dma.local @!p0 [hbm:s6], $0xF7A  }
0x23: {  	s9 =	sor.u32 $0xD0000000, s2;
	s6 =	simm.s32 $0x108;
	_ =	swait.ge @!p0 [sflag:s8], $0x0  }
0x24: {  	s3 =	sadd.s32 $0x88, s3;
	s6 =	simm.s32 @!p1 $0x1082;
	[sflag:s4] =	ssyncset.s32 $0xFFFFF086  }
0x25: {  	[simem:s6], [sflag:s4] =	dma.local [hbm:s3], $0xF7A  }
0x26: {  	[smem:$0x3F97] =	sst s1;
	(tag) =	ssettag s2;
	_ =	strace s9  }
0x27: {  	s1 =	sld [smem:$0x3FA7]  }
0x28: {  	s2 =	sld [smem:$0x3FA8]  }
0x29: {  	s4 =	sld [smem:$0x3FAA]  }
0x2a: {  	p0 =	seq.s32 s5, $0x0;
	s5 =	sld [smem:$0x3FAB]  }
0x2b: {  	s6 =	sld [smem:$0x3FAC]  }
0x2c: {  	s7 =	sld [smem:$0x3FAD]  }
0x2d: {  	s3 =	simm.s32 $0x108;
	s8 =	sld [smem:$0x3FAE]  }
0x2e: {  	s3 =	simm.s32 @!p0 $0x1082;
	s9 =	sld [smem:$0x3FAF]  }
0x2f: {  	lr =	sadd.s32 s0, s3;
	s0 =	sld [smem:$0x3FA6]  }
0x30: {  	s3 =	sld [smem:$0x3FA9]  }
0x31: {  	[smem:$0x3FB2] =	sst s10  }
0x32: {  	s10 =	sld [smem:$0x3FB0];
	_ =	sdelay $0x3  }
0x33: {  	p0 =	seq.s32 s10, $0x1;
	s10 =	sld [smem:$0x3FB2];
	_ =	sdelay $0x3  }
0x34: {  	[smem:$0x3FB2] =	sst s10  }
0x35: {  	s10 =	sld [smem:$0x3FB1];
	_ =	sdelay $0x3  }
0x36: {  	p1 =	seq.s32 s10, $0x1;
	s10 =	sld [smem:$0x3FB2];
	_ =	sdelay $0x3  }
0x37: {  	[smem:$0x3FB2] =	sst s10  }
0x38: {  	s10 =	sld [smem:$0x3FB3]  }
0x39: {  	_ = 	snop;
	(pc) =	sbr.ind lr, $3  }
0x3a: {  	_ = 	snop  }
0x3b: {  	_ = 	snop  }
0x3c: {  	p2 =	seq.s32 s10, $0x1;
	s10 =	sld [smem:$0x3FB2]  }
0x3d: {  	_ =	shalt  }
0x3e: {  	_ =	shalt  }
0x3f: {  	_ =	shalt  }
0x40: {  	_ =	shalt  }
0x41: {  	_ =	shalt  }
0x42: {  	_ =	shalt  }
0x43: {  	_ =	shalt  }
0x44: {  	_ =	shalt  }
0x45: {  	_ =	shalt  }
0x46: {  	_ =	shalt  }
0x47: {  	_ =	shalt  }
0x48: {  	_ =	shalt  }
0x49: {  	_ =	shalt  }
0x4a: {  	_ =	shalt  }
0x4b: {  	_ =	shalt  }
0x4c: {  	_ =	shalt  }
0x4d: {  	_ =	shalt  }
0x4e: {  	_ =	shalt  }
0x4f: {  	_ =	shalt  }
0x50: {  	_ =	shalt  }
0x51: {  	_ =	shalt  }
0x52: {  	_ =	shalt  }
0x53: {  	_ =	shalt  }
0x54: {  	_ =	shalt  }
0x55: {  	_ =	shalt  }
0x56: {  	_ =	shalt  }
0x57: {  	_ =	shalt  }
0x58: {  	_ =	shalt  }
0x59: {  	_ =	shalt  }
0x5a: {  	_ =	shalt  }
0x5b: {  	_ =	shalt  }
0x5c: {  	_ =	shalt  }
0x5d: {  	_ =	shalt  }
0x5e: {  	_ =	shalt  }
0x5f: {  	_ =	shalt  }
0x60: {  	_ =	shalt  }
0x61: {  	_ =	shalt  }
0x62: {  	_ =	shalt  }
0x63: {  	_ =	shalt  }
0x64: {  	_ =	shalt  }
0x65: {  	_ =	shalt  }
0x66: {  	_ =	shalt  }
0x67: {  	_ =	shalt  }
0x68: {  	_ =	shalt  }
0x69: {  	_ =	shalt  }
0x6a: {  	_ =	shalt  }
0x6b: {  	_ =	shalt  }
0x6c: {  	_ =	shalt  }
0x6d: {  	_ =	shalt  }
0x6e: {  	_ =	shalt  }
0x6f: {  	_ =	shalt  }
0x70: {  	_ =	shalt  }
0x71: {  	_ =	shalt  }
0x72: {  	_ =	shalt  }
0x73: {  	_ =	shalt  }
0x74: {  	_ =	shalt  }
0x75: {  	_ =	shalt  }
0x76: {  	_ =	shalt  }
0x77: {  	_ =	shalt  }
0x78: {  	_ =	shalt  }
0x79: {  	_ =	shalt  }
0x7a: {  	_ =	shalt  }
0x7b: {  	_ =	shalt  }
0x7c: {  	_ =	shalt  }
0x7d: {  	_ =	shalt  }
0x7e: {  	_ =	shalt  }
0x7f: {  	_ =	shalt  }
0x80: {  	_ =	shalt  }
0x81: {  	_ =	shalt  }
0x82: {  	_ =	shalt  }
0x83: {  	_ =	shalt  }
0x84: {  	_ =	shalt  }
0x85: {  	_ =	shalt  }
0x86: {  	_ =	shalt  }
0x87: {  	_ =	shalt  }
.Lfunc_end0:
.L_simem_size_0:
called_computation.5_lowered:
.L_overlay_start_0:
0x88: {  	s2 =	sld [smem:$0x3FD9]  }
0x89: {  	s3 =	sld [smem:$0x3FFE];
	_ =	sdelay $0x1  }
0x8a: {  	s1 =	srdreg.scid  }
0x8b: {  	s0 =	sand.u32 $0x1, s1  }
0x8c: {  	s17 =	sshll.u32 s0, $0xA;
	s2 =	sadd.s32 s3, s2  }
0x8d: {  	s2 =	sadd.s32 s2, s17  }
0x8e: {  	[smem:$0x3FBE] =	sst s2  }
0x8f: {  	_ = 	snop  }
0x90: {  	(tm) =	ssettm $0x1  }
0x91: {  	s18 =	sld [smem:$0x3FFB];
	_ =	sdelay $0x3  }
0x92: {  	_ =	strace s18  }
0x93: {  	s2 =	sld [smem:$0x3FFC];
	_ =	sdelay $0x3  }
0x94: {  	_ =	strace s2  }
0x95: {  	s2 =	sld [smem:$0x3FFD];
	_ =	sdelay $0x3  }
0x96: {  	_ =	strace s2  }
0x97: {  	_ =	strace $0x8FFFFFFF  }
0x98: {  	s19 =	sld [smem:$0x3FDB];
	_ =	sdelay $0x1  }
0x99: {  	s20 =	simm.s32 $_scs_section_size  }
0x9a: {  	s4 =	simm.s32 $_size__tile_overlayer_lowered;
	s5 =	simm.s32 $_tile_overlayer_lowered  }
0x9b: {  	s6 =	simm.s32 $0x1BFF;
	s21 =	sshll.u32 s5, $0x1;
	s3 =	sadd.s32 s20, s19  }
0x9c: {  	s22 =	simm.s32 $0x0;
	s4 =	sshll.u32 s4, $0x1;
	s5 =	sadd.s32 s21, s3  }
0x9d: {  	[timem:s22], [sflag:s6] =	dma.local [hbm:s5], s4  }
0x9e: {  	_ =	swait.ge [sflag:s6], s4  }
0x9f: {  	s4 =	ssub.s32 $0x0, s4;
	[sflag:s6] =	ssyncset.done $0x0  }
0xa0: {  	[sflag:s6] =	ssyncadd.s32 s4;
	_ =	sdelay $0x1  }
0xa1: {  	s23 =	simm.s32 $0x1B8B  }
0xa2: {  	_ =	swait.ge [sflag:s23], $0x1  }
0xa3: {  	[sflag:s23] =	ssyncset.done $0x0  }
0xa4: {  	[sflag:s23] =	ssyncadd.s32 $0xFFFFFFFF  }
0xa5: {  	s4 =	sld [smem:$0x0]  }
0xa6: {  	s5 =	sand.u32 $0xFFFFFFFE, s1  }
0xa7: {  	p0 =	sne.s32 s1, s5  }
0xa8: {  	s5 =	sshll.u32 @p0 s5, $0xE  }
0xa9: {  	s5 =	sadd.s32 @p0 $0x11B8D, s5;
	s6 =	sshll.u32 @p0 s4, $0x11  }
0xaa: {  	s5 =	sor.u32 @p0 s6, s5  }
0xab: {  	[sflag:s5] =	ssyncadd.remote.s32 @p0 $0x1;
	_ =	sdelay $0x1  }
0xac: {  	s5 =	simm.s32 @p0 $0x1B8D  }
0xad: {  	_ =	swait.eq @p0 [sflag:s5], $0x1  }
0xae: {  	[sflag:s5] =	ssyncadd.s32 @p0 $0xFFFFFFFF  }
0xaf: {  	s6 =	sshll.u32 @!p0 s1, $0xE  }
0xb0: {  	s6 =	sor.u32 @!p0 $0x4000, s6;
	s5 =	simm.s32 @!p0 $0x1B8D  }
0xb1: {  	s4 =	sshll.u32 @!p0 s4, $0x11;
	s6 =	sadd.s32 @!p0 $0x11B8D, s6;
	_ =	swait.eq @!p0 [sflag:s5], $0x1  }
0xb2: {  	s4 =	sor.u32 @!p0 s4, s6;
	[sflag:s5] =	ssyncadd.s32 @!p0 $0xFFFFFFFF  }
0xb3: {  	s25 =	simm.s32 $0x1B8E;
	s24 =	sld [smem:$0x3FFE];
	[sflag:s4] =	ssyncadd.remote.s32 @!p0 $0x1  }
0xb4: {  	s26 =	simm.s32 $execute0_lowered;
	[smem:$0x3FD2] =	sst s25  }
0xb5: {  	s5 =	sshll.u32 s26, $0x1;
	_ =	strace $0x80000055;
	[dreg:$0x1] =	wrdreg $0xFFFFFFFF  }
0xb6: {  	s28 =	simm.s32 $_size_execute0_lowered;
	s3 =	sadd.s32 s3, s5;
	[dreg:$0x0] =	wrdreg $0x0  }
0xb7: {  	s5 =	sshll.u32 s28, $0x1;
	[dreg:$0x2] =	wrdreg s3  }
0xb8: {  	[dreg:$0x3] =	wrdreg s5  }
0xb9: {  	[dreg:$0x4] =	wrdreg $0xC0  }
0xba: {  	_ =	task [dreg:s22], $0x5FFFF  }
0xbb: {  	[dreg:$0x1] =	wrdreg $0xFFFFFFFF  }
0xbc: {  	[dreg:$0x0] =	wrdreg $0x60  }
0xbd: {  	[dreg:$0x2] =	wrdreg s24  }
0xbe: {  	[dreg:$0x3] =	wrdreg $0xA  }
0xbf: {  	_ =	task.clear_ibuf [dreg:s22], $0x4FFFF;
	_ =	strace $0x90000055  }
0xc0: {  	s29 =	simm.s32 $0xA;
	_ =	strace $0x80000057  }
0xc1: {  	_ =	swait.ge [sflag:s29], $0x1  }
0xc2: {  	[sflag:s29] =	ssyncadd.s32 $0xFFFFFFFF  }
0xc3: {  	_ =	strace $0x90000057  }
0xc4: {  	_ =	sfence  }
0xc5: {  	s30 =	sld [smem:$0x0];
	_ =	sdelay $0x2  }
0xc6: {  	s31 =	sshll.u32 s1, $0xD;
	s1 =	sshrl.u32 s1, $0x2  }
0xc7: {  	s4 =	sand.u32 $0x4000, s31;
	s1 =	sadd.s32 s1, s30  }
0xc8: {  	s0 =	sor.u32 s4, s0;
	s1 =	sshll.u32 s1, $0x11  }
0xc9: {  	s0 =	sor.u32 s1, s0  }
0xca: {  	s0 =	sadd.s32 $0x8F2B, s0  }
0xcb: {  	[sflag:s0] =	ssyncadd.remote.s32 $0x1  }
0xcc: {  	_ =	sfence.sel $0xFFFF  }
0xcd: {  	[dreg:$0x0] =	wrdreg $0xFFFFFFFF;
	(pc) =	sbr.abs _section_cstart, $3  }
0xce: {  	[dreg:$0x1] =	wrdreg $0xFFFFFFFF  }
0xcf: {  	_ =	task.clear_ibuf [dreg:s22], $0x2FFFF;
	_ =	strace $0x9FFFFFFF  }
0xd0: {  	(tm) =	ssettm $0x7FFFFFFF  }
0xd1: {  	_ =	shalt  }
tec
execute0_lowered:
.L_overlay_start_1:
0x0: {  	(tag) =	ssettag $0x1  }
0x1: {  	s0 =	srdreg.scid  }
0x2: {  	s9 =	rddreg [dreg:$0x0];
	s6 =	sand.u32 $0x1, s0  }
0x3: {  	s2 =	simm.s32 $0x0;
	s0 =	stileid.u32;
	s1 =	sshll.u32 s6, $0x4  }
0x4: {  	s7 =	simm.s32 $0x80;
	s8 =	simm.s32 $0x1;
	s10 =	sor.u32 s0, s1  }
0x5: {  	[smem:$0x7FF] =	sst s2;
	s5 =	sadd.s32 $0x42000, s9;
	s3 =	sshll.u32 s10, $0x4  }
0x6: {  	s11 =	ssub.s32 $0x2, s6;
	s1 =	rddreg [dreg:$0x1];
	s3 =	sadd.s32 s3, s9  }
0x7: {  	_ =	strace $0x80000056;
	s4 =	sadd.s32 $0x3800, s3;
	s3 =	simm.s32 $0x2  }
0x8: {  	[tilespmem:s2], [sflag:$0x2] =	stream.linear.gather [hbm4b:s4+s2], $0x80, $0x38;
	[tilespmem:$0x2080] =	vst v63  }
0x9: {  	s6 =	simm.s32 $0x40;
	s12 =	sshrl.u32 s11, $0x1;
	_ =	swait.ge [sflag:s3], $0x80  }
0xa: {  	s10 =	sshll.u32 s10, $0xA;
	s31 =	ssub.s32 s11, s12;
	[sflag:s3] =	ssyncset.done $0x0  }
0xb: {  	s9 =	sadd.s32 s10, s9;
	s10 =	smax.u32 s31, $0x1;
	[sflag:s3] =	ssyncadd.s32 $0xFFFFFF80  }
0xc: {  	[tilespmem:s7], [sflag:$0x1] =	stream.indirect.gather [hbm4b:s5+s6], $0x80, s2, s6, $0xb8;
	[tilespmem:$0x2080] =	vst v63  }
0xd: {  	p0 =	sne.s32 s10, $0x1;
	_ =	swait.ge [sflag:s8], $0x2000  }
.Ltmp0:
0xe: {  	[sflag:s8] =	ssyncset.done $0x0;
	(pc) =	sbr.rel @!p0 .LBB2_2-.Ltmp0, $4  }
0xf: {  	s9 =	sadd.s32 $0xBA00, s9;
	[sflag:s8] =	ssyncadd.s32 $0xFFFFE000  }
0x10: {  	[hbm4b:s9+s2] =	stream.linear.scatter [tilespmem:s7], [sflag:$0x2], $0x2000, $0x38;
	[tilespmem:$0x2080] =	vst v63  }
0x11: {  	_ =	swait.ge [sflag:s3], $0x2000  }
0x12: {  	s10 =	sadd.s32 $0xFFFFFFFF, s10;
	[sflag:s3] =	ssyncset.done $0x0  }
.LBB2_1:
0x13: {  	p0 =	sne.s32 s10, $0x1;
	s10 =	sadd.s32 $0xFFFFFFFF, s10;
	[sflag:s3] =	ssyncadd.s32 $0xFFFFE000  }
0x14: {  	[tilespmem:s2], [sflag:$0x2] =	stream.linear.gather [hbm4b:s4+s2], $0x80, $0x38;
	[tilespmem:$0x2080] =	vst v63  }
0x15: {  	_ =	swait.ge [sflag:s3], $0x80  }
0x16: {  	[sflag:s3] =	ssyncset.done $0x0  }
0x17: {  	[sflag:s3] =	ssyncadd.s32 $0xFFFFFF80  }
0x18: {  	[tilespmem:s7], [sflag:$0x1] =	stream.indirect.gather [hbm4b:s5+s6], $0x80, s2, s6, $0xb8;
	[tilespmem:$0x2080] =	vst v63  }
0x19: {  	_ =	swait.ge [sflag:s8], $0x2000  }
.Ltmp1:
0x1a: {  	[sflag:s8] =	ssyncset.done $0x0;
	(pc) =	sbr.rel @p0 .LBB2_1-.Ltmp1, $4  }
0x1b: {  	[sflag:s8] =	ssyncadd.s32 $0xFFFFE000  }
0x1c: {  	[hbm4b:s9+s2] =	stream.linear.scatter [tilespmem:s7], [sflag:$0x2], $0x2000, $0x38;
	[tilespmem:$0x2080] =	vst v63  }
0x1d: {  	_ =	swait.ge [sflag:s3], $0x2000  }
0x1e: {  	[sflag:s3] =	ssyncset.done $0x0  }
.LBB2_2:
0x1f: {  	[sflag:s3] =	ssyncadd.s32 $0xFFFFE000  }
0x20: {  	_ =	sfence.sel $0x180000  }
0x21: {  	[bflag:$0x0] =	sbarrier.arrive $0xFFFF  }
0x22: {  	p0 =	sne.s32 s0, $0x0;
	_ =	strace $0x90000056  }
0x23: {  	s0 =	sadd.s32 @!p0 $0x100000, s1;
	[bflag:$0x2] =	sbarrier.arrive $0xFFFF  }
0x24: {  	[sflag:s0] =	ssyncadd.tile.s32 @!p0 $0x1;
	_ =	shalt  }
.Lfunc_end2:
_tile_overlayer_lowered:
.L_overlay_start_2:
0x25: {  	(tag) =	ssettag $0x2  }
0x26: {  	s0 =	rddreg [dreg:$0x0];
	s2 =	stileid.u32  }
0x27: {  	s1 =	rddreg [dreg:$0x1];
	p0 =	sne.s32 s2, $0x0  }
0x28: {  	s3 =	rddreg [dreg:$0x2];
	[bflag:$0x3] =	sbarrier.arrive $0xFFFF;
	s2 =	simm.s32 @!p0 $0x1C02  }
0x29: {  	[timem:s3], [sflag:s2] =	dma.local @!p0 [hbm:s0], s1  }
0x2a: {  	s0 =	simm.s32 @!p0 $0x2  }
0x2b: {  	_ =	swait.ge @!p0 [sflag:s0], s1  }
0x2c: {  	s1 =	ssub.s32 @!p0 $0x0, s1;
	[sflag:s0] =	ssyncset.done @!p0 $0x0  }
0x2d: {  	[sflag:s0] =	ssyncadd.s32 @!p0 s1  }
0x2e: {  	[bflag:$0x3] =	sbarrier.arrive $0xFFFF  }
0x2f: {  	_ =	shalt  }

</sc_bundles>
